<compile_context>
chip_gen: v7x
topology: tpu7x:2x2x1
jax: 0.10.2.dev20260603
libtpu: 0.0.44.dev20260713+nightly
codegen_flags: <defaults>
</compile_context>

<pallas_src>
import functools

import jax
import jax.numpy as jnp
from jax import lax
from jax.experimental import pallas as pl
from jax.experimental.pallas import tpu as pltpu
from jax.experimental.pallas import tpu_sc as plsc

NC, NS, L = 2, 16, 16
NW = NC * NS
CR = 2
CH = 80
NB = 4


def kernel(x, token_table, pos_table):
    B, T = x.shape
    V, D = token_table.shape
    RPW = B // NW
    NCH = RPW // CR
    CN = CR * T
    x_flat = x.reshape(-1).astype(jnp.int32)

    mesh = plsc.VectorSubcoreMesh(core_axis_name="c", subcore_axis_name="s")

    @functools.partial(
        pl.kernel,
        out_type=jax.ShapeDtypeStruct((B * T, D), jnp.float32),
        mesh=mesh,
        compiler_params=pltpu.CompilerParams(use_tc_tiling_on_sc=False),
        scratch_types=[
            [pltpu.VMEM((CN,), jnp.int32)] * NB,
            [pltpu.VMEM((CN, D), jnp.float32)] * NB,
            pltpu.VMEM((T, D), jnp.float32),
            [pltpu.SemaphoreType.DMA] * NB,
            [pltpu.SemaphoreType.DMA] * NB,
            [pltpu.SemaphoreType.DMA] * NB,
        ],
    )
    def k(x_hbm, tok_hbm, pos_hbm, out_hbm, idx, rows, pos_v, isem, gsem, ssem):
        c = lax.axis_index("c")
        s = lax.axis_index("s")
        base = (s * NC + c) * RPW * T

        pltpu.sync_copy(pos_hbm, pos_v)

        def ifetch(ci, b):
            pltpu.async_copy(x_hbm.at[pl.ds(base + ci * CN, CN)], idx[b],
                             isem[b])

        def ifetch_wait(b):
            pltpu.make_async_copy(x_hbm.at[pl.ds(0, CN)], idx[b],
                                  isem[b]).wait()

        def fire_gathers(b):
            for g in range(CN // CH):
                pltpu.async_copy(
                    tok_hbm.at[idx[b].at[pl.ds(g * CH, CH)]],
                    rows[b].at[pl.ds(g * CH, CH)], gsem[b])

        def wait_gathers(b):
            for g in range(CN // CH):
                pltpu.make_async_copy(
                    tok_hbm.at[idx[b].at[pl.ds(g * CH, CH)]],
                    rows[b].at[pl.ds(g * CH, CH)], gsem[b]).wait()

        def scatter_half(ci, b, h):
            pltpu.async_copy(
                rows[b].at[pl.ds(h * T, T)],
                out_hbm.at[pl.ds(base + ci * CN + h * T, T)], ssem[b])

        def scatter_wait(b):
            for h in range(CR):
                pltpu.make_async_copy(
                    rows[b].at[pl.ds(h * T, T)],
                    out_hbm.at[pl.ds(h * T, T)], ssem[b]).wait()

        def add_pos_half(b, rr):
            rb = rows[b]

            def body(i2, carry):
                for ii in range(2):
                    i = i2 * 2 + ii
                    for j in range(D // L):
                        sl = pl.ds(j * L, L)
                        plsc.addupdate(rb.at[rr * T + i, sl], pos_v[i, sl])
                return carry
            lax.fori_loop(0, T // 2, body, 0)

        for b in range(NB):
            ifetch(b, b)
        for b in range(2):
            ifetch_wait(b)
            fire_gathers(b)

        def outer(o, carry):
            for ph in range(NB):
                ci = NB * o + ph
                b2 = (ph + 2) % NB

                @pl.when(ci < NCH - 2)
                def _():
                    @pl.when(ci >= 2)
                    def _():
                        scatter_wait(b2)
                    ifetch_wait(b2)
                    fire_gathers(b2)

                wait_gathers(ph)

                @pl.when(ci < NCH - 4)
                def _():
                    ifetch(ci + 4, ph)
                for rr in range(CR):
                    add_pos_half(ph, rr)
                    scatter_half(ci, ph, rr)
            return carry

        lax.fori_loop(0, NCH // NB, outer, 0)
        for b in range(NB):
            scatter_wait(b)

    out = k(x_flat, token_table, pos_table)
    return out.reshape(B, T, D)

# --- scband reference (transcript-rebuilt; emitter-appended) ---
"""Pipeline reference for scband-token-and-position-embedding-11416023073371 (READ-ONLY COPY).

The authoritative reference and input builder live on the scoring server;
editing this copy changes nothing except your own understanding.
"""

import jax, jax.numpy as jnp
import numpy as np

MAXLEN = 200
VOCAB_SIZE = 100000
EMBED_DIM = 64
BATCH = 4096

def setup_inputs(seed: int = 0) -> dict:
    key = jax.random.key(seed)
    k1, k2, k3 = jax.random.split(key, 3)
    x = jax.random.randint(k1, (BATCH, MAXLEN), 0, VOCAB_SIZE, dtype=jnp.int64 if jax.config.jax_enable_x64 else jnp.int32)
    token_table = jax.random.normal(k2, (VOCAB_SIZE, EMBED_DIM), dtype=jnp.float32) * 0.05
    pos_table = jax.random.normal(k3, (MAXLEN, EMBED_DIM), dtype=jnp.float32) * 0.05
    return {"x": x, "token_table": token_table, "pos_table": pos_table}

def reference(x, token_table, pos_table):
    maxlen = x.shape[-1]
    positions = jnp.arange(maxlen)
    pos_emb = jnp.take(pos_table, positions, axis=0)          # [maxlen, embed_dim]
    tok_emb = jnp.take(token_table, x, axis=0)                # [batch, maxlen, embed_dim]
    return tok_emb + pos_emb[None, :, :]

if __name__ == "__main__":
    import jax
    _d = setup_inputs()
    print(jax.jit(kernel)(*tuple(_d.values())))

</pallas_src>

<mosaic_0001>
#map = affine_map<(d0, d1) -> (0)>
#map1 = affine_map<(d0, d1) -> (0, 0)>
module attributes {stable_mosaic.version = 14 : i64} {
  func.func @k(%arg0: i32, %arg1: i32, %arg2: memref<819200xi32, #tpu.memory_space<hbm>>, %arg3: memref<100000x64xf32, #tpu.memory_space<hbm>>, %arg4: memref<200x64xf32, #tpu.memory_space<hbm>>, %arg5: memref<819200x64xf32, #tpu.memory_space<hbm>>, %arg6: memref<400xi32, #tpu.memory_space<vmem>>, %arg7: memref<400xi32, #tpu.memory_space<vmem>>, %arg8: memref<400xi32, #tpu.memory_space<vmem>>, %arg9: memref<400xi32, #tpu.memory_space<vmem>>, %arg10: memref<400x64xf32, #tpu.memory_space<vmem>>, %arg11: memref<400x64xf32, #tpu.memory_space<vmem>>, %arg12: memref<400x64xf32, #tpu.memory_space<vmem>>, %arg13: memref<400x64xf32, #tpu.memory_space<vmem>>, %arg14: memref<200x64xf32, #tpu.memory_space<vmem>>, %arg15: memref<!tpu.dma_semaphore, #tpu.memory_space<semaphore_mem>>, %arg16: memref<!tpu.dma_semaphore, #tpu.memory_space<semaphore_mem>>, %arg17: memref<!tpu.dma_semaphore, #tpu.memory_space<semaphore_mem>>, %arg18: memref<!tpu.dma_semaphore, #tpu.memory_space<semaphore_mem>>, %arg19: memref<!tpu.dma_semaphore, #tpu.memory_space<semaphore_mem>>, %arg20: memref<!tpu.dma_semaphore, #tpu.memory_space<semaphore_mem>>, %arg21: memref<!tpu.dma_semaphore, #tpu.memory_space<semaphore_mem>>, %arg22: memref<!tpu.dma_semaphore, #tpu.memory_space<semaphore_mem>>, %arg23: memref<!tpu.dma_semaphore, #tpu.memory_space<semaphore_mem>>, %arg24: memref<!tpu.dma_semaphore, #tpu.memory_space<semaphore_mem>>, %arg25: memref<!tpu.dma_semaphore, #tpu.memory_space<semaphore_mem>>, %arg26: memref<!tpu.dma_semaphore, #tpu.memory_space<semaphore_mem>>) attributes {dimension_semantics = [#tpu.dimension_semantics<core_parallel>, #tpu.dimension_semantics<subcore_parallel>], iteration_bounds = array<i64: 2, 16>, scalar_prefetch = 0 : i64, scratch_operands = 21 : i64, tpu.core_type = #tpu.core_type<sc_vector_subcore>, window_params = [{transform_indices = #map}, {transform_indices = #map1}, {transform_indices = #map1}, {transform_indices = #map1}]} {
    %mul3A = arith.constant 2 : i32
    %mul3A_0 = arith.muli %arg1, %mul3A : i32
    %add3A = arith.addi %mul3A_0, %arg0 : i32
    %mul3A_1 = arith.constant 128 : i32
    %mul3A_2 = arith.muli %add3A, %mul3A_1 : i32
    %mul3A_3 = arith.constant 200 : i32
    %mul3A_4 = arith.muli %mul3A_2, %mul3A_3 : i32
    "tpu.region"() ({
      %run_scoped3A = tpu.sem_alloc : memref<!tpu.dma_semaphore, #tpu.memory_space<semaphore_mem>>
      tpu.enqueue_dma source(%arg4 : memref<200x64xf32, #tpu.memory_space<hbm>>) target(%arg14 : memref<200x64xf32, #tpu.memory_space<vmem>>) target_semaphore(%run_scoped3A : memref<!tpu.dma_semaphore, #tpu.memory_space<semaphore_mem>>)
      tpu.wait_dma2 semaphore(%run_scoped3A : memref<!tpu.dma_semaphore, #tpu.memory_space<semaphore_mem>>) src(%arg4 : memref<200x64xf32, #tpu.memory_space<hbm>>) dst(%arg14 : memref<200x64xf32, #tpu.memory_space<vmem>>)
      tpu.yield
    }) : () -> ()
    %add3A_5 = arith.constant 0 : i32
    %add3A_6 = arith.addi %mul3A_4, %add3A_5 : i32
    %dma_start3A = tpu.memref_slice %arg2[%add3A_6] : memref<819200xi32, #tpu.memory_space<hbm>> -> memref<400xi32, #tpu.memory_space<hbm>>
    %dma_start3A_7 = tpu.memref_slice %arg2[%add3A_6] : memref<819200xi32, #tpu.memory_space<hbm>> -> memref<400xi32, #tpu.memory_space<hbm>>
    tpu.enqueue_dma source(%dma_start3A_7 : memref<400xi32, #tpu.memory_space<hbm>>) target(%arg6 : memref<400xi32, #tpu.memory_space<vmem>>) target_semaphore(%arg15 : memref<!tpu.dma_semaphore, #tpu.memory_space<semaphore_mem>>)
    %add3A_8 = arith.constant 400 : i32
    %add3A_9 = arith.addi %mul3A_4, %add3A_8 : i32
    %dma_start3A_10 = tpu.memref_slice %arg2[%add3A_9] : memref<819200xi32, #tpu.memory_space<hbm>> -> memref<400xi32, #tpu.memory_space<hbm>>
    %dma_start3A_11 = tpu.memref_slice %arg2[%add3A_9] : memref<819200xi32, #tpu.memory_space<hbm>> -> memref<400xi32, #tpu.memory_space<hbm>>
    tpu.enqueue_dma source(%dma_start3A_11 : memref<400xi32, #tpu.memory_space<hbm>>) target(%arg7 : memref<400xi32, #tpu.memory_space<vmem>>) target_semaphore(%arg16 : memref<!tpu.dma_semaphore, #tpu.memory_space<semaphore_mem>>)
    %add3A_12 = arith.constant 800 : i32
    %add3A_13 = arith.addi %mul3A_4, %add3A_12 : i32
    %dma_start3A_14 = tpu.memref_slice %arg2[%add3A_13] : memref<819200xi32, #tpu.memory_space<hbm>> -> memref<400xi32, #tpu.memory_space<hbm>>
    %dma_start3A_15 = tpu.memref_slice %arg2[%add3A_13] : memref<819200xi32, #tpu.memory_space<hbm>> -> memref<400xi32, #tpu.memory_space<hbm>>
    tpu.enqueue_dma source(%dma_start3A_15 : memref<400xi32, #tpu.memory_space<hbm>>) target(%arg8 : memref<400xi32, #tpu.memory_space<vmem>>) target_semaphore(%arg17 : memref<!tpu.dma_semaphore, #tpu.memory_space<semaphore_mem>>)
    %add3A_16 = arith.constant 1200 : i32
    %add3A_17 = arith.addi %mul3A_4, %add3A_16 : i32
    %dma_start3A_18 = tpu.memref_slice %arg2[%add3A_17] : memref<819200xi32, #tpu.memory_space<hbm>> -> memref<400xi32, #tpu.memory_space<hbm>>
    %dma_start3A_19 = tpu.memref_slice %arg2[%add3A_17] : memref<819200xi32, #tpu.memory_space<hbm>> -> memref<400xi32, #tpu.memory_space<hbm>>
    tpu.enqueue_dma source(%dma_start3A_19 : memref<400xi32, #tpu.memory_space<hbm>>) target(%arg9 : memref<400xi32, #tpu.memory_space<vmem>>) target_semaphore(%arg18 : memref<!tpu.dma_semaphore, #tpu.memory_space<semaphore_mem>>)
    %dma_wait3A = arith.constant 0 : i32
    %dma_wait3A_20 = tpu.memref_slice %arg2[%dma_wait3A] : memref<819200xi32, #tpu.memory_space<hbm>> -> memref<400xi32, #tpu.memory_space<hbm>>
    %dma_wait3A_21 = arith.constant 0 : i32
    %dma_wait3A_22 = tpu.memref_slice %arg2[%dma_wait3A_21] : memref<819200xi32, #tpu.memory_space<hbm>> -> memref<400xi32, #tpu.memory_space<hbm>>
    tpu.wait_dma2 semaphore(%arg15 : memref<!tpu.dma_semaphore, #tpu.memory_space<semaphore_mem>>) src(%dma_wait3A_22 : memref<400xi32, #tpu.memory_space<hbm>>) dst(%arg6 : memref<400xi32, #tpu.memory_space<vmem>>)
    %dma_start3A_23 = arith.constant 0 : i32
    %dma_start3A_24 = arith.constant 0 : i32
    %dma_start3A_25 = tpu.memref_slice %arg10[%dma_start3A_23, %dma_start3A_24] : memref<400x64xf32, #tpu.memory_space<vmem>> -> memref<80x64xf32, #tpu.memory_space<vmem>>
    %dma_start3A_26 = arith.constant 0 : i32
    %dma_start3A_27 = tpu.memref_slice %arg6[%dma_start3A_26] : memref<400xi32, #tpu.memory_space<vmem>> -> memref<80xi32, #tpu.memory_space<vmem>>
    %dma_start3A_28 = arith.constant 0 : i32
    %dma_start3A_29 = arith.constant 0 : i32
    %dma_start3A_30 = tpu.memref_slice %arg3[%dma_start3A_28, %dma_start3A_29] : memref<100000x64xf32, #tpu.memory_space<hbm>> -> memref<100000x64xf32, #tpu.memory_space<hbm>>
    tpu.enqueue_indirect_dma source(%dma_start3A_30 : memref<100000x64xf32, #tpu.memory_space<hbm>>) target(%dma_start3A_25 : memref<80x64xf32, #tpu.memory_space<vmem>>) offsets(%dma_start3A_27 : memref<80xi32, #tpu.memory_space<vmem>>) semaphore(%arg19 : memref<!tpu.dma_semaphore, #tpu.memory_space<semaphore_mem>>)
    %dma_start3A_31 = arith.constant 80 : i32
    %dma_start3A_32 = arith.constant 0 : i32
    %dma_start3A_33 = tpu.memref_slice %arg10[%dma_start3A_31, %dma_start3A_32] : memref<400x64xf32, #tpu.memory_space<vmem>> -> memref<80x64xf32, #tpu.memory_space<vmem>>
    %dma_start3A_34 = arith.constant 80 : i32
    %dma_start3A_35 = tpu.memref_slice %arg6[%dma_start3A_34] : memref<400xi32, #tpu.memory_space<vmem>> -> memref<80xi32, #tpu.memory_space<vmem>>
    %dma_start3A_36 = arith.constant 0 : i32
    %dma_start3A_37 = arith.constant 0 : i32
    %dma_start3A_38 = tpu.memref_slice %arg3[%dma_start3A_36, %dma_start3A_37] : memref<100000x64xf32, #tpu.memory_space<hbm>> -> memref<100000x64xf32, #tpu.memory_space<hbm>>
    tpu.enqueue_indirect_dma source(%dma_start3A_38 : memref<100000x64xf32, #tpu.memory_space<hbm>>) target(%dma_start3A_33 : memref<80x64xf32, #tpu.memory_space<vmem>>) offsets(%dma_start3A_35 : memref<80xi32, #tpu.memory_space<vmem>>) semaphore(%arg19 : memref<!tpu.dma_semaphore, #tpu.memory_space<semaphore_mem>>)
    %dma_start3A_39 = arith.constant 160 : i32
    %dma_start3A_40 = arith.constant 0 : i32
    %dma_start3A_41 = tpu.memref_slice %arg10[%dma_start3A_39, %dma_start3A_40] : memref<400x64xf32, #tpu.memory_space<vmem>> -> memref<80x64xf32, #tpu.memory_space<vmem>>
    %dma_start3A_42 = arith.constant 160 : i32
    %dma_start3A_43 = tpu.memref_slice %arg6[%dma_start3A_42] : memref<400xi32, #tpu.memory_space<vmem>> -> memref<80xi32, #tpu.memory_space<vmem>>
    %dma_start3A_44 = arith.constant 0 : i32
    %dma_start3A_45 = arith.constant 0 : i32
    %dma_start3A_46 = tpu.memref_slice %arg3[%dma_start3A_44, %dma_start3A_45] : memref<100000x64xf32, #tpu.memory_space<hbm>> -> memref<100000x64xf32, #tpu.memory_space<hbm>>
    tpu.enqueue_indirect_dma source(%dma_start3A_46 : memref<100000x64xf32, #tpu.memory_space<hbm>>) target(%dma_start3A_41 : memref<80x64xf32, #tpu.memory_space<vmem>>) offsets(%dma_start3A_43 : memref<80xi32, #tpu.memory_space<vmem>>) semaphore(%arg19 : memref<!tpu.dma_semaphore, #tpu.memory_space<semaphore_mem>>)
    %dma_start3A_47 = arith.constant 240 : i32
    %dma_start3A_48 = arith.constant 0 : i32
    %dma_start3A_49 = tpu.memref_slice %arg10[%dma_start3A_47, %dma_start3A_48] : memref<400x64xf32, #tpu.memory_space<vmem>> -> memref<80x64xf32, #tpu.memory_space<vmem>>
    %dma_start3A_50 = arith.constant 240 : i32
    %dma_start3A_51 = tpu.memref_slice %arg6[%dma_start3A_50] : memref<400xi32, #tpu.memory_space<vmem>> -> memref<80xi32, #tpu.memory_space<vmem>>
    %dma_start3A_52 = arith.constant 0 : i32
    %dma_start3A_53 = arith.constant 0 : i32
    %dma_start3A_54 = tpu.memref_slice %arg3[%dma_start3A_52, %dma_start3A_53] : memref<100000x64xf32, #tpu.memory_space<hbm>> -> memref<100000x64xf32, #tpu.memory_space<hbm>>
    tpu.enqueue_indirect_dma source(%dma_start3A_54 : memref<100000x64xf32, #tpu.memory_space<hbm>>) target(%dma_start3A_49 : memref<80x64xf32, #tpu.memory_space<vmem>>) offsets(%dma_start3A_51 : memref<80xi32, #tpu.memory_space<vmem>>) semaphore(%arg19 : memref<!tpu.dma_semaphore, #tpu.memory_space<semaphore_mem>>)
    %dma_start3A_55 = arith.constant 320 : i32
    %dma_start3A_56 = arith.constant 0 : i32
    %dma_start3A_57 = tpu.memref_slice %arg10[%dma_start3A_55, %dma_start3A_56] : memref<400x64xf32, #tpu.memory_space<vmem>> -> memref<80x64xf32, #tpu.memory_space<vmem>>
    %dma_start3A_58 = arith.constant 320 : i32
    %dma_start3A_59 = tpu.memref_slice %arg6[%dma_start3A_58] : memref<400xi32, #tpu.memory_space<vmem>> -> memref<80xi32, #tpu.memory_space<vmem>>
    %dma_start3A_60 = arith.constant 0 : i32
    %dma_start3A_61 = arith.constant 0 : i32
    %dma_start3A_62 = tpu.memref_slice %arg3[%dma_start3A_60, %dma_start3A_61] : memref<100000x64xf32, #tpu.memory_space<hbm>> -> memref<100000x64xf32, #tpu.memory_space<hbm>>
    tpu.enqueue_indirect_dma source(%dma_start3A_62 : memref<100000x64xf32, #tpu.memory_space<hbm>>) target(%dma_start3A_57 : memref<80x64xf32, #tpu.memory_space<vmem>>) offsets(%dma_start3A_59 : memref<80xi32, #tpu.memory_space<vmem>>) semaphore(%arg19 : memref<!tpu.dma_semaphore, #tpu.memory_space<semaphore_mem>>)
    %dma_wait3A_63 = arith.constant 0 : i32
    %dma_wait3A_64 = tpu.memref_slice %arg2[%dma_wait3A_63] : memref<819200xi32, #tpu.memory_space<hbm>> -> memref<400xi32, #tpu.memory_space<hbm>>
    %dma_wait3A_65 = arith.constant 0 : i32
    %dma_wait3A_66 = tpu.memref_slice %arg2[%dma_wait3A_65] : memref<819200xi32, #tpu.memory_space<hbm>> -> memref<400xi32, #tpu.memory_space<hbm>>
    tpu.wait_dma2 semaphore(%arg16 : memref<!tpu.dma_semaphore, #tpu.memory_space<semaphore_mem>>) src(%dma_wait3A_66 : memref<400xi32, #tpu.memory_space<hbm>>) dst(%arg7 : memref<400xi32, #tpu.memory_space<vmem>>)
    %dma_start3A_67 = arith.constant 0 : i32
    %dma_start3A_68 = arith.constant 0 : i32
    %dma_start3A_69 = tpu.memref_slice %arg11[%dma_start3A_67, %dma_start3A_68] : memref<400x64xf32, #tpu.memory_space<vmem>> -> memref<80x64xf32, #tpu.memory_space<vmem>>
    %dma_start3A_70 = arith.constant 0 : i32
    %dma_start3A_71 = tpu.memref_slice %arg7[%dma_start3A_70] : memref<400xi32, #tpu.memory_space<vmem>> -> memref<80xi32, #tpu.memory_space<vmem>>
    %dma_start3A_72 = arith.constant 0 : i32
    %dma_start3A_73 = arith.constant 0 : i32
    %dma_start3A_74 = tpu.memref_slice %arg3[%dma_start3A_72, %dma_start3A_73] : memref<100000x64xf32, #tpu.memory_space<hbm>> -> memref<100000x64xf32, #tpu.memory_space<hbm>>
    tpu.enqueue_indirect_dma source(%dma_start3A_74 : memref<100000x64xf32, #tpu.memory_space<hbm>>) target(%dma_start3A_69 : memref<80x64xf32, #tpu.memory_space<vmem>>) offsets(%dma_start3A_71 : memref<80xi32, #tpu.memory_space<vmem>>) semaphore(%arg20 : memref<!tpu.dma_semaphore, #tpu.memory_space<semaphore_mem>>)
    %dma_start3A_75 = arith.constant 80 : i32
    %dma_start3A_76 = arith.constant 0 : i32
    %dma_start3A_77 = tpu.memref_slice %arg11[%dma_start3A_75, %dma_start3A_76] : memref<400x64xf32, #tpu.memory_space<vmem>> -> memref<80x64xf32, #tpu.memory_space<vmem>>
    %dma_start3A_78 = arith.constant 80 : i32
    %dma_start3A_79 = tpu.memref_slice %arg7[%dma_start3A_78] : memref<400xi32, #tpu.memory_space<vmem>> -> memref<80xi32, #tpu.memory_space<vmem>>
    %dma_start3A_80 = arith.constant 0 : i32
    %dma_start3A_81 = arith.constant 0 : i32
    %dma_start3A_82 = tpu.memref_slice %arg3[%dma_start3A_80, %dma_start3A_81] : memref<100000x64xf32, #tpu.memory_space<hbm>> -> memref<100000x64xf32, #tpu.memory_space<hbm>>
    tpu.enqueue_indirect_dma source(%dma_start3A_82 : memref<100000x64xf32, #tpu.memory_space<hbm>>) target(%dma_start3A_77 : memref<80x64xf32, #tpu.memory_space<vmem>>) offsets(%dma_start3A_79 : memref<80xi32, #tpu.memory_space<vmem>>) semaphore(%arg20 : memref<!tpu.dma_semaphore, #tpu.memory_space<semaphore_mem>>)
    %dma_start3A_83 = arith.constant 160 : i32
    %dma_start3A_84 = arith.constant 0 : i32
    %dma_start3A_85 = tpu.memref_slice %arg11[%dma_start3A_83, %dma_start3A_84] : memref<400x64xf32, #tpu.memory_space<vmem>> -> memref<80x64xf32, #tpu.memory_space<vmem>>
    %dma_start3A_86 = arith.constant 160 : i32
    %dma_start3A_87 = tpu.memref_slice %arg7[%dma_start3A_86] : memref<400xi32, #tpu.memory_space<vmem>> -> memref<80xi32, #tpu.memory_space<vmem>>
    %dma_start3A_88 = arith.constant 0 : i32
    %dma_start3A_89 = arith.constant 0 : i32
    %dma_start3A_90 = tpu.memref_slice %arg3[%dma_start3A_88, %dma_start3A_89] : memref<100000x64xf32, #tpu.memory_space<hbm>> -> memref<100000x64xf32, #tpu.memory_space<hbm>>
    tpu.enqueue_indirect_dma source(%dma_start3A_90 : memref<100000x64xf32, #tpu.memory_space<hbm>>) target(%dma_start3A_85 : memref<80x64xf32, #tpu.memory_space<vmem>>) offsets(%dma_start3A_87 : memref<80xi32, #tpu.memory_space<vmem>>) semaphore(%arg20 : memref<!tpu.dma_semaphore, #tpu.memory_space<semaphore_mem>>)
    %dma_start3A_91 = arith.constant 240 : i32
    %dma_start3A_92 = arith.constant 0 : i32
    %dma_start3A_93 = tpu.memref_slice %arg11[%dma_start3A_91, %dma_start3A_92] : memref<400x64xf32, #tpu.memory_space<vmem>> -> memref<80x64xf32, #tpu.memory_space<vmem>>
    %dma_start3A_94 = arith.constant 240 : i32
    %dma_start3A_95 = tpu.memref_slice %arg7[%dma_start3A_94] : memref<400xi32, #tpu.memory_space<vmem>> -> memref<80xi32, #tpu.memory_space<vmem>>
    %dma_start3A_96 = arith.constant 0 : i32
    %dma_start3A_97 = arith.constant 0 : i32
    %dma_start3A_98 = tpu.memref_slice %arg3[%dma_start3A_96, %dma_start3A_97] : memref<100000x64xf32, #tpu.memory_space<hbm>> -> memref<100000x64xf32, #tpu.memory_space<hbm>>
    tpu.enqueue_indirect_dma source(%dma_start3A_98 : memref<100000x64xf32, #tpu.memory_space<hbm>>) target(%dma_start3A_93 : memref<80x64xf32, #tpu.memory_space<vmem>>) offsets(%dma_start3A_95 : memref<80xi32, #tpu.memory_space<vmem>>) semaphore(%arg20 : memref<!tpu.dma_semaphore, #tpu.memory_space<semaphore_mem>>)
    %dma_start3A_99 = arith.constant 320 : i32
    %dma_start3A_100 = arith.constant 0 : i32
    %dma_start3A_101 = tpu.memref_slice %arg11[%dma_start3A_99, %dma_start3A_100] : memref<400x64xf32, #tpu.memory_space<vmem>> -> memref<80x64xf32, #tpu.memory_space<vmem>>
    %dma_start3A_102 = arith.constant 320 : i32
    %dma_start3A_103 = tpu.memref_slice %arg7[%dma_start3A_102] : memref<400xi32, #tpu.memory_space<vmem>> -> memref<80xi32, #tpu.memory_space<vmem>>
    %dma_start3A_104 = arith.constant 0 : i32
    %dma_start3A_105 = arith.constant 0 : i32
    %dma_start3A_106 = tpu.memref_slice %arg3[%dma_start3A_104, %dma_start3A_105] : memref<100000x64xf32, #tpu.memory_space<hbm>> -> memref<100000x64xf32, #tpu.memory_space<hbm>>
    tpu.enqueue_indirect_dma source(%dma_start3A_106 : memref<100000x64xf32, #tpu.memory_space<hbm>>) target(%dma_start3A_101 : memref<80x64xf32, #tpu.memory_space<vmem>>) offsets(%dma_start3A_103 : memref<80xi32, #tpu.memory_space<vmem>>) semaphore(%arg20 : memref<!tpu.dma_semaphore, #tpu.memory_space<semaphore_mem>>)
    %scan3A = arith.constant 0 : i32
    %scan3A_107 = arith.constant 0 : i32
    %scan3A_108 = arith.constant 16 : i32
    %scan3A_109 = arith.addi %scan3A_107, %scan3A_108 : i32
    %scan3A_110 = arith.constant 1 : i32
    scf.for %scan3A_208 = %scan3A_107 to %scan3A_109 step %scan3A_110  : i32 {
      %mul3A_209 = arith.constant 4 : i32
      %mul3A_210 = arith.muli %mul3A_209, %scan3A_208 : i32
      %add3A_211 = arith.constant 0 : i32
      %add3A_212 = arith.addi %mul3A_210, %add3A_211 : i32
      %lt3A = arith.constant 62 : i32
      %lt3A_213 = arith.cmpi slt, %add3A_212, %lt3A : i32
      %convert_element_type3A = arith.extui %lt3A_213 : i1 to i32
      %cond3A = arith.constant 0 : i32
      %cond3A_214 = arith.cmpi ne, %convert_element_type3A, %cond3A : i32
      scf.if %cond3A_214 {
        %ge3A = arith.constant 2 : i32
        %ge3A_590 = arith.cmpi sge, %add3A_212, %ge3A : i32
        %convert_element_type3A_591 = arith.extui %ge3A_590 : i1 to i32
        %cond3A_592 = arith.constant 0 : i32
        %cond3A_593 = arith.cmpi ne, %convert_element_type3A_591, %cond3A_592 : i32
        scf.if %cond3A_593 {
          %dma_wait3A_638 = arith.constant 0 : i32
          %dma_wait3A_639 = arith.constant 0 : i32
          %dma_wait3A_640 = tpu.memref_slice %arg12[%dma_wait3A_638, %dma_wait3A_639] : memref<400x64xf32, #tpu.memory_space<vmem>> -> memref<200x64xf32, #tpu.memory_space<vmem>>
          %dma_wait3A_641 = arith.constant 0 : i32
          %dma_wait3A_642 = arith.constant 0 : i32
          %dma_wait3A_643 = tpu.memref_slice %arg5[%dma_wait3A_641, %dma_wait3A_642] : memref<819200x64xf32, #tpu.memory_space<hbm>> -> memref<200x64xf32, #tpu.memory_space<hbm>>
          %dma_wait3A_644 = arith.constant 0 : i32
          %dma_wait3A_645 = arith.constant 0 : i32
          %dma_wait3A_646 = tpu.memref_slice %arg5[%dma_wait3A_644, %dma_wait3A_645] : memref<819200x64xf32, #tpu.memory_space<hbm>> -> memref<200x64xf32, #tpu.memory_space<hbm>>
          %dma_wait3A_647 = arith.constant 0 : i32
          %dma_wait3A_648 = arith.constant 0 : i32
          %dma_wait3A_649 = tpu.memref_slice %arg12[%dma_wait3A_647, %dma_wait3A_648] : memref<400x64xf32, #tpu.memory_space<vmem>> -> memref<200x64xf32, #tpu.memory_space<vmem>>
          tpu.wait_dma2 semaphore(%arg25 : memref<!tpu.dma_semaphore, #tpu.memory_space<semaphore_mem>>) src(%dma_wait3A_649 : memref<200x64xf32, #tpu.memory_space<vmem>>) dst(%dma_wait3A_646 : memref<200x64xf32, #tpu.memory_space<hbm>>)
          %dma_wait3A_650 = arith.constant 200 : i32
          %dma_wait3A_651 = arith.constant 0 : i32
          %dma_wait3A_652 = tpu.memref_slice %arg12[%dma_wait3A_650, %dma_wait3A_651] : memref<400x64xf32, #tpu.memory_space<vmem>> -> memref<200x64xf32, #tpu.memory_space<vmem>>
          %dma_wait3A_653 = arith.constant 200 : i32
          %dma_wait3A_654 = arith.constant 0 : i32
          %dma_wait3A_655 = tpu.memref_slice %arg5[%dma_wait3A_653, %dma_wait3A_654] : memref<819200x64xf32, #tpu.memory_space<hbm>> -> memref<200x64xf32, #tpu.memory_space<hbm>>
          %dma_wait3A_656 = arith.constant 200 : i32
          %dma_wait3A_657 = arith.constant 0 : i32
          %dma_wait3A_658 = tpu.memref_slice %arg5[%dma_wait3A_656, %dma_wait3A_657] : memref<819200x64xf32, #tpu.memory_space<hbm>> -> memref<200x64xf32, #tpu.memory_space<hbm>>
          %dma_wait3A_659 = arith.constant 200 : i32
          %dma_wait3A_660 = arith.constant 0 : i32
          %dma_wait3A_661 = tpu.memref_slice %arg12[%dma_wait3A_659, %dma_wait3A_660] : memref<400x64xf32, #tpu.memory_space<vmem>> -> memref<200x64xf32, #tpu.memory_space<vmem>>
          tpu.wait_dma2 semaphore(%arg25 : memref<!tpu.dma_semaphore, #tpu.memory_space<semaphore_mem>>) src(%dma_wait3A_661 : memref<200x64xf32, #tpu.memory_space<vmem>>) dst(%dma_wait3A_658 : memref<200x64xf32, #tpu.memory_space<hbm>>)
        } else {
        }
        %dma_wait3A_594 = arith.constant 0 : i32
        %dma_wait3A_595 = tpu.memref_slice %arg2[%dma_wait3A_594] : memref<819200xi32, #tpu.memory_space<hbm>> -> memref<400xi32, #tpu.memory_space<hbm>>
        %dma_wait3A_596 = arith.constant 0 : i32
        %dma_wait3A_597 = tpu.memref_slice %arg2[%dma_wait3A_596] : memref<819200xi32, #tpu.memory_space<hbm>> -> memref<400xi32, #tpu.memory_space<hbm>>
        tpu.wait_dma2 semaphore(%arg17 : memref<!tpu.dma_semaphore, #tpu.memory_space<semaphore_mem>>) src(%dma_wait3A_597 : memref<400xi32, #tpu.memory_space<hbm>>) dst(%arg8 : memref<400xi32, #tpu.memory_space<vmem>>)
        %dma_start3A_598 = arith.constant 0 : i32
        %dma_start3A_599 = arith.constant 0 : i32
        %dma_start3A_600 = tpu.memref_slice %arg12[%dma_start3A_598, %dma_start3A_599] : memref<400x64xf32, #tpu.memory_space<vmem>> -> memref<80x64xf32, #tpu.memory_space<vmem>>
        %dma_start3A_601 = arith.constant 0 : i32
        %dma_start3A_602 = tpu.memref_slice %arg8[%dma_start3A_601] : memref<400xi32, #tpu.memory_space<vmem>> -> memref<80xi32, #tpu.memory_space<vmem>>
        %dma_start3A_603 = arith.constant 0 : i32
        %dma_start3A_604 = arith.constant 0 : i32
        %dma_start3A_605 = tpu.memref_slice %arg3[%dma_start3A_603, %dma_start3A_604] : memref<100000x64xf32, #tpu.memory_space<hbm>> -> memref<100000x64xf32, #tpu.memory_space<hbm>>
        tpu.enqueue_indirect_dma source(%dma_start3A_605 : memref<100000x64xf32, #tpu.memory_space<hbm>>) target(%dma_start3A_600 : memref<80x64xf32, #tpu.memory_space<vmem>>) offsets(%dma_start3A_602 : memref<80xi32, #tpu.memory_space<vmem>>) semaphore(%arg21 : memref<!tpu.dma_semaphore, #tpu.memory_space<semaphore_mem>>)
        %dma_start3A_606 = arith.constant 80 : i32
        %dma_start3A_607 = arith.constant 0 : i32
        %dma_start3A_608 = tpu.memref_slice %arg12[%dma_start3A_606, %dma_start3A_607] : memref<400x64xf32, #tpu.memory_space<vmem>> -> memref<80x64xf32, #tpu.memory_space<vmem>>
        %dma_start3A_609 = arith.constant 80 : i32
        %dma_start3A_610 = tpu.memref_slice %arg8[%dma_start3A_609] : memref<400xi32, #tpu.memory_space<vmem>> -> memref<80xi32, #tpu.memory_space<vmem>>
        %dma_start3A_611 = arith.constant 0 : i32
        %dma_start3A_612 = arith.constant 0 : i32
        %dma_start3A_613 = tpu.memref_slice %arg3[%dma_start3A_611, %dma_start3A_612] : memref<100000x64xf32, #tpu.memory_space<hbm>> -> memref<100000x64xf32, #tpu.memory_space<hbm>>
        tpu.enqueue_indirect_dma source(%dma_start3A_613 : memref<100000x64xf32, #tpu.memory_space<hbm>>) target(%dma_start3A_608 : memref<80x64xf32, #tpu.memory_space<vmem>>) offsets(%dma_start3A_610 : memref<80xi32, #tpu.memory_space<vmem>>) semaphore(%arg21 : memref<!tpu.dma_semaphore, #tpu.memory_space<semaphore_mem>>)
        %dma_start3A_614 = arith.constant 160 : i32
        %dma_start3A_615 = arith.constant 0 : i32
        %dma_start3A_616 = tpu.memref_slice %arg12[%dma_start3A_614, %dma_start3A_615] : memref<400x64xf32, #tpu.memory_space<vmem>> -> memref<80x64xf32, #tpu.memory_space<vmem>>
        %dma_start3A_617 = arith.constant 160 : i32
        %dma_start3A_618 = tpu.memref_slice %arg8[%dma_start3A_617] : memref<400xi32, #tpu.memory_space<vmem>> -> memref<80xi32, #tpu.memory_space<vmem>>
        %dma_start3A_619 = arith.constant 0 : i32
        %dma_start3A_620 = arith.constant 0 : i32
        %dma_start3A_621 = tpu.memref_slice %arg3[%dma_start3A_619, %dma_start3A_620] : memref<100000x64xf32, #tpu.memory_space<hbm>> -> memref<100000x64xf32, #tpu.memory_space<hbm>>
        tpu.enqueue_indirect_dma source(%dma_start3A_621 : memref<100000x64xf32, #tpu.memory_space<hbm>>) target(%dma_start3A_616 : memref<80x64xf32, #tpu.memory_space<vmem>>) offsets(%dma_start3A_618 : memref<80xi32, #tpu.memory_space<vmem>>) semaphore(%arg21 : memref<!tpu.dma_semaphore, #tpu.memory_space<semaphore_mem>>)
        %dma_start3A_622 = arith.constant 240 : i32
        %dma_start3A_623 = arith.constant 0 : i32
        %dma_start3A_624 = tpu.memref_slice %arg12[%dma_start3A_622, %dma_start3A_623] : memref<400x64xf32, #tpu.memory_space<vmem>> -> memref<80x64xf32, #tpu.memory_space<vmem>>
        %dma_start3A_625 = arith.constant 240 : i32
        %dma_start3A_626 = tpu.memref_slice %arg8[%dma_start3A_625] : memref<400xi32, #tpu.memory_space<vmem>> -> memref<80xi32, #tpu.memory_space<vmem>>
        %dma_start3A_627 = arith.constant 0 : i32
        %dma_start3A_628 = arith.constant 0 : i32
        %dma_start3A_629 = tpu.memref_slice %arg3[%dma_start3A_627, %dma_start3A_628] : memref<100000x64xf32, #tpu.memory_space<hbm>> -> memref<100000x64xf32, #tpu.memory_space<hbm>>
        tpu.enqueue_indirect_dma source(%dma_start3A_629 : memref<100000x64xf32, #tpu.memory_space<hbm>>) target(%dma_start3A_624 : memref<80x64xf32, #tpu.memory_space<vmem>>) offsets(%dma_start3A_626 : memref<80xi32, #tpu.memory_space<vmem>>) semaphore(%arg21 : memref<!tpu.dma_semaphore, #tpu.memory_space<semaphore_mem>>)
        %dma_start3A_630 = arith.constant 320 : i32
        %dma_start3A_631 = arith.constant 0 : i32
        %dma_start3A_632 = tpu.memref_slice %arg12[%dma_start3A_630, %dma_start3A_631] : memref<400x64xf32, #tpu.memory_space<vmem>> -> memref<80x64xf32, #tpu.memory_space<vmem>>
        %dma_start3A_633 = arith.constant 320 : i32
        %dma_start3A_634 = tpu.memref_slice %arg8[%dma_start3A_633] : memref<400xi32, #tpu.memory_space<vmem>> -> memref<80xi32, #tpu.memory_space<vmem>>
        %dma_start3A_635 = arith.constant 0 : i32
        %dma_start3A_636 = arith.constant 0 : i32
        %dma_start3A_637 = tpu.memref_slice %arg3[%dma_start3A_635, %dma_start3A_636] : memref<100000x64xf32, #tpu.memory_space<hbm>> -> memref<100000x64xf32, #tpu.memory_space<hbm>>
        tpu.enqueue_indirect_dma source(%dma_start3A_637 : memref<100000x64xf32, #tpu.memory_space<hbm>>) target(%dma_start3A_632 : memref<80x64xf32, #tpu.memory_space<vmem>>) offsets(%dma_start3A_634 : memref<80xi32, #tpu.memory_space<vmem>>) semaphore(%arg21 : memref<!tpu.dma_semaphore, #tpu.memory_space<semaphore_mem>>)
      } else {
      }
      %dma_wait3A_215 = arith.constant 0 : i32
      %dma_wait3A_216 = arith.constant 0 : i32
      %dma_wait3A_217 = tpu.memref_slice %arg10[%dma_wait3A_215, %dma_wait3A_216] : memref<400x64xf32, #tpu.memory_space<vmem>> -> memref<80x64xf32, #tpu.memory_space<vmem>>
      %dma_wait3A_218 = arith.constant 0 : i32
      %dma_wait3A_219 = tpu.memref_slice %arg6[%dma_wait3A_218] : memref<400xi32, #tpu.memory_space<vmem>> -> memref<80xi32, #tpu.memory_space<vmem>>
      %dma_wait3A_220 = arith.constant 0 : i32
      %dma_wait3A_221 = arith.constant 0 : i32
      %dma_wait3A_222 = tpu.memref_slice %arg3[%dma_wait3A_220, %dma_wait3A_221] : memref<100000x64xf32, #tpu.memory_space<hbm>> -> memref<100000x64xf32, #tpu.memory_space<hbm>>
      tpu.wait_indirect_dma semaphore(%arg19 : memref<!tpu.dma_semaphore, #tpu.memory_space<semaphore_mem>>) src(%dma_wait3A_222 : memref<100000x64xf32, #tpu.memory_space<hbm>>) dst(%dma_wait3A_217 : memref<80x64xf32, #tpu.memory_space<vmem>>)
      %dma_wait3A_223 = arith.constant 80 : i32
      %dma_wait3A_224 = arith.constant 0 : i32
      %dma_wait3A_225 = tpu.memref_slice %arg10[%dma_wait3A_223, %dma_wait3A_224] : memref<400x64xf32, #tpu.memory_space<vmem>> -> memref<80x64xf32, #tpu.memory_space<vmem>>
      %dma_wait3A_226 = arith.constant 80 : i32
      %dma_wait3A_227 = tpu.memref_slice %arg6[%dma_wait3A_226] : memref<400xi32, #tpu.memory_space<vmem>> -> memref<80xi32, #tpu.memory_space<vmem>>
      %dma_wait3A_228 = arith.constant 0 : i32
      %dma_wait3A_229 = arith.constant 0 : i32
      %dma_wait3A_230 = tpu.memref_slice %arg3[%dma_wait3A_228, %dma_wait3A_229] : memref<100000x64xf32, #tpu.memory_space<hbm>> -> memref<100000x64xf32, #tpu.memory_space<hbm>>
      tpu.wait_indirect_dma semaphore(%arg19 : memref<!tpu.dma_semaphore, #tpu.memory_space<semaphore_mem>>) src(%dma_wait3A_230 : memref<100000x64xf32, #tpu.memory_space<hbm>>) dst(%dma_wait3A_225 : memref<80x64xf32, #tpu.memory_space<vmem>>)
      %dma_wait3A_231 = arith.constant 160 : i32
      %dma_wait3A_232 = arith.constant 0 : i32
      %dma_wait3A_233 = tpu.memref_slice %arg10[%dma_wait3A_231, %dma_wait3A_232] : memref<400x64xf32, #tpu.memory_space<vmem>> -> memref<80x64xf32, #tpu.memory_space<vmem>>
      %dma_wait3A_234 = arith.constant 160 : i32
      %dma_wait3A_235 = tpu.memref_slice %arg6[%dma_wait3A_234] : memref<400xi32, #tpu.memory_space<vmem>> -> memref<80xi32, #tpu.memory_space<vmem>>
      %dma_wait3A_236 = arith.constant 0 : i32
      %dma_wait3A_237 = arith.constant 0 : i32
      %dma_wait3A_238 = tpu.memref_slice %arg3[%dma_wait3A_236, %dma_wait3A_237] : memref<100000x64xf32, #tpu.memory_space<hbm>> -> memref<100000x64xf32, #tpu.memory_space<hbm>>
      tpu.wait_indirect_dma semaphore(%arg19 : memref<!tpu.dma_semaphore, #tpu.memory_space<semaphore_mem>>) src(%dma_wait3A_238 : memref<100000x64xf32, #tpu.memory_space<hbm>>) dst(%dma_wait3A_233 : memref<80x64xf32, #tpu.memory_space<vmem>>)
      %dma_wait3A_239 = arith.constant 240 : i32
      %dma_wait3A_240 = arith.constant 0 : i32
      %dma_wait3A_241 = tpu.memref_slice %arg10[%dma_wait3A_239, %dma_wait3A_240] : memref<400x64xf32, #tpu.memory_space<vmem>> -> memref<80x64xf32, #tpu.memory_space<vmem>>
      %dma_wait3A_242 = arith.constant 240 : i32
      %dma_wait3A_243 = tpu.memref_slice %arg6[%dma_wait3A_242] : memref<400xi32, #tpu.memory_space<vmem>> -> memref<80xi32, #tpu.memory_space<vmem>>
      %dma_wait3A_244 = arith.constant 0 : i32
      %dma_wait3A_245 = arith.constant 0 : i32
      %dma_wait3A_246 = tpu.memref_slice %arg3[%dma_wait3A_244, %dma_wait3A_245] : memref<100000x64xf32, #tpu.memory_space<hbm>> -> memref<100000x64xf32, #tpu.memory_space<hbm>>
      tpu.wait_indirect_dma semaphore(%arg19 : memref<!tpu.dma_semaphore, #tpu.memory_space<semaphore_mem>>) src(%dma_wait3A_246 : memref<100000x64xf32, #tpu.memory_space<hbm>>) dst(%dma_wait3A_241 : memref<80x64xf32, #tpu.memory_space<vmem>>)
      %dma_wait3A_247 = arith.constant 320 : i32
      %dma_wait3A_248 = arith.constant 0 : i32
      %dma_wait3A_249 = tpu.memref_slice %arg10[%dma_wait3A_247, %dma_wait3A_248] : memref<400x64xf32, #tpu.memory_space<vmem>> -> memref<80x64xf32, #tpu.memory_space<vmem>>
      %dma_wait3A_250 = arith.constant 320 : i32
      %dma_wait3A_251 = tpu.memref_slice %arg6[%dma_wait3A_250] : memref<400xi32, #tpu.memory_space<vmem>> -> memref<80xi32, #tpu.memory_space<vmem>>
      %dma_wait3A_252 = arith.constant 0 : i32
      %dma_wait3A_253 = arith.constant 0 : i32
      %dma_wait3A_254 = tpu.memref_slice %arg3[%dma_wait3A_252, %dma_wait3A_253] : memref<100000x64xf32, #tpu.memory_space<hbm>> -> memref<100000x64xf32, #tpu.memory_space<hbm>>
      tpu.wait_indirect_dma semaphore(%arg19 : memref<!tpu.dma_semaphore, #tpu.memory_space<semaphore_mem>>) src(%dma_wait3A_254 : memref<100000x64xf32, #tpu.memory_space<hbm>>) dst(%dma_wait3A_249 : memref<80x64xf32, #tpu.memory_space<vmem>>)
      %lt3A_255 = arith.constant 60 : i32
      %lt3A_256 = arith.cmpi slt, %add3A_212, %lt3A_255 : i32
      %convert_element_type3A_257 = arith.extui %lt3A_256 : i1 to i32
      %cond3A_258 = arith.constant 0 : i32
      %cond3A_259 = arith.cmpi ne, %convert_element_type3A_257, %cond3A_258 : i32
      scf.if %cond3A_259 {
        %add3A_590 = arith.constant 4 : i32
        %add3A_591 = arith.addi %add3A_212, %add3A_590 : i32
        %mul3A_592 = arith.constant 400 : i32
        %mul3A_593 = arith.muli %add3A_591, %mul3A_592 : i32
        %add3A_594 = arith.addi %mul3A_4, %mul3A_593 : i32
        %dma_start3A_595 = tpu.memref_slice %arg2[%add3A_594] : memref<819200xi32, #tpu.memory_space<hbm>> -> memref<400xi32, #tpu.memory_space<hbm>>
        %dma_start3A_596 = tpu.memref_slice %arg2[%add3A_594] : memref<819200xi32, #tpu.memory_space<hbm>> -> memref<400xi32, #tpu.memory_space<hbm>>
        tpu.enqueue_dma source(%dma_start3A_596 : memref<400xi32, #tpu.memory_space<hbm>>) target(%arg6 : memref<400xi32, #tpu.memory_space<vmem>>) target_semaphore(%arg15 : memref<!tpu.dma_semaphore, #tpu.memory_space<semaphore_mem>>)
      } else {
      }
      %scan3A_260 = arith.constant 0 : i32
      %scan3A_261 = arith.constant 0 : i32
      %scan3A_262 = arith.constant 100 : i32
      %scan3A_263 = arith.addi %scan3A_261, %scan3A_262 : i32
      %scan3A_264 = arith.constant 1 : i32
      scf.for %scan3A_590 = %scan3A_261 to %scan3A_263 step %scan3A_264  : i32 {
        %mul3A_591 = arith.constant 2 : i32
        %mul3A_592 = arith.muli %scan3A_590, %mul3A_591 : i32
        %add3A_593 = arith.constant 0 : i32
        %add3A_594 = arith.addi %mul3A_592, %add3A_593 : i32
        %add3A_595 = arith.constant 0 : i32
        %add3A_596 = arith.addi %add3A_595, %add3A_594 : i32
        %get3A = arith.index_cast %add3A_594 : i32 to index
        %get3A_597 = arith.constant 0 : index
        %get3A_598 = tpu.vector_load %arg14[%get3A, %get3A_597] {strides = array<i32>} : memref<200x64xf32, #tpu.memory_space<vmem>>, vector<1x16xf32>,
        %get3A_599 = vector.shape_cast %get3A_598 : vector<1x16xf32> to vector<16xf32>
        %swap3A = arith.index_cast %add3A_596 : i32 to index
        %swap3A_600 = arith.constant 0 : index
        %swap3A_601 = tpu.vector_load %arg10[%swap3A, %swap3A_600] {strides = array<i32>} : memref<400x64xf32, #tpu.memory_space<vmem>>, vector<1x16xf32>,
        %swap3A_602 = vector.shape_cast %swap3A_601 : vector<1x16xf32> to vector<16xf32>
        %swap3A_603 = vector.shape_cast %get3A_599 : vector<16xf32> to vector<1x16xf32>
        tpu.vector_store %arg10[%swap3A, %swap3A_600], %swap3A_603 {add = true, strides = array<i32>} : memref<400x64xf32, #tpu.memory_space<vmem>>, vector<1x16xf32>,
        %add3A_604 = arith.constant 0 : i32
        %add3A_605 = arith.addi %add3A_604, %add3A_594 : i32
        %get3A_606 = arith.index_cast %add3A_594 : i32 to index
        %get3A_607 = arith.constant 16 : index
        %get3A_608 = tpu.vector_load %arg14[%get3A_606, %get3A_607] {strides = array<i32>} : memref<200x64xf32, #tpu.memory_space<vmem>>, vector<1x16xf32>,
        %get3A_609 = vector.shape_cast %get3A_608 : vector<1x16xf32> to vector<16xf32>
        %swap3A_610 = arith.index_cast %add3A_605 : i32 to index
        %swap3A_611 = arith.constant 16 : index
        %swap3A_612 = tpu.vector_load %arg10[%swap3A_610, %swap3A_611] {strides = array<i32>} : memref<400x64xf32, #tpu.memory_space<vmem>>, vector<1x16xf32>,
        %swap3A_613 = vector.shape_cast %swap3A_612 : vector<1x16xf32> to vector<16xf32>
        %swap3A_614 = vector.shape_cast %get3A_609 : vector<16xf32> to vector<1x16xf32>
        tpu.vector_store %arg10[%swap3A_610, %swap3A_611], %swap3A_614 {add = true, strides = array<i32>} : memref<400x64xf32, #tpu.memory_space<vmem>>, vector<1x16xf32>,
        %add3A_615 = arith.constant 0 : i32
        %add3A_616 = arith.addi %add3A_615, %add3A_594 : i32
        %get3A_617 = arith.index_cast %add3A_594 : i32 to index
        %get3A_618 = arith.constant 32 : index
        %get3A_619 = tpu.vector_load %arg14[%get3A_617, %get3A_618] {strides = array<i32>} : memref<200x64xf32, #tpu.memory_space<vmem>>, vector<1x16xf32>,
        %get3A_620 = vector.shape_cast %get3A_619 : vector<1x16xf32> to vector<16xf32>
        %swap3A_621 = arith.index_cast %add3A_616 : i32 to index
        %swap3A_622 = arith.constant 32 : index
        %swap3A_623 = tpu.vector_load %arg10[%swap3A_621, %swap3A_622] {strides = array<i32>} : memref<400x64xf32, #tpu.memory_space<vmem>>, vector<1x16xf32>,
        %swap3A_624 = vector.shape_cast %swap3A_623 : vector<1x16xf32> to vector<16xf32>
        %swap3A_625 = vector.shape_cast %get3A_620 : vector<16xf32> to vector<1x16xf32>
        tpu.vector_store %arg10[%swap3A_621, %swap3A_622], %swap3A_625 {add = true, strides = array<i32>} : memref<400x64xf32, #tpu.memory_space<vmem>>, vector<1x16xf32>,
        %add3A_626 = arith.constant 0 : i32
        %add3A_627 = arith.addi %add3A_626, %add3A_594 : i32
        %get3A_628 = arith.index_cast %add3A_594 : i32 to index
        %get3A_629 = arith.constant 48 : index
        %get3A_630 = tpu.vector_load %arg14[%get3A_628, %get3A_629] {strides = array<i32>} : memref<200x64xf32, #tpu.memory_space<vmem>>, vector<1x16xf32>,
        %get3A_631 = vector.shape_cast %get3A_630 : vector<1x16xf32> to vector<16xf32>
        %swap3A_632 = arith.index_cast %add3A_627 : i32 to index
        %swap3A_633 = arith.constant 48 : index
        %swap3A_634 = tpu.vector_load %arg10[%swap3A_632, %swap3A_633] {strides = array<i32>} : memref<400x64xf32, #tpu.memory_space<vmem>>, vector<1x16xf32>,
        %swap3A_635 = vector.shape_cast %swap3A_634 : vector<1x16xf32> to vector<16xf32>
        %swap3A_636 = vector.shape_cast %get3A_631 : vector<16xf32> to vector<1x16xf32>
        tpu.vector_store %arg10[%swap3A_632, %swap3A_633], %swap3A_636 {add = true, strides = array<i32>} : memref<400x64xf32, #tpu.memory_space<vmem>>, vector<1x16xf32>,
        %mul3A_637 = arith.constant 2 : i32
        %mul3A_638 = arith.muli %scan3A_590, %mul3A_637 : i32
        %add3A_639 = arith.constant 1 : i32
        %add3A_640 = arith.addi %mul3A_638, %add3A_639 : i32
        %add3A_641 = arith.constant 0 : i32
        %add3A_642 = arith.addi %add3A_641, %add3A_640 : i32
        %get3A_643 = arith.index_cast %add3A_640 : i32 to index
        %get3A_644 = arith.constant 0 : index
        %get3A_645 = tpu.vector_load %arg14[%get3A_643, %get3A_644] {strides = array<i32>} : memref<200x64xf32, #tpu.memory_space<vmem>>, vector<1x16xf32>,
        %get3A_646 = vector.shape_cast %get3A_645 : vector<1x16xf32> to vector<16xf32>
        %swap3A_647 = arith.index_cast %add3A_642 : i32 to index
        %swap3A_648 = arith.constant 0 : index
        %swap3A_649 = tpu.vector_load %arg10[%swap3A_647, %swap3A_648] {strides = array<i32>} : memref<400x64xf32, #tpu.memory_space<vmem>>, vector<1x16xf32>,
        %swap3A_650 = vector.shape_cast %swap3A_649 : vector<1x16xf32> to vector<16xf32>
        %swap3A_651 = vector.shape_cast %get3A_646 : vector<16xf32> to vector<1x16xf32>
        tpu.vector_store %arg10[%swap3A_647, %swap3A_648], %swap3A_651 {add = true, strides = array<i32>} : memref<400x64xf32, #tpu.memory_space<vmem>>, vector<1x16xf32>,
        %add3A_652 = arith.constant 0 : i32
        %add3A_653 = arith.addi %add3A_652, %add3A_640 : i32
        %get3A_654 = arith.index_cast %add3A_640 : i32 to index
        %get3A_655 = arith.constant 16 : index
        %get3A_656 = tpu.vector_load %arg14[%get3A_654, %get3A_655] {strides = array<i32>} : memref<200x64xf32, #tpu.memory_space<vmem>>, vector<1x16xf32>,
        %get3A_657 = vector.shape_cast %get3A_656 : vector<1x16xf32> to vector<16xf32>
        %swap3A_658 = arith.index_cast %add3A_653 : i32 to index
        %swap3A_659 = arith.constant 16 : index
        %swap3A_660 = tpu.vector_load %arg10[%swap3A_658, %swap3A_659] {strides = array<i32>} : memref<400x64xf32, #tpu.memory_space<vmem>>, vector<1x16xf32>,
        %swap3A_661 = vector.shape_cast %swap3A_660 : vector<1x16xf32> to vector<16xf32>
        %swap3A_662 = vector.shape_cast %get3A_657 : vector<16xf32> to vector<1x16xf32>
        tpu.vector_store %arg10[%swap3A_658, %swap3A_659], %swap3A_662 {add = true, strides = array<i32>} : memref<400x64xf32, #tpu.memory_space<vmem>>, vector<1x16xf32>,
        %add3A_663 = arith.constant 0 : i32
        %add3A_664 = arith.addi %add3A_663, %add3A_640 : i32
        %get3A_665 = arith.index_cast %add3A_640 : i32 to index
        %get3A_666 = arith.constant 32 : index
        %get3A_667 = tpu.vector_load %arg14[%get3A_665, %get3A_666] {strides = array<i32>} : memref<200x64xf32, #tpu.memory_space<vmem>>, vector<1x16xf32>,
        %get3A_668 = vector.shape_cast %get3A_667 : vector<1x16xf32> to vector<16xf32>
        %swap3A_669 = arith.index_cast %add3A_664 : i32 to index
        %swap3A_670 = arith.constant 32 : index
        %swap3A_671 = tpu.vector_load %arg10[%swap3A_669, %swap3A_670] {strides = array<i32>} : memref<400x64xf32, #tpu.memory_space<vmem>>, vector<1x16xf32>,
        %swap3A_672 = vector.shape_cast %swap3A_671 : vector<1x16xf32> to vector<16xf32>
        %swap3A_673 = vector.shape_cast %get3A_668 : vector<16xf32> to vector<1x16xf32>
        tpu.vector_store %arg10[%swap3A_669, %swap3A_670], %swap3A_673 {add = true, strides = array<i32>} : memref<400x64xf32, #tpu.memory_space<vmem>>, vector<1x16xf32>,
        %add3A_674 = arith.constant 0 : i32
        %add3A_675 = arith.addi %add3A_674, %add3A_640 : i32
        %get3A_676 = arith.index_cast %add3A_640 : i32 to index
        %get3A_677 = arith.constant 48 : index
        %get3A_678 = tpu.vector_load %arg14[%get3A_676, %get3A_677] {strides = array<i32>} : memref<200x64xf32, #tpu.memory_space<vmem>>, vector<1x16xf32>,
        %get3A_679 = vector.shape_cast %get3A_678 : vector<1x16xf32> to vector<16xf32>
        %swap3A_680 = arith.index_cast %add3A_675 : i32 to index
        %swap3A_681 = arith.constant 48 : index
        %swap3A_682 = tpu.vector_load %arg10[%swap3A_680, %swap3A_681] {strides = array<i32>} : memref<400x64xf32, #tpu.memory_space<vmem>>, vector<1x16xf32>,
        %swap3A_683 = vector.shape_cast %swap3A_682 : vector<1x16xf32> to vector<16xf32>
        %swap3A_684 = vector.shape_cast %get3A_679 : vector<16xf32> to vector<1x16xf32>
        tpu.vector_store %arg10[%swap3A_680, %swap3A_681], %swap3A_684 {add = true, strides = array<i32>} : memref<400x64xf32, #tpu.memory_space<vmem>>, vector<1x16xf32>,
      }
      %scan3A_265 = arith.constant 100 : i32
      %mul3A_266 = arith.constant 400 : i32
      %mul3A_267 = arith.muli %add3A_212, %mul3A_266 : i32
      %add3A_268 = arith.addi %mul3A_4, %mul3A_267 : i32
      %add3A_269 = arith.constant 0 : i32
      %add3A_270 = arith.addi %add3A_268, %add3A_269 : i32
      %dma_start3A_271 = arith.constant 0 : i32
      %dma_start3A_272 = arith.constant 0 : i32
      %dma_start3A_273 = tpu.memref_slice %arg10[%dma_start3A_271, %dma_start3A_272] : memref<400x64xf32, #tpu.memory_space<vmem>> -> memref<200x64xf32, #tpu.memory_space<vmem>>
      %dma_start3A_274 = arith.constant 0 : i32
      %dma_start3A_275 = tpu.memref_slice %arg5[%add3A_270, %dma_start3A_274] : memref<819200x64xf32, #tpu.memory_space<hbm>> -> memref<200x64xf32, #tpu.memory_space<hbm>>
      %dma_start3A_276 = arith.constant 0 : i32
      %dma_start3A_277 = tpu.memref_slice %arg5[%add3A_270, %dma_start3A_276] : memref<819200x64xf32, #tpu.memory_space<hbm>> -> memref<200x64xf32, #tpu.memory_space<hbm>>
      %dma_start3A_278 = arith.constant 0 : i32
      %dma_start3A_279 = arith.constant 0 : i32
      %dma_start3A_280 = tpu.memref_slice %arg10[%dma_start3A_278, %dma_start3A_279] : memref<400x64xf32, #tpu.memory_space<vmem>> -> memref<200x64xf32, #tpu.memory_space<vmem>>
      tpu.enqueue_dma source(%dma_start3A_280 : memref<200x64xf32, #tpu.memory_space<vmem>>) target(%dma_start3A_277 : memref<200x64xf32, #tpu.memory_space<hbm>>) target_semaphore(%arg23 : memref<!tpu.dma_semaphore, #tpu.memory_space<semaphore_mem>>)
      %scan3A_281 = arith.constant 0 : i32
      %scan3A_282 = arith.constant 0 : i32
      %scan3A_283 = arith.constant 100 : i32
      %scan3A_284 = arith.addi %scan3A_282, %scan3A_283 : i32
      %scan3A_285 = arith.constant 1 : i32
      scf.for %scan3A_590 = %scan3A_282 to %scan3A_284 step %scan3A_285  : i32 {
        %mul3A_591 = arith.constant 2 : i32
        %mul3A_592 = arith.muli %scan3A_590, %mul3A_591 : i32
        %add3A_593 = arith.constant 0 : i32
        %add3A_594 = arith.addi %mul3A_592, %add3A_593 : i32
        %add3A_595 = arith.constant 200 : i32
        %add3A_596 = arith.addi %add3A_595, %add3A_594 : i32
        %get3A = arith.index_cast %add3A_594 : i32 to index
        %get3A_597 = arith.constant 0 : index
        %get3A_598 = tpu.vector_load %arg14[%get3A, %get3A_597] {strides = array<i32>} : memref<200x64xf32, #tpu.memory_space<vmem>>, vector<1x16xf32>,
        %get3A_599 = vector.shape_cast %get3A_598 : vector<1x16xf32> to vector<16xf32>
        %swap3A = arith.index_cast %add3A_596 : i32 to index
        %swap3A_600 = arith.constant 0 : index
        %swap3A_601 = tpu.vector_load %arg10[%swap3A, %swap3A_600] {strides = array<i32>} : memref<400x64xf32, #tpu.memory_space<vmem>>, vector<1x16xf32>,
        %swap3A_602 = vector.shape_cast %swap3A_601 : vector<1x16xf32> to vector<16xf32>
        %swap3A_603 = vector.shape_cast %get3A_599 : vector<16xf32> to vector<1x16xf32>
        tpu.vector_store %arg10[%swap3A, %swap3A_600], %swap3A_603 {add = true, strides = array<i32>} : memref<400x64xf32, #tpu.memory_space<vmem>>, vector<1x16xf32>,
        %add3A_604 = arith.constant 200 : i32
        %add3A_605 = arith.addi %add3A_604, %add3A_594 : i32
        %get3A_606 = arith.index_cast %add3A_594 : i32 to index
        %get3A_607 = arith.constant 16 : index
        %get3A_608 = tpu.vector_load %arg14[%get3A_606, %get3A_607] {strides = array<i32>} : memref<200x64xf32, #tpu.memory_space<vmem>>, vector<1x16xf32>,
        %get3A_609 = vector.shape_cast %get3A_608 : vector<1x16xf32> to vector<16xf32>
        %swap3A_610 = arith.index_cast %add3A_605 : i32 to index
        %swap3A_611 = arith.constant 16 : index
        %swap3A_612 = tpu.vector_load %arg10[%swap3A_610, %swap3A_611] {strides = array<i32>} : memref<400x64xf32, #tpu.memory_space<vmem>>, vector<1x16xf32>,
        %swap3A_613 = vector.shape_cast %swap3A_612 : vector<1x16xf32> to vector<16xf32>
        %swap3A_614 = vector.shape_cast %get3A_609 : vector<16xf32> to vector<1x16xf32>
        tpu.vector_store %arg10[%swap3A_610, %swap3A_611], %swap3A_614 {add = true, strides = array<i32>} : memref<400x64xf32, #tpu.memory_space<vmem>>, vector<1x16xf32>,
        %add3A_615 = arith.constant 200 : i32
        %add3A_616 = arith.addi %add3A_615, %add3A_594 : i32
        %get3A_617 = arith.index_cast %add3A_594 : i32 to index
        %get3A_618 = arith.constant 32 : index
        %get3A_619 = tpu.vector_load %arg14[%get3A_617, %get3A_618] {strides = array<i32>} : memref<200x64xf32, #tpu.memory_space<vmem>>, vector<1x16xf32>,
        %get3A_620 = vector.shape_cast %get3A_619 : vector<1x16xf32> to vector<16xf32>
        %swap3A_621 = arith.index_cast %add3A_616 : i32 to index
        %swap3A_622 = arith.constant 32 : index
        %swap3A_623 = tpu.vector_load %arg10[%swap3A_621, %swap3A_622] {strides = array<i32>} : memref<400x64xf32, #tpu.memory_space<vmem>>, vector<1x16xf32>,
        %swap3A_624 = vector.shape_cast %swap3A_623 : vector<1x16xf32> to vector<16xf32>
        %swap3A_625 = vector.shape_cast %get3A_620 : vector<16xf32> to vector<1x16xf32>
        tpu.vector_store %arg10[%swap3A_621, %swap3A_622], %swap3A_625 {add = true, strides = array<i32>} : memref<400x64xf32, #tpu.memory_space<vmem>>, vector<1x16xf32>,
        %add3A_626 = arith.constant 200 : i32
        %add3A_627 = arith.addi %add3A_626, %add3A_594 : i32
        %get3A_628 = arith.index_cast %add3A_594 : i32 to index
        %get3A_629 = arith.constant 48 : index
        %get3A_630 = tpu.vector_load %arg14[%get3A_628, %get3A_629] {strides = array<i32>} : memref<200x64xf32, #tpu.memory_space<vmem>>, vector<1x16xf32>,
        %get3A_631 = vector.shape_cast %get3A_630 : vector<1x16xf32> to vector<16xf32>
        %swap3A_632 = arith.index_cast %add3A_627 : i32 to index
        %swap3A_633 = arith.constant 48 : index
        %swap3A_634 = tpu.vector_load %arg10[%swap3A_632, %swap3A_633] {strides = array<i32>} : memref<400x64xf32, #tpu.memory_space<vmem>>, vector<1x16xf32>,
        %swap3A_635 = vector.shape_cast %swap3A_634 : vector<1x16xf32> to vector<16xf32>
        %swap3A_636 = vector.shape_cast %get3A_631 : vector<16xf32> to vector<1x16xf32>
        tpu.vector_store %arg10[%swap3A_632, %swap3A_633], %swap3A_636 {add = true, strides = array<i32>} : memref<400x64xf32, #tpu.memory_space<vmem>>, vector<1x16xf32>,
        %mul3A_637 = arith.constant 2 : i32
        %mul3A_638 = arith.muli %scan3A_590, %mul3A_637 : i32
        %add3A_639 = arith.constant 1 : i32
        %add3A_640 = arith.addi %mul3A_638, %add3A_639 : i32
        %add3A_641 = arith.constant 200 : i32
        %add3A_642 = arith.addi %add3A_641, %add3A_640 : i32
        %get3A_643 = arith.index_cast %add3A_640 : i32 to index
        %get3A_644 = arith.constant 0 : index
        %get3A_645 = tpu.vector_load %arg14[%get3A_643, %get3A_644] {strides = array<i32>} : memref<200x64xf32, #tpu.memory_space<vmem>>, vector<1x16xf32>,
        %get3A_646 = vector.shape_cast %get3A_645 : vector<1x16xf32> to vector<16xf32>
        %swap3A_647 = arith.index_cast %add3A_642 : i32 to index
        %swap3A_648 = arith.constant 0 : index
        %swap3A_649 = tpu.vector_load %arg10[%swap3A_647, %swap3A_648] {strides = array<i32>} : memref<400x64xf32, #tpu.memory_space<vmem>>, vector<1x16xf32>,
        %swap3A_650 = vector.shape_cast %swap3A_649 : vector<1x16xf32> to vector<16xf32>
        %swap3A_651 = vector.shape_cast %get3A_646 : vector<16xf32> to vector<1x16xf32>
        tpu.vector_store %arg10[%swap3A_647, %swap3A_648], %swap3A_651 {add = true, strides = array<i32>} : memref<400x64xf32, #tpu.memory_space<vmem>>, vector<1x16xf32>,
        %add3A_652 = arith.constant 200 : i32
        %add3A_653 = arith.addi %add3A_652, %add3A_640 : i32
        %get3A_654 = arith.index_cast %add3A_640 : i32 to index
        %get3A_655 = arith.constant 16 : index
        %get3A_656 = tpu.vector_load %arg14[%get3A_654, %get3A_655] {strides = array<i32>} : memref<200x64xf32, #tpu.memory_space<vmem>>, vector<1x16xf32>,
        %get3A_657 = vector.shape_cast %get3A_656 : vector<1x16xf32> to vector<16xf32>
        %swap3A_658 = arith.index_cast %add3A_653 : i32 to index
        %swap3A_659 = arith.constant 16 : index
        %swap3A_660 = tpu.vector_load %arg10[%swap3A_658, %swap3A_659] {strides = array<i32>} : memref<400x64xf32, #tpu.memory_space<vmem>>, vector<1x16xf32>,
        %swap3A_661 = vector.shape_cast %swap3A_660 : vector<1x16xf32> to vector<16xf32>
        %swap3A_662 = vector.shape_cast %get3A_657 : vector<16xf32> to vector<1x16xf32>
        tpu.vector_store %arg10[%swap3A_658, %swap3A_659], %swap3A_662 {add = true, strides = array<i32>} : memref<400x64xf32, #tpu.memory_space<vmem>>, vector<1x16xf32>,
        %add3A_663 = arith.constant 200 : i32
        %add3A_664 = arith.addi %add3A_663, %add3A_640 : i32
        %get3A_665 = arith.index_cast %add3A_640 : i32 to index
        %get3A_666 = arith.constant 32 : index
        %get3A_667 = tpu.vector_load %arg14[%get3A_665, %get3A_666] {strides = array<i32>} : memref<200x64xf32, #tpu.memory_space<vmem>>, vector<1x16xf32>,
        %get3A_668 = vector.shape_cast %get3A_667 : vector<1x16xf32> to vector<16xf32>
        %swap3A_669 = arith.index_cast %add3A_664 : i32 to index
        %swap3A_670 = arith.constant 32 : index
        %swap3A_671 = tpu.vector_load %arg10[%swap3A_669, %swap3A_670] {strides = array<i32>} : memref<400x64xf32, #tpu.memory_space<vmem>>, vector<1x16xf32>,
        %swap3A_672 = vector.shape_cast %swap3A_671 : vector<1x16xf32> to vector<16xf32>
        %swap3A_673 = vector.shape_cast %get3A_668 : vector<16xf32> to vector<1x16xf32>
        tpu.vector_store %arg10[%swap3A_669, %swap3A_670], %swap3A_673 {add = true, strides = array<i32>} : memref<400x64xf32, #tpu.memory_space<vmem>>, vector<1x16xf32>,
        %add3A_674 = arith.constant 200 : i32
        %add3A_675 = arith.addi %add3A_674, %add3A_640 : i32
        %get3A_676 = arith.index_cast %add3A_640 : i32 to index
        %get3A_677 = arith.constant 48 : index
        %get3A_678 = tpu.vector_load %arg14[%get3A_676, %get3A_677] {strides = array<i32>} : memref<200x64xf32, #tpu.memory_space<vmem>>, vector<1x16xf32>,
        %get3A_679 = vector.shape_cast %get3A_678 : vector<1x16xf32> to vector<16xf32>
        %swap3A_680 = arith.index_cast %add3A_675 : i32 to index
        %swap3A_681 = arith.constant 48 : index
        %swap3A_682 = tpu.vector_load %arg10[%swap3A_680, %swap3A_681] {strides = array<i32>} : memref<400x64xf32, #tpu.memory_space<vmem>>, vector<1x16xf32>,
        %swap3A_683 = vector.shape_cast %swap3A_682 : vector<1x16xf32> to vector<16xf32>
        %swap3A_684 = vector.shape_cast %get3A_679 : vector<16xf32> to vector<1x16xf32>
        tpu.vector_store %arg10[%swap3A_680, %swap3A_681], %swap3A_684 {add = true, strides = array<i32>} : memref<400x64xf32, #tpu.memory_space<vmem>>, vector<1x16xf32>,
      }
      %scan3A_286 = arith.constant 100 : i32
      %mul3A_287 = arith.constant 400 : i32
      %mul3A_288 = arith.muli %add3A_212, %mul3A_287 : i32
      %add3A_289 = arith.addi %mul3A_4, %mul3A_288 : i32
      %add3A_290 = arith.constant 200 : i32
      %add3A_291 = arith.addi %add3A_289, %add3A_290 : i32
      %dma_start3A_292 = arith.constant 200 : i32
      %dma_start3A_293 = arith.constant 0 : i32
      %dma_start3A_294 = tpu.memref_slice %arg10[%dma_start3A_292, %dma_start3A_293] : memref<400x64xf32, #tpu.memory_space<vmem>> -> memref<200x64xf32, #tpu.memory_space<vmem>>
      %dma_start3A_295 = arith.constant 0 : i32
      %dma_start3A_296 = tpu.memref_slice %arg5[%add3A_291, %dma_start3A_295] : memref<819200x64xf32, #tpu.memory_space<hbm>> -> memref<200x64xf32, #tpu.memory_space<hbm>>
      %dma_start3A_297 = arith.constant 0 : i32
      %dma_start3A_298 = tpu.memref_slice %arg5[%add3A_291, %dma_start3A_297] : memref<819200x64xf32, #tpu.memory_space<hbm>> -> memref<200x64xf32, #tpu.memory_space<hbm>>
      %dma_start3A_299 = arith.constant 200 : i32
      %dma_start3A_300 = arith.constant 0 : i32
      %dma_start3A_301 = tpu.memref_slice %arg10[%dma_start3A_299, %dma_start3A_300] : memref<400x64xf32, #tpu.memory_space<vmem>> -> memref<200x64xf32, #tpu.memory_space<vmem>>
      tpu.enqueue_dma source(%dma_start3A_301 : memref<200x64xf32, #tpu.memory_space<vmem>>) target(%dma_start3A_298 : memref<200x64xf32, #tpu.memory_space<hbm>>) target_semaphore(%arg23 : memref<!tpu.dma_semaphore, #tpu.memory_space<semaphore_mem>>)
      %mul3A_302 = arith.constant 4 : i32
      %mul3A_303 = arith.muli %mul3A_302, %scan3A_208 : i32
      %add3A_304 = arith.constant 1 : i32
      %add3A_305 = arith.addi %mul3A_303, %add3A_304 : i32
      %lt3A_306 = arith.constant 62 : i32
      %lt3A_307 = arith.cmpi slt, %add3A_305, %lt3A_306 : i32
      %convert_element_type3A_308 = arith.extui %lt3A_307 : i1 to i32
      %cond3A_309 = arith.constant 0 : i32
      %cond3A_310 = arith.cmpi ne, %convert_element_type3A_308, %cond3A_309 : i32
      scf.if %cond3A_310 {
        %ge3A = arith.constant 2 : i32
        %ge3A_590 = arith.cmpi sge, %add3A_305, %ge3A : i32
        %convert_element_type3A_591 = arith.extui %ge3A_590 : i1 to i32
        %cond3A_592 = arith.constant 0 : i32
        %cond3A_593 = arith.cmpi ne, %convert_element_type3A_591, %cond3A_592 : i32
        scf.if %cond3A_593 {
          %dma_wait3A_638 = arith.constant 0 : i32
          %dma_wait3A_639 = arith.constant 0 : i32
          %dma_wait3A_640 = tpu.memref_slice %arg13[%dma_wait3A_638, %dma_wait3A_639] : memref<400x64xf32, #tpu.memory_space<vmem>> -> memref<200x64xf32, #tpu.memory_space<vmem>>
          %dma_wait3A_641 = arith.constant 0 : i32
          %dma_wait3A_642 = arith.constant 0 : i32
          %dma_wait3A_643 = tpu.memref_slice %arg5[%dma_wait3A_641, %dma_wait3A_642] : memref<819200x64xf32, #tpu.memory_space<hbm>> -> memref<200x64xf32, #tpu.memory_space<hbm>>
          %dma_wait3A_644 = arith.constant 0 : i32
          %dma_wait3A_645 = arith.constant 0 : i32
          %dma_wait3A_646 = tpu.memref_slice %arg5[%dma_wait3A_644, %dma_wait3A_645] : memref<819200x64xf32, #tpu.memory_space<hbm>> -> memref<200x64xf32, #tpu.memory_space<hbm>>
          %dma_wait3A_647 = arith.constant 0 : i32
          %dma_wait3A_648 = arith.constant 0 : i32
          %dma_wait3A_649 = tpu.memref_slice %arg13[%dma_wait3A_647, %dma_wait3A_648] : memref<400x64xf32, #tpu.memory_space<vmem>> -> memref<200x64xf32, #tpu.memory_space<vmem>>
          tpu.wait_dma2 semaphore(%arg26 : memref<!tpu.dma_semaphore, #tpu.memory_space<semaphore_mem>>) src(%dma_wait3A_649 : memref<200x64xf32, #tpu.memory_space<vmem>>) dst(%dma_wait3A_646 : memref<200x64xf32, #tpu.memory_space<hbm>>)
          %dma_wait3A_650 = arith.constant 200 : i32
          %dma_wait3A_651 = arith.constant 0 : i32
          %dma_wait3A_652 = tpu.memref_slice %arg13[%dma_wait3A_650, %dma_wait3A_651] : memref<400x64xf32, #tpu.memory_space<vmem>> -> memref<200x64xf32, #tpu.memory_space<vmem>>
          %dma_wait3A_653 = arith.constant 200 : i32
          %dma_wait3A_654 = arith.constant 0 : i32
          %dma_wait3A_655 = tpu.memref_slice %arg5[%dma_wait3A_653, %dma_wait3A_654] : memref<819200x64xf32, #tpu.memory_space<hbm>> -> memref<200x64xf32, #tpu.memory_space<hbm>>
          %dma_wait3A_656 = arith.constant 200 : i32
          %dma_wait3A_657 = arith.constant 0 : i32
          %dma_wait3A_658 = tpu.memref_slice %arg5[%dma_wait3A_656, %dma_wait3A_657] : memref<819200x64xf32, #tpu.memory_space<hbm>> -> memref<200x64xf32, #tpu.memory_space<hbm>>
          %dma_wait3A_659 = arith.constant 200 : i32
          %dma_wait3A_660 = arith.constant 0 : i32
          %dma_wait3A_661 = tpu.memref_slice %arg13[%dma_wait3A_659, %dma_wait3A_660] : memref<400x64xf32, #tpu.memory_space<vmem>> -> memref<200x64xf32, #tpu.memory_space<vmem>>
          tpu.wait_dma2 semaphore(%arg26 : memref<!tpu.dma_semaphore, #tpu.memory_space<semaphore_mem>>) src(%dma_wait3A_661 : memref<200x64xf32, #tpu.memory_space<vmem>>) dst(%dma_wait3A_658 : memref<200x64xf32, #tpu.memory_space<hbm>>)
        } else {
        }
        %dma_wait3A_594 = arith.constant 0 : i32
        %dma_wait3A_595 = tpu.memref_slice %arg2[%dma_wait3A_594] : memref<819200xi32, #tpu.memory_space<hbm>> -> memref<400xi32, #tpu.memory_space<hbm>>
        %dma_wait3A_596 = arith.constant 0 : i32
        %dma_wait3A_597 = tpu.memref_slice %arg2[%dma_wait3A_596] : memref<819200xi32, #tpu.memory_space<hbm>> -> memref<400xi32, #tpu.memory_space<hbm>>
        tpu.wait_dma2 semaphore(%arg18 : memref<!tpu.dma_semaphore, #tpu.memory_space<semaphore_mem>>) src(%dma_wait3A_597 : memref<400xi32, #tpu.memory_space<hbm>>) dst(%arg9 : memref<400xi32, #tpu.memory_space<vmem>>)
        %dma_start3A_598 = arith.constant 0 : i32
        %dma_start3A_599 = arith.constant 0 : i32
        %dma_start3A_600 = tpu.memref_slice %arg13[%dma_start3A_598, %dma_start3A_599] : memref<400x64xf32, #tpu.memory_space<vmem>> -> memref<80x64xf32, #tpu.memory_space<vmem>>
        %dma_start3A_601 = arith.constant 0 : i32
        %dma_start3A_602 = tpu.memref_slice %arg9[%dma_start3A_601] : memref<400xi32, #tpu.memory_space<vmem>> -> memref<80xi32, #tpu.memory_space<vmem>>
        %dma_start3A_603 = arith.constant 0 : i32
        %dma_start3A_604 = arith.constant 0 : i32
        %dma_start3A_605 = tpu.memref_slice %arg3[%dma_start3A_603, %dma_start3A_604] : memref<100000x64xf32, #tpu.memory_space<hbm>> -> memref<100000x64xf32, #tpu.memory_space<hbm>>
        tpu.enqueue_indirect_dma source(%dma_start3A_605 : memref<100000x64xf32, #tpu.memory_space<hbm>>) target(%dma_start3A_600 : memref<80x64xf32, #tpu.memory_space<vmem>>) offsets(%dma_start3A_602 : memref<80xi32, #tpu.memory_space<vmem>>) semaphore(%arg22 : memref<!tpu.dma_semaphore, #tpu.memory_space<semaphore_mem>>)
        %dma_start3A_606 = arith.constant 80 : i32
        %dma_start3A_607 = arith.constant 0 : i32
        %dma_start3A_608 = tpu.memref_slice %arg13[%dma_start3A_606, %dma_start3A_607] : memref<400x64xf32, #tpu.memory_space<vmem>> -> memref<80x64xf32, #tpu.memory_space<vmem>>
        %dma_start3A_609 = arith.constant 80 : i32
        %dma_start3A_610 = tpu.memref_slice %arg9[%dma_start3A_609] : memref<400xi32, #tpu.memory_space<vmem>> -> memref<80xi32, #tpu.memory_space<vmem>>
        %dma_start3A_611 = arith.constant 0 : i32
        %dma_start3A_612 = arith.constant 0 : i32
        %dma_start3A_613 = tpu.memref_slice %arg3[%dma_start3A_611, %dma_start3A_612] : memref<100000x64xf32, #tpu.memory_space<hbm>> -> memref<100000x64xf32, #tpu.memory_space<hbm>>
        tpu.enqueue_indirect_dma source(%dma_start3A_613 : memref<100000x64xf32, #tpu.memory_space<hbm>>) target(%dma_start3A_608 : memref<80x64xf32, #tpu.memory_space<vmem>>) offsets(%dma_start3A_610 : memref<80xi32, #tpu.memory_space<vmem>>) semaphore(%arg22 : memref<!tpu.dma_semaphore, #tpu.memory_space<semaphore_mem>>)
        %dma_start3A_614 = arith.constant 160 : i32
        %dma_start3A_615 = arith.constant 0 : i32
        %dma_start3A_616 = tpu.memref_slice %arg13[%dma_start3A_614, %dma_start3A_615] : memref<400x64xf32, #tpu.memory_space<vmem>> -> memref<80x64xf32, #tpu.memory_space<vmem>>
        %dma_start3A_617 = arith.constant 160 : i32
        %dma_start3A_618 = tpu.memref_slice %arg9[%dma_start3A_617] : memref<400xi32, #tpu.memory_space<vmem>> -> memref<80xi32, #tpu.memory_space<vmem>>
        %dma_start3A_619 = arith.constant 0 : i32
        %dma_start3A_620 = arith.constant 0 : i32
        %dma_start3A_621 = tpu.memref_slice %arg3[%dma_start3A_619, %dma_start3A_620] : memref<100000x64xf32, #tpu.memory_space<hbm>> -> memref<100000x64xf32, #tpu.memory_space<hbm>>
        tpu.enqueue_indirect_dma source(%dma_start3A_621 : memref<100000x64xf32, #tpu.memory_space<hbm>>) target(%dma_start3A_616 : memref<80x64xf32, #tpu.memory_space<vmem>>) offsets(%dma_start3A_618 : memref<80xi32, #tpu.memory_space<vmem>>) semaphore(%arg22 : memref<!tpu.dma_semaphore, #tpu.memory_space<semaphore_mem>>)
        %dma_start3A_622 = arith.constant 240 : i32
        %dma_start3A_623 = arith.constant 0 : i32
        %dma_start3A_624 = tpu.memref_slice %arg13[%dma_start3A_622, %dma_start3A_623] : memref<400x64xf32, #tpu.memory_space<vmem>> -> memref<80x64xf32, #tpu.memory_space<vmem>>
        %dma_start3A_625 = arith.constant 240 : i32
        %dma_start3A_626 = tpu.memref_slice %arg9[%dma_start3A_625] : memref<400xi32, #tpu.memory_space<vmem>> -> memref<80xi32, #tpu.memory_space<vmem>>
        %dma_start3A_627 = arith.constant 0 : i32
        %dma_start3A_628 = arith.constant 0 : i32
        %dma_start3A_629 = tpu.memref_slice %arg3[%dma_start3A_627, %dma_start3A_628] : memref<100000x64xf32, #tpu.memory_space<hbm>> -> memref<100000x64xf32, #tpu.memory_space<hbm>>
        tpu.enqueue_indirect_dma source(%dma_start3A_629 : memref<100000x64xf32, #tpu.memory_space<hbm>>) target(%dma_start3A_624 : memref<80x64xf32, #tpu.memory_space<vmem>>) offsets(%dma_start3A_626 : memref<80xi32, #tpu.memory_space<vmem>>) semaphore(%arg22 : memref<!tpu.dma_semaphore, #tpu.memory_space<semaphore_mem>>)
        %dma_start3A_630 = arith.constant 320 : i32
        %dma_start3A_631 = arith.constant 0 : i32
        %dma_start3A_632 = tpu.memref_slice %arg13[%dma_start3A_630, %dma_start3A_631] : memref<400x64xf32, #tpu.memory_space<vmem>> -> memref<80x64xf32, #tpu.memory_space<vmem>>
        %dma_start3A_633 = arith.constant 320 : i32
        %dma_start3A_634 = tpu.memref_slice %arg9[%dma_start3A_633] : memref<400xi32, #tpu.memory_space<vmem>> -> memref<80xi32, #tpu.memory_space<vmem>>
        %dma_start3A_635 = arith.constant 0 : i32
        %dma_start3A_636 = arith.constant 0 : i32
        %dma_start3A_637 = tpu.memref_slice %arg3[%dma_start3A_635, %dma_start3A_636] : memref<100000x64xf32, #tpu.memory_space<hbm>> -> memref<100000x64xf32, #tpu.memory_space<hbm>>
        tpu.enqueue_indirect_dma source(%dma_start3A_637 : memref<100000x64xf32, #tpu.memory_space<hbm>>) target(%dma_start3A_632 : memref<80x64xf32, #tpu.memory_space<vmem>>) offsets(%dma_start3A_634 : memref<80xi32, #tpu.memory_space<vmem>>) semaphore(%arg22 : memref<!tpu.dma_semaphore, #tpu.memory_space<semaphore_mem>>)
      } else {
      }
      %dma_wait3A_311 = arith.constant 0 : i32
      %dma_wait3A_312 = arith.constant 0 : i32
      %dma_wait3A_313 = tpu.memref_slice %arg11[%dma_wait3A_311, %dma_wait3A_312] : memref<400x64xf32, #tpu.memory_space<vmem>> -> memref<80x64xf32, #tpu.memory_space<vmem>>
      %dma_wait3A_314 = arith.constant 0 : i32
      %dma_wait3A_315 = tpu.memref_slice %arg7[%dma_wait3A_314] : memref<400xi32, #tpu.memory_space<vmem>> -> memref<80xi32, #tpu.memory_space<vmem>>
      %dma_wait3A_316 = arith.constant 0 : i32
      %dma_wait3A_317 = arith.constant 0 : i32
      %dma_wait3A_318 = tpu.memref_slice %arg3[%dma_wait3A_316, %dma_wait3A_317] : memref<100000x64xf32, #tpu.memory_space<hbm>> -> memref<100000x64xf32, #tpu.memory_space<hbm>>
      tpu.wait_indirect_dma semaphore(%arg20 : memref<!tpu.dma_semaphore, #tpu.memory_space<semaphore_mem>>) src(%dma_wait3A_318 : memref<100000x64xf32, #tpu.memory_space<hbm>>) dst(%dma_wait3A_313 : memref<80x64xf32, #tpu.memory_space<vmem>>)
      %dma_wait3A_319 = arith.constant 80 : i32
      %dma_wait3A_320 = arith.constant 0 : i32
      %dma_wait3A_321 = tpu.memref_slice %arg11[%dma_wait3A_319, %dma_wait3A_320] : memref<400x64xf32, #tpu.memory_space<vmem>> -> memref<80x64xf32, #tpu.memory_space<vmem>>
      %dma_wait3A_322 = arith.constant 80 : i32
      %dma_wait3A_323 = tpu.memref_slice %arg7[%dma_wait3A_322] : memref<400xi32, #tpu.memory_space<vmem>> -> memref<80xi32, #tpu.memory_space<vmem>>
      %dma_wait3A_324 = arith.constant 0 : i32
      %dma_wait3A_325 = arith.constant 0 : i32
      %dma_wait3A_326 = tpu.memref_slice %arg3[%dma_wait3A_324, %dma_wait3A_325] : memref<100000x64xf32, #tpu.memory_space<hbm>> -> memref<100000x64xf32, #tpu.memory_space<hbm>>
      tpu.wait_indirect_dma semaphore(%arg20 : memref<!tpu.dma_semaphore, #tpu.memory_space<semaphore_mem>>) src(%dma_wait3A_326 : memref<100000x64xf32, #tpu.memory_space<hbm>>) dst(%dma_wait3A_321 : memref<80x64xf32, #tpu.memory_space<vmem>>)
      %dma_wait3A_327 = arith.constant 160 : i32
      %dma_wait3A_328 = arith.constant 0 : i32
      %dma_wait3A_329 = tpu.memref_slice %arg11[%dma_wait3A_327, %dma_wait3A_328] : memref<400x64xf32, #tpu.memory_space<vmem>> -> memref<80x64xf32, #tpu.memory_space<vmem>>
      %dma_wait3A_330 = arith.constant 160 : i32
      %dma_wait3A_331 = tpu.memref_slice %arg7[%dma_wait3A_330] : memref<400xi32, #tpu.memory_space<vmem>> -> memref<80xi32, #tpu.memory_space<vmem>>
      %dma_wait3A_332 = arith.constant 0 : i32
      %dma_wait3A_333 = arith.constant 0 : i32
      %dma_wait3A_334 = tpu.memref_slice %arg3[%dma_wait3A_332, %dma_wait3A_333] : memref<100000x64xf32, #tpu.memory_space<hbm>> -> memref<100000x64xf32, #tpu.memory_space<hbm>>
      tpu.wait_indirect_dma semaphore(%arg20 : memref<!tpu.dma_semaphore, #tpu.memory_space<semaphore_mem>>) src(%dma_wait3A_334 : memref<100000x64xf32, #tpu.memory_space<hbm>>) dst(%dma_wait3A_329 : memref<80x64xf32, #tpu.memory_space<vmem>>)
      %dma_wait3A_335 = arith.constant 240 : i32
      %dma_wait3A_336 = arith.constant 0 : i32
      %dma_wait3A_337 = tpu.memref_slice %arg11[%dma_wait3A_335, %dma_wait3A_336] : memref<400x64xf32, #tpu.memory_space<vmem>> -> memref<80x64xf32, #tpu.memory_space<vmem>>
      %dma_wait3A_338 = arith.constant 240 : i32
      %dma_wait3A_339 = tpu.memref_slice %arg7[%dma_wait3A_338] : memref<400xi32, #tpu.memory_space<vmem>> -> memref<80xi32, #tpu.memory_space<vmem>>
      %dma_wait3A_340 = arith.constant 0 : i32
      %dma_wait3A_341 = arith.constant 0 : i32
      %dma_wait3A_342 = tpu.memref_slice %arg3[%dma_wait3A_340, %dma_wait3A_341] : memref<100000x64xf32, #tpu.memory_space<hbm>> -> memref<100000x64xf32, #tpu.memory_space<hbm>>
      tpu.wait_indirect_dma semaphore(%arg20 : memref<!tpu.dma_semaphore, #tpu.memory_space<semaphore_mem>>) src(%dma_wait3A_342 : memref<100000x64xf32, #tpu.memory_space<hbm>>) dst(%dma_wait3A_337 : memref<80x64xf32, #tpu.memory_space<vmem>>)
      %dma_wait3A_343 = arith.constant 320 : i32
      %dma_wait3A_344 = arith.constant 0 : i32
      %dma_wait3A_345 = tpu.memref_slice %arg11[%dma_wait3A_343, %dma_wait3A_344] : memref<400x64xf32, #tpu.memory_space<vmem>> -> memref<80x64xf32, #tpu.memory_space<vmem>>
      %dma_wait3A_346 = arith.constant 320 : i32
      %dma_wait3A_347 = tpu.memref_slice %arg7[%dma_wait3A_346] : memref<400xi32, #tpu.memory_space<vmem>> -> memref<80xi32, #tpu.memory_space<vmem>>
      %dma_wait3A_348 = arith.constant 0 : i32
      %dma_wait3A_349 = arith.constant 0 : i32
      %dma_wait3A_350 = tpu.memref_slice %arg3[%dma_wait3A_348, %dma_wait3A_349] : memref<100000x64xf32, #tpu.memory_space<hbm>> -> memref<100000x64xf32, #tpu.memory_space<hbm>>
      tpu.wait_indirect_dma semaphore(%arg20 : memref<!tpu.dma_semaphore, #tpu.memory_space<semaphore_mem>>) src(%dma_wait3A_350 : memref<100000x64xf32, #tpu.memory_space<hbm>>) dst(%dma_wait3A_345 : memref<80x64xf32, #tpu.memory_space<vmem>>)
      %lt3A_351 = arith.constant 60 : i32
      %lt3A_352 = arith.cmpi slt, %add3A_305, %lt3A_351 : i32
      %convert_element_type3A_353 = arith.extui %lt3A_352 : i1 to i32
      %cond3A_354 = arith.constant 0 : i32
      %cond3A_355 = arith.cmpi ne, %convert_element_type3A_353, %cond3A_354 : i32
      scf.if %cond3A_355 {
        %add3A_590 = arith.constant 4 : i32
        %add3A_591 = arith.addi %add3A_305, %add3A_590 : i32
        %mul3A_592 = arith.constant 400 : i32
        %mul3A_593 = arith.muli %add3A_591, %mul3A_592 : i32
        %add3A_594 = arith.addi %mul3A_4, %mul3A_593 : i32
        %dma_start3A_595 = tpu.memref_slice %arg2[%add3A_594] : memref<819200xi32, #tpu.memory_space<hbm>> -> memref<400xi32, #tpu.memory_space<hbm>>
        %dma_start3A_596 = tpu.memref_slice %arg2[%add3A_594] : memref<819200xi32, #tpu.memory_space<hbm>> -> memref<400xi32, #tpu.memory_space<hbm>>
        tpu.enqueue_dma source(%dma_start3A_596 : memref<400xi32, #tpu.memory_space<hbm>>) target(%arg7 : memref<400xi32, #tpu.memory_space<vmem>>) target_semaphore(%arg16 : memref<!tpu.dma_semaphore, #tpu.memory_space<semaphore_mem>>)
      } else {
      }
      %scan3A_356 = arith.constant 0 : i32
      %scan3A_357 = arith.constant 0 : i32
      %scan3A_358 = arith.constant 100 : i32
      %scan3A_359 = arith.addi %scan3A_357, %scan3A_358 : i32
      %scan3A_360 = arith.constant 1 : i32
      scf.for %scan3A_590 = %scan3A_357 to %scan3A_359 step %scan3A_360  : i32 {
        %mul3A_591 = arith.constant 2 : i32
        %mul3A_592 = arith.muli %scan3A_590, %mul3A_591 : i32
        %add3A_593 = arith.constant 0 : i32
        %add3A_594 = arith.addi %mul3A_592, %add3A_593 : i32
        %add3A_595 = arith.constant 0 : i32
        %add3A_596 = arith.addi %add3A_595, %add3A_594 : i32
        %get3A = arith.index_cast %add3A_594 : i32 to index
        %get3A_597 = arith.constant 0 : index
        %get3A_598 = tpu.vector_load %arg14[%get3A, %get3A_597] {strides = array<i32>} : memref<200x64xf32, #tpu.memory_space<vmem>>, vector<1x16xf32>,
        %get3A_599 = vector.shape_cast %get3A_598 : vector<1x16xf32> to vector<16xf32>
        %swap3A = arith.index_cast %add3A_596 : i32 to index
        %swap3A_600 = arith.constant 0 : index
        %swap3A_601 = tpu.vector_load %arg11[%swap3A, %swap3A_600] {strides = array<i32>} : memref<400x64xf32, #tpu.memory_space<vmem>>, vector<1x16xf32>,
        %swap3A_602 = vector.shape_cast %swap3A_601 : vector<1x16xf32> to vector<16xf32>
        %swap3A_603 = vector.shape_cast %get3A_599 : vector<16xf32> to vector<1x16xf32>
        tpu.vector_store %arg11[%swap3A, %swap3A_600], %swap3A_603 {add = true, strides = array<i32>} : memref<400x64xf32, #tpu.memory_space<vmem>>, vector<1x16xf32>,
        %add3A_604 = arith.constant 0 : i32
        %add3A_605 = arith.addi %add3A_604, %add3A_594 : i32
        %get3A_606 = arith.index_cast %add3A_594 : i32 to index
        %get3A_607 = arith.constant 16 : index
        %get3A_608 = tpu.vector_load %arg14[%get3A_606, %get3A_607] {strides = array<i32>} : memref<200x64xf32, #tpu.memory_space<vmem>>, vector<1x16xf32>,
        %get3A_609 = vector.shape_cast %get3A_608 : vector<1x16xf32> to vector<16xf32>
        %swap3A_610 = arith.index_cast %add3A_605 : i32 to index
        %swap3A_611 = arith.constant 16 : index
        %swap3A_612 = tpu.vector_load %arg11[%swap3A_610, %swap3A_611] {strides = array<i32>} : memref<400x64xf32, #tpu.memory_space<vmem>>, vector<1x16xf32>,
        %swap3A_613 = vector.shape_cast %swap3A_612 : vector<1x16xf32> to vector<16xf32>
        %swap3A_614 = vector.shape_cast %get3A_609 : vector<16xf32> to vector<1x16xf32>
        tpu.vector_store %arg11[%swap3A_610, %swap3A_611], %swap3A_614 {add = true, strides = array<i32>} : memref<400x64xf32, #tpu.memory_space<vmem>>, vector<1x16xf32>,
        %add3A_615 = arith.constant 0 : i32
        %add3A_616 = arith.addi %add3A_615, %add3A_594 : i32
        %get3A_617 = arith.index_cast %add3A_594 : i32 to index
        %get3A_618 = arith.constant 32 : index
        %get3A_619 = tpu.vector_load %arg14[%get3A_617, %get3A_618] {strides = array<i32>} : memref<200x64xf32, #tpu.memory_space<vmem>>, vector<1x16xf32>,
        %get3A_620 = vector.shape_cast %get3A_619 : vector<1x16xf32> to vector<16xf32>
        %swap3A_621 = arith.index_cast %add3A_616 : i32 to index
        %swap3A_622 = arith.constant 32 : index
        %swap3A_623 = tpu.vector_load %arg11[%swap3A_621, %swap3A_622] {strides = array<i32>} : memref<400x64xf32, #tpu.memory_space<vmem>>, vector<1x16xf32>,
        %swap3A_624 = vector.shape_cast %swap3A_623 : vector<1x16xf32> to vector<16xf32>
        %swap3A_625 = vector.shape_cast %get3A_620 : vector<16xf32> to vector<1x16xf32>
        tpu.vector_store %arg11[%swap3A_621, %swap3A_622], %swap3A_625 {add = true, strides = array<i32>} : memref<400x64xf32, #tpu.memory_space<vmem>>, vector<1x16xf32>,
        %add3A_626 = arith.constant 0 : i32
        %add3A_627 = arith.addi %add3A_626, %add3A_594 : i32
        %get3A_628 = arith.index_cast %add3A_594 : i32 to index
        %get3A_629 = arith.constant 48 : index
        %get3A_630 = tpu.vector_load %arg14[%get3A_628, %get3A_629] {strides = array<i32>} : memref<200x64xf32, #tpu.memory_space<vmem>>, vector<1x16xf32>,
        %get3A_631 = vector.shape_cast %get3A_630 : vector<1x16xf32> to vector<16xf32>
        %swap3A_632 = arith.index_cast %add3A_627 : i32 to index
        %swap3A_633 = arith.constant 48 : index
        %swap3A_634 = tpu.vector_load %arg11[%swap3A_632, %swap3A_633] {strides = array<i32>} : memref<400x64xf32, #tpu.memory_space<vmem>>, vector<1x16xf32>,
        %swap3A_635 = vector.shape_cast %swap3A_634 : vector<1x16xf32> to vector<16xf32>
        %swap3A_636 = vector.shape_cast %get3A_631 : vector<16xf32> to vector<1x16xf32>
        tpu.vector_store %arg11[%swap3A_632, %swap3A_633], %swap3A_636 {add = true, strides = array<i32>} : memref<400x64xf32, #tpu.memory_space<vmem>>, vector<1x16xf32>,
        %mul3A_637 = arith.constant 2 : i32
        %mul3A_638 = arith.muli %scan3A_590, %mul3A_637 : i32
        %add3A_639 = arith.constant 1 : i32
        %add3A_640 = arith.addi %mul3A_638, %add3A_639 : i32
        %add3A_641 = arith.constant 0 : i32
        %add3A_642 = arith.addi %add3A_641, %add3A_640 : i32
        %get3A_643 = arith.index_cast %add3A_640 : i32 to index
        %get3A_644 = arith.constant 0 : index
        %get3A_645 = tpu.vector_load %arg14[%get3A_643, %get3A_644] {strides = array<i32>} : memref<200x64xf32, #tpu.memory_space<vmem>>, vector<1x16xf32>,
        %get3A_646 = vector.shape_cast %get3A_645 : vector<1x16xf32> to vector<16xf32>
        %swap3A_647 = arith.index_cast %add3A_642 : i32 to index
        %swap3A_648 = arith.constant 0 : index
        %swap3A_649 = tpu.vector_load %arg11[%swap3A_647, %swap3A_648] {strides = array<i32>} : memref<400x64xf32, #tpu.memory_space<vmem>>, vector<1x16xf32>,
        %swap3A_650 = vector.shape_cast %swap3A_649 : vector<1x16xf32> to vector<16xf32>
        %swap3A_651 = vector.shape_cast %get3A_646 : vector<16xf32> to vector<1x16xf32>
        tpu.vector_store %arg11[%swap3A_647, %swap3A_648], %swap3A_651 {add = true, strides = array<i32>} : memref<400x64xf32, #tpu.memory_space<vmem>>, vector<1x16xf32>,
        %add3A_652 = arith.constant 0 : i32
        %add3A_653 = arith.addi %add3A_652, %add3A_640 : i32
        %get3A_654 = arith.index_cast %add3A_640 : i32 to index
        %get3A_655 = arith.constant 16 : index
        %get3A_656 = tpu.vector_load %arg14[%get3A_654, %get3A_655] {strides = array<i32>} : memref<200x64xf32, #tpu.memory_space<vmem>>, vector<1x16xf32>,
        %get3A_657 = vector.shape_cast %get3A_656 : vector<1x16xf32> to vector<16xf32>
        %swap3A_658 = arith.index_cast %add3A_653 : i32 to index
        %swap3A_659 = arith.constant 16 : index
        %swap3A_660 = tpu.vector_load %arg11[%swap3A_658, %swap3A_659] {strides = array<i32>} : memref<400x64xf32, #tpu.memory_space<vmem>>, vector<1x16xf32>,
        %swap3A_661 = vector.shape_cast %swap3A_660 : vector<1x16xf32> to vector<16xf32>
        %swap3A_662 = vector.shape_cast %get3A_657 : vector<16xf32> to vector<1x16xf32>
        tpu.vector_store %arg11[%swap3A_658, %swap3A_659], %swap3A_662 {add = true, strides = array<i32>} : memref<400x64xf32, #tpu.memory_space<vmem>>, vector<1x16xf32>,
        %add3A_663 = arith.constant 0 : i32
        %add3A_664 = arith.addi %add3A_663, %add3A_640 : i32
        %get3A_665 = arith.index_cast %add3A_640 : i32 to index
        %get3A_666 = arith.constant 32 : index
        %get3A_667 = tpu.vector_load %arg14[%get3A_665, %get3A_666] {strides = array<i32>} : memref<200x64xf32, #tpu.memory_space<vmem>>, vector<1x16xf32>,
        %get3A_668 = vector.shape_cast %get3A_667 : vector<1x16xf32> to vector<16xf32>
        %swap3A_669 = arith.index_cast %add3A_664 : i32 to index
        %swap3A_670 = arith.constant 32 : index
        %swap3A_671 = tpu.vector_load %arg11[%swap3A_669, %swap3A_670] {strides = array<i32>} : memref<400x64xf32, #tpu.memory_space<vmem>>, vector<1x16xf32>,
        %swap3A_672 = vector.shape_cast %swap3A_671 : vector<1x16xf32> to vector<16xf32>
        %swap3A_673 = vector.shape_cast %get3A_668 : vector<16xf32> to vector<1x16xf32>
        tpu.vector_store %arg11[%swap3A_669, %swap3A_670], %swap3A_673 {add = true, strides = array<i32>} : memref<400x64xf32, #tpu.memory_space<vmem>>, vector<1x16xf32>,
        %add3A_674 = arith.constant 0 : i32
        %add3A_675 = arith.addi %add3A_674, %add3A_640 : i32
        %get3A_676 = arith.index_cast %add3A_640 : i32 to index
        %get3A_677 = arith.constant 48 : index
        %get3A_678 = tpu.vector_load %arg14[%get3A_676, %get3A_677] {strides = array<i32>} : memref<200x64xf32, #tpu.memory_space<vmem>>, vector<1x16xf32>,
        %get3A_679 = vector.shape_cast %get3A_678 : vector<1x16xf32> to vector<16xf32>
        %swap3A_680 = arith.index_cast %add3A_675 : i32 to index
        %swap3A_681 = arith.constant 48 : index
        %swap3A_682 = tpu.vector_load %arg11[%swap3A_680, %swap3A_681] {strides = array<i32>} : memref<400x64xf32, #tpu.memory_space<vmem>>, vector<1x16xf32>,
        %swap3A_683 = vector.shape_cast %swap3A_682 : vector<1x16xf32> to vector<16xf32>
        %swap3A_684 = vector.shape_cast %get3A_679 : vector<16xf32> to vector<1x16xf32>
        tpu.vector_store %arg11[%swap3A_680, %swap3A_681], %swap3A_684 {add = true, strides = array<i32>} : memref<400x64xf32, #tpu.memory_space<vmem>>, vector<1x16xf32>,
      }
      %scan3A_361 = arith.constant 100 : i32
      %mul3A_362 = arith.constant 400 : i32
      %mul3A_363 = arith.muli %add3A_305, %mul3A_362 : i32
      %add3A_364 = arith.addi %mul3A_4, %mul3A_363 : i32
      %add3A_365 = arith.constant 0 : i32
      %add3A_366 = arith.addi %add3A_364, %add3A_365 : i32
      %dma_start3A_367 = arith.constant 0 : i32
      %dma_start3A_368 = arith.constant 0 : i32
      %dma_start3A_369 = tpu.memref_slice %arg11[%dma_start3A_367, %dma_start3A_368] : memref<400x64xf32, #tpu.memory_space<vmem>> -> memref<200x64xf32, #tpu.memory_space<vmem>>
      %dma_start3A_370 = arith.constant 0 : i32
      %dma_start3A_371 = tpu.memref_slice %arg5[%add3A_366, %dma_start3A_370] : memref<819200x64xf32, #tpu.memory_space<hbm>> -> memref<200x64xf32, #tpu.memory_space<hbm>>
      %dma_start3A_372 = arith.constant 0 : i32
      %dma_start3A_373 = tpu.memref_slice %arg5[%add3A_366, %dma_start3A_372] : memref<819200x64xf32, #tpu.memory_space<hbm>> -> memref<200x64xf32, #tpu.memory_space<hbm>>
      %dma_start3A_374 = arith.constant 0 : i32
      %dma_start3A_375 = arith.constant 0 : i32
      %dma_start3A_376 = tpu.memref_slice %arg11[%dma_start3A_374, %dma_start3A_375] : memref<400x64xf32, #tpu.memory_space<vmem>> -> memref<200x64xf32, #tpu.memory_space<vmem>>
      tpu.enqueue_dma source(%dma_start3A_376 : memref<200x64xf32, #tpu.memory_space<vmem>>) target(%dma_start3A_373 : memref<200x64xf32, #tpu.memory_space<hbm>>) target_semaphore(%arg24 : memref<!tpu.dma_semaphore, #tpu.memory_space<semaphore_mem>>)
      %scan3A_377 = arith.constant 0 : i32
      %scan3A_378 = arith.constant 0 : i32
      %scan3A_379 = arith.constant 100 : i32
      %scan3A_380 = arith.addi %scan3A_378, %scan3A_379 : i32
      %scan3A_381 = arith.constant 1 : i32
      scf.for %scan3A_590 = %scan3A_378 to %scan3A_380 step %scan3A_381  : i32 {
        %mul3A_591 = arith.constant 2 : i32
        %mul3A_592 = arith.muli %scan3A_590, %mul3A_591 : i32
        %add3A_593 = arith.constant 0 : i32
        %add3A_594 = arith.addi %mul3A_592, %add3A_593 : i32
        %add3A_595 = arith.constant 200 : i32
        %add3A_596 = arith.addi %add3A_595, %add3A_594 : i32
        %get3A = arith.index_cast %add3A_594 : i32 to index
        %get3A_597 = arith.constant 0 : index
        %get3A_598 = tpu.vector_load %arg14[%get3A, %get3A_597] {strides = array<i32>} : memref<200x64xf32, #tpu.memory_space<vmem>>, vector<1x16xf32>,
        %get3A_599 = vector.shape_cast %get3A_598 : vector<1x16xf32> to vector<16xf32>
        %swap3A = arith.index_cast %add3A_596 : i32 to index
        %swap3A_600 = arith.constant 0 : index
        %swap3A_601 = tpu.vector_load %arg11[%swap3A, %swap3A_600] {strides = array<i32>} : memref<400x64xf32, #tpu.memory_space<vmem>>, vector<1x16xf32>,
        %swap3A_602 = vector.shape_cast %swap3A_601 : vector<1x16xf32> to vector<16xf32>
        %swap3A_603 = vector.shape_cast %get3A_599 : vector<16xf32> to vector<1x16xf32>
        tpu.vector_store %arg11[%swap3A, %swap3A_600], %swap3A_603 {add = true, strides = array<i32>} : memref<400x64xf32, #tpu.memory_space<vmem>>, vector<1x16xf32>,
        %add3A_604 = arith.constant 200 : i32
        %add3A_605 = arith.addi %add3A_604, %add3A_594 : i32
        %get3A_606 = arith.index_cast %add3A_594 : i32 to index
        %get3A_607 = arith.constant 16 : index
        %get3A_608 = tpu.vector_load %arg14[%get3A_606, %get3A_607] {strides = array<i32>} : memref<200x64xf32, #tpu.memory_space<vmem>>, vector<1x16xf32>,
        %get3A_609 = vector.shape_cast %get3A_608 : vector<1x16xf32> to vector<16xf32>
        %swap3A_610 = arith.index_cast %add3A_605 : i32 to index
        %swap3A_611 = arith.constant 16 : index
        %swap3A_612 = tpu.vector_load %arg11[%swap3A_610, %swap3A_611] {strides = array<i32>} : memref<400x64xf32, #tpu.memory_space<vmem>>, vector<1x16xf32>,
        %swap3A_613 = vector.shape_cast %swap3A_612 : vector<1x16xf32> to vector<16xf32>
        %swap3A_614 = vector.shape_cast %get3A_609 : vector<16xf32> to vector<1x16xf32>
        tpu.vector_store %arg11[%swap3A_610, %swap3A_611], %swap3A_614 {add = true, strides = array<i32>} : memref<400x64xf32, #tpu.memory_space<vmem>>, vector<1x16xf32>,
        %add3A_615 = arith.constant 200 : i32
        %add3A_616 = arith.addi %add3A_615, %add3A_594 : i32
        %get3A_617 = arith.index_cast %add3A_594 : i32 to index
        %get3A_618 = arith.constant 32 : index
        %get3A_619 = tpu.vector_load %arg14[%get3A_617, %get3A_618] {strides = array<i32>} : memref<200x64xf32, #tpu.memory_space<vmem>>, vector<1x16xf32>,
        %get3A_620 = vector.shape_cast %get3A_619 : vector<1x16xf32> to vector<16xf32>
        %swap3A_621 = arith.index_cast %add3A_616 : i32 to index
        %swap3A_622 = arith.constant 32 : index
        %swap3A_623 = tpu.vector_load %arg11[%swap3A_621, %swap3A_622] {strides = array<i32>} : memref<400x64xf32, #tpu.memory_space<vmem>>, vector<1x16xf32>,
        %swap3A_624 = vector.shape_cast %swap3A_623 : vector<1x16xf32> to vector<16xf32>
        %swap3A_625 = vector.shape_cast %get3A_620 : vector<16xf32> to vector<1x16xf32>
        tpu.vector_store %arg11[%swap3A_621, %swap3A_622], %swap3A_625 {add = true, strides = array<i32>} : memref<400x64xf32, #tpu.memory_space<vmem>>, vector<1x16xf32>,
        %add3A_626 = arith.constant 200 : i32
        %add3A_627 = arith.addi %add3A_626, %add3A_594 : i32
        %get3A_628 = arith.index_cast %add3A_594 : i32 to index
        %get3A_629 = arith.constant 48 : index
        %get3A_630 = tpu.vector_load %arg14[%get3A_628, %get3A_629] {strides = array<i32>} : memref<200x64xf32, #tpu.memory_space<vmem>>, vector<1x16xf32>,
        %get3A_631 = vector.shape_cast %get3A_630 : vector<1x16xf32> to vector<16xf32>
        %swap3A_632 = arith.index_cast %add3A_627 : i32 to index
        %swap3A_633 = arith.constant 48 : index
        %swap3A_634 = tpu.vector_load %arg11[%swap3A_632, %swap3A_633] {strides = array<i32>} : memref<400x64xf32, #tpu.memory_space<vmem>>, vector<1x16xf32>,
        %swap3A_635 = vector.shape_cast %swap3A_634 : vector<1x16xf32> to vector<16xf32>
        %swap3A_636 = vector.shape_cast %get3A_631 : vector<16xf32> to vector<1x16xf32>
        tpu.vector_store %arg11[%swap3A_632, %swap3A_633], %swap3A_636 {add = true, strides = array<i32>} : memref<400x64xf32, #tpu.memory_space<vmem>>, vector<1x16xf32>,
        %mul3A_637 = arith.constant 2 : i32
        %mul3A_638 = arith.muli %scan3A_590, %mul3A_637 : i32
        %add3A_639 = arith.constant 1 : i32
        %add3A_640 = arith.addi %mul3A_638, %add3A_639 : i32
        %add3A_641 = arith.constant 200 : i32
        %add3A_642 = arith.addi %add3A_641, %add3A_640 : i32
        %get3A_643 = arith.index_cast %add3A_640 : i32 to index
        %get3A_644 = arith.constant 0 : index
        %get3A_645 = tpu.vector_load %arg14[%get3A_643, %get3A_644] {strides = array<i32>} : memref<200x64xf32, #tpu.memory_space<vmem>>, vector<1x16xf32>,
        %get3A_646 = vector.shape_cast %get3A_645 : vector<1x16xf32> to vector<16xf32>
        %swap3A_647 = arith.index_cast %add3A_642 : i32 to index
        %swap3A_648 = arith.constant 0 : index
        %swap3A_649 = tpu.vector_load %arg11[%swap3A_647, %swap3A_648] {strides = array<i32>} : memref<400x64xf32, #tpu.memory_space<vmem>>, vector<1x16xf32>,
        %swap3A_650 = vector.shape_cast %swap3A_649 : vector<1x16xf32> to vector<16xf32>
        %swap3A_651 = vector.shape_cast %get3A_646 : vector<16xf32> to vector<1x16xf32>
        tpu.vector_store %arg11[%swap3A_647, %swap3A_648], %swap3A_651 {add = true, strides = array<i32>} : memref<400x64xf32, #tpu.memory_space<vmem>>, vector<1x16xf32>,
        %add3A_652 = arith.constant 200 : i32
        %add3A_653 = arith.addi %add3A_652, %add3A_640 : i32
        %get3A_654 = arith.index_cast %add3A_640 : i32 to index
        %get3A_655 = arith.constant 16 : index
        %get3A_656 = tpu.vector_load %arg14[%get3A_654, %get3A_655] {strides = array<i32>} : memref<200x64xf32, #tpu.memory_space<vmem>>, vector<1x16xf32>,
        %get3A_657 = vector.shape_cast %get3A_656 : vector<1x16xf32> to vector<16xf32>
        %swap3A_658 = arith.index_cast %add3A_653 : i32 to index
        %swap3A_659 = arith.constant 16 : index
        %swap3A_660 = tpu.vector_load %arg11[%swap3A_658, %swap3A_659] {strides = array<i32>} : memref<400x64xf32, #tpu.memory_space<vmem>>, vector<1x16xf32>,
        %swap3A_661 = vector.shape_cast %swap3A_660 : vector<1x16xf32> to vector<16xf32>
        %swap3A_662 = vector.shape_cast %get3A_657 : vector<16xf32> to vector<1x16xf32>
        tpu.vector_store %arg11[%swap3A_658, %swap3A_659], %swap3A_662 {add = true, strides = array<i32>} : memref<400x64xf32, #tpu.memory_space<vmem>>, vector<1x16xf32>,
        %add3A_663 = arith.constant 200 : i32
        %add3A_664 = arith.addi %add3A_663, %add3A_640 : i32
        %get3A_665 = arith.index_cast %add3A_640 : i32 to index
        %get3A_666 = arith.constant 32 : index
        %get3A_667 = tpu.vector_load %arg14[%get3A_665, %get3A_666] {strides = array<i32>} : memref<200x64xf32, #tpu.memory_space<vmem>>, vector<1x16xf32>,
        %get3A_668 = vector.shape_cast %get3A_667 : vector<1x16xf32> to vector<16xf32>
        %swap3A_669 = arith.index_cast %add3A_664 : i32 to index
        %swap3A_670 = arith.constant 32 : index
        %swap3A_671 = tpu.vector_load %arg11[%swap3A_669, %swap3A_670] {strides = array<i32>} : memref<400x64xf32, #tpu.memory_space<vmem>>, vector<1x16xf32>,
        %swap3A_672 = vector.shape_cast %swap3A_671 : vector<1x16xf32> to vector<16xf32>
        %swap3A_673 = vector.shape_cast %get3A_668 : vector<16xf32> to vector<1x16xf32>
        tpu.vector_store %arg11[%swap3A_669, %swap3A_670], %swap3A_673 {add = true, strides = array<i32>} : memref<400x64xf32, #tpu.memory_space<vmem>>, vector<1x16xf32>,
        %add3A_674 = arith.constant 200 : i32
        %add3A_675 = arith.addi %add3A_674, %add3A_640 : i32
        %get3A_676 = arith.index_cast %add3A_640 : i32 to index
        %get3A_677 = arith.constant 48 : index
        %get3A_678 = tpu.vector_load %arg14[%get3A_676, %get3A_677] {strides = array<i32>} : memref<200x64xf32, #tpu.memory_space<vmem>>, vector<1x16xf32>,
        %get3A_679 = vector.shape_cast %get3A_678 : vector<1x16xf32> to vector<16xf32>
        %swap3A_680 = arith.index_cast %add3A_675 : i32 to index
        %swap3A_681 = arith.constant 48 : index
        %swap3A_682 = tpu.vector_load %arg11[%swap3A_680, %swap3A_681] {strides = array<i32>} : memref<400x64xf32, #tpu.memory_space<vmem>>, vector<1x16xf32>,
        %swap3A_683 = vector.shape_cast %swap3A_682 : vector<1x16xf32> to vector<16xf32>
        %swap3A_684 = vector.shape_cast %get3A_679 : vector<16xf32> to vector<1x16xf32>
        tpu.vector_store %arg11[%swap3A_680, %swap3A_681], %swap3A_684 {add = true, strides = array<i32>} : memref<400x64xf32, #tpu.memory_space<vmem>>, vector<1x16xf32>,
      }
      %scan3A_382 = arith.constant 100 : i32
      %mul3A_383 = arith.constant 400 : i32
      %mul3A_384 = arith.muli %add3A_305, %mul3A_383 : i32
      %add3A_385 = arith.addi %mul3A_4, %mul3A_384 : i32
      %add3A_386 = arith.constant 200 : i32
      %add3A_387 = arith.addi %add3A_385, %add3A_386 : i32
      %dma_start3A_388 = arith.constant 200 : i32
      %dma_start3A_389 = arith.constant 0 : i32
      %dma_start3A_390 = tpu.memref_slice %arg11[%dma_start3A_388, %dma_start3A_389] : memref<400x64xf32, #tpu.memory_space<vmem>> -> memref<200x64xf32, #tpu.memory_space<vmem>>
      %dma_start3A_391 = arith.constant 0 : i32
      %dma_start3A_392 = tpu.memref_slice %arg5[%add3A_387, %dma_start3A_391] : memref<819200x64xf32, #tpu.memory_space<hbm>> -> memref<200x64xf32, #tpu.memory_space<hbm>>
      %dma_start3A_393 = arith.constant 0 : i32
      %dma_start3A_394 = tpu.memref_slice %arg5[%add3A_387, %dma_start3A_393] : memref<819200x64xf32, #tpu.memory_space<hbm>> -> memref<200x64xf32, #tpu.memory_space<hbm>>
      %dma_start3A_395 = arith.constant 200 : i32
      %dma_start3A_396 = arith.constant 0 : i32
      %dma_start3A_397 = tpu.memref_slice %arg11[%dma_start3A_395, %dma_start3A_396] : memref<400x64xf32, #tpu.memory_space<vmem>> -> memref<200x64xf32, #tpu.memory_space<vmem>>
      tpu.enqueue_dma source(%dma_start3A_397 : memref<200x64xf32, #tpu.memory_space<vmem>>) target(%dma_start3A_394 : memref<200x64xf32, #tpu.memory_space<hbm>>) target_semaphore(%arg24 : memref<!tpu.dma_semaphore, #tpu.memory_space<semaphore_mem>>)
      %mul3A_398 = arith.constant 4 : i32
      %mul3A_399 = arith.muli %mul3A_398, %scan3A_208 : i32
      %add3A_400 = arith.constant 2 : i32
      %add3A_401 = arith.addi %mul3A_399, %add3A_400 : i32
      %lt3A_402 = arith.constant 62 : i32
      %lt3A_403 = arith.cmpi slt, %add3A_401, %lt3A_402 : i32
      %convert_element_type3A_404 = arith.extui %lt3A_403 : i1 to i32
      %cond3A_405 = arith.constant 0 : i32
      %cond3A_406 = arith.cmpi ne, %convert_element_type3A_404, %cond3A_405 : i32
      scf.if %cond3A_406 {
        %ge3A = arith.constant 2 : i32
        %ge3A_590 = arith.cmpi sge, %add3A_401, %ge3A : i32
        %convert_element_type3A_591 = arith.extui %ge3A_590 : i1 to i32
        %cond3A_592 = arith.constant 0 : i32
        %cond3A_593 = arith.cmpi ne, %convert_element_type3A_591, %cond3A_592 : i32
        scf.if %cond3A_593 {
          %dma_wait3A_638 = arith.constant 0 : i32
          %dma_wait3A_639 = arith.constant 0 : i32
          %dma_wait3A_640 = tpu.memref_slice %arg10[%dma_wait3A_638, %dma_wait3A_639] : memref<400x64xf32, #tpu.memory_space<vmem>> -> memref<200x64xf32, #tpu.memory_space<vmem>>
          %dma_wait3A_641 = arith.constant 0 : i32
          %dma_wait3A_642 = arith.constant 0 : i32
          %dma_wait3A_643 = tpu.memref_slice %arg5[%dma_wait3A_641, %dma_wait3A_642] : memref<819200x64xf32, #tpu.memory_space<hbm>> -> memref<200x64xf32, #tpu.memory_space<hbm>>
          %dma_wait3A_644 = arith.constant 0 : i32
          %dma_wait3A_645 = arith.constant 0 : i32
          %dma_wait3A_646 = tpu.memref_slice %arg5[%dma_wait3A_644, %dma_wait3A_645] : memref<819200x64xf32, #tpu.memory_space<hbm>> -> memref<200x64xf32, #tpu.memory_space<hbm>>
          %dma_wait3A_647 = arith.constant 0 : i32
          %dma_wait3A_648 = arith.constant 0 : i32
          %dma_wait3A_649 = tpu.memref_slice %arg10[%dma_wait3A_647, %dma_wait3A_648] : memref<400x64xf32, #tpu.memory_space<vmem>> -> memref<200x64xf32, #tpu.memory_space<vmem>>
          tpu.wait_dma2 semaphore(%arg23 : memref<!tpu.dma_semaphore, #tpu.memory_space<semaphore_mem>>) src(%dma_wait3A_649 : memref<200x64xf32, #tpu.memory_space<vmem>>) dst(%dma_wait3A_646 : memref<200x64xf32, #tpu.memory_space<hbm>>)
          %dma_wait3A_650 = arith.constant 200 : i32
          %dma_wait3A_651 = arith.constant 0 : i32
          %dma_wait3A_652 = tpu.memref_slice %arg10[%dma_wait3A_650, %dma_wait3A_651] : memref<400x64xf32, #tpu.memory_space<vmem>> -> memref<200x64xf32, #tpu.memory_space<vmem>>
          %dma_wait3A_653 = arith.constant 200 : i32
          %dma_wait3A_654 = arith.constant 0 : i32
          %dma_wait3A_655 = tpu.memref_slice %arg5[%dma_wait3A_653, %dma_wait3A_654] : memref<819200x64xf32, #tpu.memory_space<hbm>> -> memref<200x64xf32, #tpu.memory_space<hbm>>
          %dma_wait3A_656 = arith.constant 200 : i32
          %dma_wait3A_657 = arith.constant 0 : i32
          %dma_wait3A_658 = tpu.memref_slice %arg5[%dma_wait3A_656, %dma_wait3A_657] : memref<819200x64xf32, #tpu.memory_space<hbm>> -> memref<200x64xf32, #tpu.memory_space<hbm>>
          %dma_wait3A_659 = arith.constant 200 : i32
          %dma_wait3A_660 = arith.constant 0 : i32
          %dma_wait3A_661 = tpu.memref_slice %arg10[%dma_wait3A_659, %dma_wait3A_660] : memref<400x64xf32, #tpu.memory_space<vmem>> -> memref<200x64xf32, #tpu.memory_space<vmem>>
          tpu.wait_dma2 semaphore(%arg23 : memref<!tpu.dma_semaphore, #tpu.memory_space<semaphore_mem>>) src(%dma_wait3A_661 : memref<200x64xf32, #tpu.memory_space<vmem>>) dst(%dma_wait3A_658 : memref<200x64xf32, #tpu.memory_space<hbm>>)
        } else {
        }
        %dma_wait3A_594 = arith.constant 0 : i32
        %dma_wait3A_595 = tpu.memref_slice %arg2[%dma_wait3A_594] : memref<819200xi32, #tpu.memory_space<hbm>> -> memref<400xi32, #tpu.memory_space<hbm>>
        %dma_wait3A_596 = arith.constant 0 : i32
        %dma_wait3A_597 = tpu.memref_slice %arg2[%dma_wait3A_596] : memref<819200xi32, #tpu.memory_space<hbm>> -> memref<400xi32, #tpu.memory_space<hbm>>
        tpu.wait_dma2 semaphore(%arg15 : memref<!tpu.dma_semaphore, #tpu.memory_space<semaphore_mem>>) src(%dma_wait3A_597 : memref<400xi32, #tpu.memory_space<hbm>>) dst(%arg6 : memref<400xi32, #tpu.memory_space<vmem>>)
        %dma_start3A_598 = arith.constant 0 : i32
        %dma_start3A_599 = arith.constant 0 : i32
        %dma_start3A_600 = tpu.memref_slice %arg10[%dma_start3A_598, %dma_start3A_599] : memref<400x64xf32, #tpu.memory_space<vmem>> -> memref<80x64xf32, #tpu.memory_space<vmem>>
        %dma_start3A_601 = arith.constant 0 : i32
        %dma_start3A_602 = tpu.memref_slice %arg6[%dma_start3A_601] : memref<400xi32, #tpu.memory_space<vmem>> -> memref<80xi32, #tpu.memory_space<vmem>>
        %dma_start3A_603 = arith.constant 0 : i32
        %dma_start3A_604 = arith.constant 0 : i32
        %dma_start3A_605 = tpu.memref_slice %arg3[%dma_start3A_603, %dma_start3A_604] : memref<100000x64xf32, #tpu.memory_space<hbm>> -> memref<100000x64xf32, #tpu.memory_space<hbm>>
        tpu.enqueue_indirect_dma source(%dma_start3A_605 : memref<100000x64xf32, #tpu.memory_space<hbm>>) target(%dma_start3A_600 : memref<80x64xf32, #tpu.memory_space<vmem>>) offsets(%dma_start3A_602 : memref<80xi32, #tpu.memory_space<vmem>>) semaphore(%arg19 : memref<!tpu.dma_semaphore, #tpu.memory_space<semaphore_mem>>)
        %dma_start3A_606 = arith.constant 80 : i32
        %dma_start3A_607 = arith.constant 0 : i32
        %dma_start3A_608 = tpu.memref_slice %arg10[%dma_start3A_606, %dma_start3A_607] : memref<400x64xf32, #tpu.memory_space<vmem>> -> memref<80x64xf32, #tpu.memory_space<vmem>>
        %dma_start3A_609 = arith.constant 80 : i32
        %dma_start3A_610 = tpu.memref_slice %arg6[%dma_start3A_609] : memref<400xi32, #tpu.memory_space<vmem>> -> memref<80xi32, #tpu.memory_space<vmem>>
        %dma_start3A_611 = arith.constant 0 : i32
        %dma_start3A_612 = arith.constant 0 : i32
        %dma_start3A_613 = tpu.memref_slice %arg3[%dma_start3A_611, %dma_start3A_612] : memref<100000x64xf32, #tpu.memory_space<hbm>> -> memref<100000x64xf32, #tpu.memory_space<hbm>>
        tpu.enqueue_indirect_dma source(%dma_start3A_613 : memref<100000x64xf32, #tpu.memory_space<hbm>>) target(%dma_start3A_608 : memref<80x64xf32, #tpu.memory_space<vmem>>) offsets(%dma_start3A_610 : memref<80xi32, #tpu.memory_space<vmem>>) semaphore(%arg19 : memref<!tpu.dma_semaphore, #tpu.memory_space<semaphore_mem>>)
        %dma_start3A_614 = arith.constant 160 : i32
        %dma_start3A_615 = arith.constant 0 : i32
        %dma_start3A_616 = tpu.memref_slice %arg10[%dma_start3A_614, %dma_start3A_615] : memref<400x64xf32, #tpu.memory_space<vmem>> -> memref<80x64xf32, #tpu.memory_space<vmem>>
        %dma_start3A_617 = arith.constant 160 : i32
        %dma_start3A_618 = tpu.memref_slice %arg6[%dma_start3A_617] : memref<400xi32, #tpu.memory_space<vmem>> -> memref<80xi32, #tpu.memory_space<vmem>>
        %dma_start3A_619 = arith.constant 0 : i32
        %dma_start3A_620 = arith.constant 0 : i32
        %dma_start3A_621 = tpu.memref_slice %arg3[%dma_start3A_619, %dma_start3A_620] : memref<100000x64xf32, #tpu.memory_space<hbm>> -> memref<100000x64xf32, #tpu.memory_space<hbm>>
        tpu.enqueue_indirect_dma source(%dma_start3A_621 : memref<100000x64xf32, #tpu.memory_space<hbm>>) target(%dma_start3A_616 : memref<80x64xf32, #tpu.memory_space<vmem>>) offsets(%dma_start3A_618 : memref<80xi32, #tpu.memory_space<vmem>>) semaphore(%arg19 : memref<!tpu.dma_semaphore, #tpu.memory_space<semaphore_mem>>)
        %dma_start3A_622 = arith.constant 240 : i32
        %dma_start3A_623 = arith.constant 0 : i32
        %dma_start3A_624 = tpu.memref_slice %arg10[%dma_start3A_622, %dma_start3A_623] : memref<400x64xf32, #tpu.memory_space<vmem>> -> memref<80x64xf32, #tpu.memory_space<vmem>>
        %dma_start3A_625 = arith.constant 240 : i32
        %dma_start3A_626 = tpu.memref_slice %arg6[%dma_start3A_625] : memref<400xi32, #tpu.memory_space<vmem>> -> memref<80xi32, #tpu.memory_space<vmem>>
        %dma_start3A_627 = arith.constant 0 : i32
        %dma_start3A_628 = arith.constant 0 : i32
        %dma_start3A_629 = tpu.memref_slice %arg3[%dma_start3A_627, %dma_start3A_628] : memref<100000x64xf32, #tpu.memory_space<hbm>> -> memref<100000x64xf32, #tpu.memory_space<hbm>>
        tpu.enqueue_indirect_dma source(%dma_start3A_629 : memref<100000x64xf32, #tpu.memory_space<hbm>>) target(%dma_start3A_624 : memref<80x64xf32, #tpu.memory_space<vmem>>) offsets(%dma_start3A_626 : memref<80xi32, #tpu.memory_space<vmem>>) semaphore(%arg19 : memref<!tpu.dma_semaphore, #tpu.memory_space<semaphore_mem>>)
        %dma_start3A_630 = arith.constant 320 : i32
        %dma_start3A_631 = arith.constant 0 : i32
        %dma_start3A_632 = tpu.memref_slice %arg10[%dma_start3A_630, %dma_start3A_631] : memref<400x64xf32, #tpu.memory_space<vmem>> -> memref<80x64xf32, #tpu.memory_space<vmem>>
        %dma_start3A_633 = arith.constant 320 : i32
        %dma_start3A_634 = tpu.memref_slice %arg6[%dma_start3A_633] : memref<400xi32, #tpu.memory_space<vmem>> -> memref<80xi32, #tpu.memory_space<vmem>>
        %dma_start3A_635 = arith.constant 0 : i32
        %dma_start3A_636 = arith.constant 0 : i32
        %dma_start3A_637 = tpu.memref_slice %arg3[%dma_start3A_635, %dma_start3A_636] : memref<100000x64xf32, #tpu.memory_space<hbm>> -> memref<100000x64xf32, #tpu.memory_space<hbm>>
        tpu.enqueue_indirect_dma source(%dma_start3A_637 : memref<100000x64xf32, #tpu.memory_space<hbm>>) target(%dma_start3A_632 : memref<80x64xf32, #tpu.memory_space<vmem>>) offsets(%dma_start3A_634 : memref<80xi32, #tpu.memory_space<vmem>>) semaphore(%arg19 : memref<!tpu.dma_semaphore, #tpu.memory_space<semaphore_mem>>)
      } else {
      }
      %dma_wait3A_407 = arith.constant 0 : i32
      %dma_wait3A_408 = arith.constant 0 : i32
      %dma_wait3A_409 = tpu.memref_slice %arg12[%dma_wait3A_407, %dma_wait3A_408] : memref<400x64xf32, #tpu.memory_space<vmem>> -> memref<80x64xf32, #tpu.memory_space<vmem>>
      %dma_wait3A_410 = arith.constant 0 : i32
      %dma_wait3A_411 = tpu.memref_slice %arg8[%dma_wait3A_410] : memref<400xi32, #tpu.memory_space<vmem>> -> memref<80xi32, #tpu.memory_space<vmem>>
      %dma_wait3A_412 = arith.constant 0 : i32
      %dma_wait3A_413 = arith.constant 0 : i32
      %dma_wait3A_414 = tpu.memref_slice %arg3[%dma_wait3A_412, %dma_wait3A_413] : memref<100000x64xf32, #tpu.memory_space<hbm>> -> memref<100000x64xf32, #tpu.memory_space<hbm>>
      tpu.wait_indirect_dma semaphore(%arg21 : memref<!tpu.dma_semaphore, #tpu.memory_space<semaphore_mem>>) src(%dma_wait3A_414 : memref<100000x64xf32, #tpu.memory_space<hbm>>) dst(%dma_wait3A_409 : memref<80x64xf32, #tpu.memory_space<vmem>>)
      %dma_wait3A_415 = arith.constant 80 : i32
      %dma_wait3A_416 = arith.constant 0 : i32
      %dma_wait3A_417 = tpu.memref_slice %arg12[%dma_wait3A_415, %dma_wait3A_416] : memref<400x64xf32, #tpu.memory_space<vmem>> -> memref<80x64xf32, #tpu.memory_space<vmem>>
      %dma_wait3A_418 = arith.constant 80 : i32
      %dma_wait3A_419 = tpu.memref_slice %arg8[%dma_wait3A_418] : memref<400xi32, #tpu.memory_space<vmem>> -> memref<80xi32, #tpu.memory_space<vmem>>
      %dma_wait3A_420 = arith.constant 0 : i32
      %dma_wait3A_421 = arith.constant 0 : i32
      %dma_wait3A_422 = tpu.memref_slice %arg3[%dma_wait3A_420, %dma_wait3A_421] : memref<100000x64xf32, #tpu.memory_space<hbm>> -> memref<100000x64xf32, #tpu.memory_space<hbm>>
      tpu.wait_indirect_dma semaphore(%arg21 : memref<!tpu.dma_semaphore, #tpu.memory_space<semaphore_mem>>) src(%dma_wait3A_422 : memref<100000x64xf32, #tpu.memory_space<hbm>>) dst(%dma_wait3A_417 : memref<80x64xf32, #tpu.memory_space<vmem>>)
      %dma_wait3A_423 = arith.constant 160 : i32
      %dma_wait3A_424 = arith.constant 0 : i32
      %dma_wait3A_425 = tpu.memref_slice %arg12[%dma_wait3A_423, %dma_wait3A_424] : memref<400x64xf32, #tpu.memory_space<vmem>> -> memref<80x64xf32, #tpu.memory_space<vmem>>
      %dma_wait3A_426 = arith.constant 160 : i32
      %dma_wait3A_427 = tpu.memref_slice %arg8[%dma_wait3A_426] : memref<400xi32, #tpu.memory_space<vmem>> -> memref<80xi32, #tpu.memory_space<vmem>>
      %dma_wait3A_428 = arith.constant 0 : i32
      %dma_wait3A_429 = arith.constant 0 : i32
      %dma_wait3A_430 = tpu.memref_slice %arg3[%dma_wait3A_428, %dma_wait3A_429] : memref<100000x64xf32, #tpu.memory_space<hbm>> -> memref<100000x64xf32, #tpu.memory_space<hbm>>
      tpu.wait_indirect_dma semaphore(%arg21 : memref<!tpu.dma_semaphore, #tpu.memory_space<semaphore_mem>>) src(%dma_wait3A_430 : memref<100000x64xf32, #tpu.memory_space<hbm>>) dst(%dma_wait3A_425 : memref<80x64xf32, #tpu.memory_space<vmem>>)
      %dma_wait3A_431 = arith.constant 240 : i32
      %dma_wait3A_432 = arith.constant 0 : i32
      %dma_wait3A_433 = tpu.memref_slice %arg12[%dma_wait3A_431, %dma_wait3A_432] : memref<400x64xf32, #tpu.memory_space<vmem>> -> memref<80x64xf32, #tpu.memory_space<vmem>>
      %dma_wait3A_434 = arith.constant 240 : i32
      %dma_wait3A_435 = tpu.memref_slice %arg8[%dma_wait3A_434] : memref<400xi32, #tpu.memory_space<vmem>> -> memref<80xi32, #tpu.memory_space<vmem>>
      %dma_wait3A_436 = arith.constant 0 : i32
      %dma_wait3A_437 = arith.constant 0 : i32
      %dma_wait3A_438 = tpu.memref_slice %arg3[%dma_wait3A_436, %dma_wait3A_437] : memref<100000x64xf32, #tpu.memory_space<hbm>> -> memref<100000x64xf32, #tpu.memory_space<hbm>>
      tpu.wait_indirect_dma semaphore(%arg21 : memref<!tpu.dma_semaphore, #tpu.memory_space<semaphore_mem>>) src(%dma_wait3A_438 : memref<100000x64xf32, #tpu.memory_space<hbm>>) dst(%dma_wait3A_433 : memref<80x64xf32, #tpu.memory_space<vmem>>)
      %dma_wait3A_439 = arith.constant 320 : i32
      %dma_wait3A_440 = arith.constant 0 : i32
      %dma_wait3A_441 = tpu.memref_slice %arg12[%dma_wait3A_439, %dma_wait3A_440] : memref<400x64xf32, #tpu.memory_space<vmem>> -> memref<80x64xf32, #tpu.memory_space<vmem>>
      %dma_wait3A_442 = arith.constant 320 : i32
      %dma_wait3A_443 = tpu.memref_slice %arg8[%dma_wait3A_442] : memref<400xi32, #tpu.memory_space<vmem>> -> memref<80xi32, #tpu.memory_space<vmem>>
      %dma_wait3A_444 = arith.constant 0 : i32
      %dma_wait3A_445 = arith.constant 0 : i32
      %dma_wait3A_446 = tpu.memref_slice %arg3[%dma_wait3A_444, %dma_wait3A_445] : memref<100000x64xf32, #tpu.memory_space<hbm>> -> memref<100000x64xf32, #tpu.memory_space<hbm>>
      tpu.wait_indirect_dma semaphore(%arg21 : memref<!tpu.dma_semaphore, #tpu.memory_space<semaphore_mem>>) src(%dma_wait3A_446 : memref<100000x64xf32, #tpu.memory_space<hbm>>) dst(%dma_wait3A_441 : memref<80x64xf32, #tpu.memory_space<vmem>>)
      %lt3A_447 = arith.constant 60 : i32
      %lt3A_448 = arith.cmpi slt, %add3A_401, %lt3A_447 : i32
      %convert_element_type3A_449 = arith.extui %lt3A_448 : i1 to i32
      %cond3A_450 = arith.constant 0 : i32
      %cond3A_451 = arith.cmpi ne, %convert_element_type3A_449, %cond3A_450 : i32
      scf.if %cond3A_451 {
        %add3A_590 = arith.constant 4 : i32
        %add3A_591 = arith.addi %add3A_401, %add3A_590 : i32
        %mul3A_592 = arith.constant 400 : i32
        %mul3A_593 = arith.muli %add3A_591, %mul3A_592 : i32
        %add3A_594 = arith.addi %mul3A_4, %mul3A_593 : i32
        %dma_start3A_595 = tpu.memref_slice %arg2[%add3A_594] : memref<819200xi32, #tpu.memory_space<hbm>> -> memref<400xi32, #tpu.memory_space<hbm>>
        %dma_start3A_596 = tpu.memref_slice %arg2[%add3A_594] : memref<819200xi32, #tpu.memory_space<hbm>> -> memref<400xi32, #tpu.memory_space<hbm>>
        tpu.enqueue_dma source(%dma_start3A_596 : memref<400xi32, #tpu.memory_space<hbm>>) target(%arg8 : memref<400xi32, #tpu.memory_space<vmem>>) target_semaphore(%arg17 : memref<!tpu.dma_semaphore, #tpu.memory_space<semaphore_mem>>)
      } else {
      }
      %scan3A_452 = arith.constant 0 : i32
      %scan3A_453 = arith.constant 0 : i32
      %scan3A_454 = arith.constant 100 : i32
      %scan3A_455 = arith.addi %scan3A_453, %scan3A_454 : i32
      %scan3A_456 = arith.constant 1 : i32
      scf.for %scan3A_590 = %scan3A_453 to %scan3A_455 step %scan3A_456  : i32 {
        %mul3A_591 = arith.constant 2 : i32
        %mul3A_592 = arith.muli %scan3A_590, %mul3A_591 : i32
        %add3A_593 = arith.constant 0 : i32
        %add3A_594 = arith.addi %mul3A_592, %add3A_593 : i32
        %add3A_595 = arith.constant 0 : i32
        %add3A_596 = arith.addi %add3A_595, %add3A_594 : i32
        %get3A = arith.index_cast %add3A_594 : i32 to index
        %get3A_597 = arith.constant 0 : index
        %get3A_598 = tpu.vector_load %arg14[%get3A, %get3A_597] {strides = array<i32>} : memref<200x64xf32, #tpu.memory_space<vmem>>, vector<1x16xf32>,
        %get3A_599 = vector.shape_cast %get3A_598 : vector<1x16xf32> to vector<16xf32>
        %swap3A = arith.index_cast %add3A_596 : i32 to index
        %swap3A_600 = arith.constant 0 : index
        %swap3A_601 = tpu.vector_load %arg12[%swap3A, %swap3A_600] {strides = array<i32>} : memref<400x64xf32, #tpu.memory_space<vmem>>, vector<1x16xf32>,
        %swap3A_602 = vector.shape_cast %swap3A_601 : vector<1x16xf32> to vector<16xf32>
        %swap3A_603 = vector.shape_cast %get3A_599 : vector<16xf32> to vector<1x16xf32>
        tpu.vector_store %arg12[%swap3A, %swap3A_600], %swap3A_603 {add = true, strides = array<i32>} : memref<400x64xf32, #tpu.memory_space<vmem>>, vector<1x16xf32>,
        %add3A_604 = arith.constant 0 : i32
        %add3A_605 = arith.addi %add3A_604, %add3A_594 : i32
        %get3A_606 = arith.index_cast %add3A_594 : i32 to index
        %get3A_607 = arith.constant 16 : index
        %get3A_608 = tpu.vector_load %arg14[%get3A_606, %get3A_607] {strides = array<i32>} : memref<200x64xf32, #tpu.memory_space<vmem>>, vector<1x16xf32>,
        %get3A_609 = vector.shape_cast %get3A_608 : vector<1x16xf32> to vector<16xf32>
        %swap3A_610 = arith.index_cast %add3A_605 : i32 to index
        %swap3A_611 = arith.constant 16 : index
        %swap3A_612 = tpu.vector_load %arg12[%swap3A_610, %swap3A_611] {strides = array<i32>} : memref<400x64xf32, #tpu.memory_space<vmem>>, vector<1x16xf32>,
        %swap3A_613 = vector.shape_cast %swap3A_612 : vector<1x16xf32> to vector<16xf32>
        %swap3A_614 = vector.shape_cast %get3A_609 : vector<16xf32> to vector<1x16xf32>
        tpu.vector_store %arg12[%swap3A_610, %swap3A_611], %swap3A_614 {add = true, strides = array<i32>} : memref<400x64xf32, #tpu.memory_space<vmem>>, vector<1x16xf32>,
        %add3A_615 = arith.constant 0 : i32
        %add3A_616 = arith.addi %add3A_615, %add3A_594 : i32
        %get3A_617 = arith.index_cast %add3A_594 : i32 to index
        %get3A_618 = arith.constant 32 : index
        %get3A_619 = tpu.vector_load %arg14[%get3A_617, %get3A_618] {strides = array<i32>} : memref<200x64xf32, #tpu.memory_space<vmem>>, vector<1x16xf32>,
        %get3A_620 = vector.shape_cast %get3A_619 : vector<1x16xf32> to vector<16xf32>
        %swap3A_621 = arith.index_cast %add3A_616 : i32 to index
        %swap3A_622 = arith.constant 32 : index
        %swap3A_623 = tpu.vector_load %arg12[%swap3A_621, %swap3A_622] {strides = array<i32>} : memref<400x64xf32, #tpu.memory_space<vmem>>, vector<1x16xf32>,
        %swap3A_624 = vector.shape_cast %swap3A_623 : vector<1x16xf32> to vector<16xf32>
        %swap3A_625 = vector.shape_cast %get3A_620 : vector<16xf32> to vector<1x16xf32>
        tpu.vector_store %arg12[%swap3A_621, %swap3A_622], %swap3A_625 {add = true, strides = array<i32>} : memref<400x64xf32, #tpu.memory_space<vmem>>, vector<1x16xf32>,
        %add3A_626 = arith.constant 0 : i32
        %add3A_627 = arith.addi %add3A_626, %add3A_594 : i32
        %get3A_628 = arith.index_cast %add3A_594 : i32 to index
        %get3A_629 = arith.constant 48 : index
        %get3A_630 = tpu.vector_load %arg14[%get3A_628, %get3A_629] {strides = array<i32>} : memref<200x64xf32, #tpu.memory_space<vmem>>, vector<1x16xf32>,
        %get3A_631 = vector.shape_cast %get3A_630 : vector<1x16xf32> to vector<16xf32>
        %swap3A_632 = arith.index_cast %add3A_627 : i32 to index
        %swap3A_633 = arith.constant 48 : index
        %swap3A_634 = tpu.vector_load %arg12[%swap3A_632, %swap3A_633] {strides = array<i32>} : memref<400x64xf32, #tpu.memory_space<vmem>>, vector<1x16xf32>,
        %swap3A_635 = vector.shape_cast %swap3A_634 : vector<1x16xf32> to vector<16xf32>
        %swap3A_636 = vector.shape_cast %get3A_631 : vector<16xf32> to vector<1x16xf32>
        tpu.vector_store %arg12[%swap3A_632, %swap3A_633], %swap3A_636 {add = true, strides = array<i32>} : memref<400x64xf32, #tpu.memory_space<vmem>>, vector<1x16xf32>,
        %mul3A_637 = arith.constant 2 : i32
        %mul3A_638 = arith.muli %scan3A_590, %mul3A_637 : i32
        %add3A_639 = arith.constant 1 : i32
        %add3A_640 = arith.addi %mul3A_638, %add3A_639 : i32
        %add3A_641 = arith.constant 0 : i32
        %add3A_642 = arith.addi %add3A_641, %add3A_640 : i32
        %get3A_643 = arith.index_cast %add3A_640 : i32 to index
        %get3A_644 = arith.constant 0 : index
        %get3A_645 = tpu.vector_load %arg14[%get3A_643, %get3A_644] {strides = array<i32>} : memref<200x64xf32, #tpu.memory_space<vmem>>, vector<1x16xf32>,
        %get3A_646 = vector.shape_cast %get3A_645 : vector<1x16xf32> to vector<16xf32>
        %swap3A_647 = arith.index_cast %add3A_642 : i32 to index
        %swap3A_648 = arith.constant 0 : index
        %swap3A_649 = tpu.vector_load %arg12[%swap3A_647, %swap3A_648] {strides = array<i32>} : memref<400x64xf32, #tpu.memory_space<vmem>>, vector<1x16xf32>,
        %swap3A_650 = vector.shape_cast %swap3A_649 : vector<1x16xf32> to vector<16xf32>
        %swap3A_651 = vector.shape_cast %get3A_646 : vector<16xf32> to vector<1x16xf32>
        tpu.vector_store %arg12[%swap3A_647, %swap3A_648], %swap3A_651 {add = true, strides = array<i32>} : memref<400x64xf32, #tpu.memory_space<vmem>>, vector<1x16xf32>,
        %add3A_652 = arith.constant 0 : i32
        %add3A_653 = arith.addi %add3A_652, %add3A_640 : i32
        %get3A_654 = arith.index_cast %add3A_640 : i32 to index
        %get3A_655 = arith.constant 16 : index
        %get3A_656 = tpu.vector_load %arg14[%get3A_654, %get3A_655] {strides = array<i32>} : memref<200x64xf32, #tpu.memory_space<vmem>>, vector<1x16xf32>,
        %get3A_657 = vector.shape_cast %get3A_656 : vector<1x16xf32> to vector<16xf32>
        %swap3A_658 = arith.index_cast %add3A_653 : i32 to index
        %swap3A_659 = arith.constant 16 : index
        %swap3A_660 = tpu.vector_load %arg12[%swap3A_658, %swap3A_659] {strides = array<i32>} : memref<400x64xf32, #tpu.memory_space<vmem>>, vector<1x16xf32>,
        %swap3A_661 = vector.shape_cast %swap3A_660 : vector<1x16xf32> to vector<16xf32>
        %swap3A_662 = vector.shape_cast %get3A_657 : vector<16xf32> to vector<1x16xf32>
        tpu.vector_store %arg12[%swap3A_658, %swap3A_659], %swap3A_662 {add = true, strides = array<i32>} : memref<400x64xf32, #tpu.memory_space<vmem>>, vector<1x16xf32>,
        %add3A_663 = arith.constant 0 : i32
        %add3A_664 = arith.addi %add3A_663, %add3A_640 : i32
        %get3A_665 = arith.index_cast %add3A_640 : i32 to index
        %get3A_666 = arith.constant 32 : index
        %get3A_667 = tpu.vector_load %arg14[%get3A_665, %get3A_666] {strides = array<i32>} : memref<200x64xf32, #tpu.memory_space<vmem>>, vector<1x16xf32>,
        %get3A_668 = vector.shape_cast %get3A_667 : vector<1x16xf32> to vector<16xf32>
        %swap3A_669 = arith.index_cast %add3A_664 : i32 to index
        %swap3A_670 = arith.constant 32 : index
        %swap3A_671 = tpu.vector_load %arg12[%swap3A_669, %swap3A_670] {strides = array<i32>} : memref<400x64xf32, #tpu.memory_space<vmem>>, vector<1x16xf32>,
        %swap3A_672 = vector.shape_cast %swap3A_671 : vector<1x16xf32> to vector<16xf32>
        %swap3A_673 = vector.shape_cast %get3A_668 : vector<16xf32> to vector<1x16xf32>
        tpu.vector_store %arg12[%swap3A_669, %swap3A_670], %swap3A_673 {add = true, strides = array<i32>} : memref<400x64xf32, #tpu.memory_space<vmem>>, vector<1x16xf32>,
        %add3A_674 = arith.constant 0 : i32
        %add3A_675 = arith.addi %add3A_674, %add3A_640 : i32
        %get3A_676 = arith.index_cast %add3A_640 : i32 to index
        %get3A_677 = arith.constant 48 : index
        %get3A_678 = tpu.vector_load %arg14[%get3A_676, %get3A_677] {strides = array<i32>} : memref<200x64xf32, #tpu.memory_space<vmem>>, vector<1x16xf32>,
        %get3A_679 = vector.shape_cast %get3A_678 : vector<1x16xf32> to vector<16xf32>
        %swap3A_680 = arith.index_cast %add3A_675 : i32 to index
        %swap3A_681 = arith.constant 48 : index
        %swap3A_682 = tpu.vector_load %arg12[%swap3A_680, %swap3A_681] {strides = array<i32>} : memref<400x64xf32, #tpu.memory_space<vmem>>, vector<1x16xf32>,
        %swap3A_683 = vector.shape_cast %swap3A_682 : vector<1x16xf32> to vector<16xf32>
        %swap3A_684 = vector.shape_cast %get3A_679 : vector<16xf32> to vector<1x16xf32>
        tpu.vector_store %arg12[%swap3A_680, %swap3A_681], %swap3A_684 {add = true, strides = array<i32>} : memref<400x64xf32, #tpu.memory_space<vmem>>, vector<1x16xf32>,
      }
      %scan3A_457 = arith.constant 100 : i32
      %mul3A_458 = arith.constant 400 : i32
      %mul3A_459 = arith.muli %add3A_401, %mul3A_458 : i32
      %add3A_460 = arith.addi %mul3A_4, %mul3A_459 : i32
      %add3A_461 = arith.constant 0 : i32
      %add3A_462 = arith.addi %add3A_460, %add3A_461 : i32
      %dma_start3A_463 = arith.constant 0 : i32
      %dma_start3A_464 = arith.constant 0 : i32
      %dma_start3A_465 = tpu.memref_slice %arg12[%dma_start3A_463, %dma_start3A_464] : memref<400x64xf32, #tpu.memory_space<vmem>> -> memref<200x64xf32, #tpu.memory_space<vmem>>
      %dma_start3A_466 = arith.constant 0 : i32
      %dma_start3A_467 = tpu.memref_slice %arg5[%add3A_462, %dma_start3A_466] : memref<819200x64xf32, #tpu.memory_space<hbm>> -> memref<200x64xf32, #tpu.memory_space<hbm>>
      %dma_start3A_468 = arith.constant 0 : i32
      %dma_start3A_469 = tpu.memref_slice %arg5[%add3A_462, %dma_start3A_468] : memref<819200x64xf32, #tpu.memory_space<hbm>> -> memref<200x64xf32, #tpu.memory_space<hbm>>
      %dma_start3A_470 = arith.constant 0 : i32
      %dma_start3A_471 = arith.constant 0 : i32
      %dma_start3A_472 = tpu.memref_slice %arg12[%dma_start3A_470, %dma_start3A_471] : memref<400x64xf32, #tpu.memory_space<vmem>> -> memref<200x64xf32, #tpu.memory_space<vmem>>
      tpu.enqueue_dma source(%dma_start3A_472 : memref<200x64xf32, #tpu.memory_space<vmem>>) target(%dma_start3A_469 : memref<200x64xf32, #tpu.memory_space<hbm>>) target_semaphore(%arg25 : memref<!tpu.dma_semaphore, #tpu.memory_space<semaphore_mem>>)
      %scan3A_473 = arith.constant 0 : i32
      %scan3A_474 = arith.constant 0 : i32
      %scan3A_475 = arith.constant 100 : i32
      %scan3A_476 = arith.addi %scan3A_474, %scan3A_475 : i32
      %scan3A_477 = arith.constant 1 : i32
      scf.for %scan3A_590 = %scan3A_474 to %scan3A_476 step %scan3A_477  : i32 {
        %mul3A_591 = arith.constant 2 : i32
        %mul3A_592 = arith.muli %scan3A_590, %mul3A_591 : i32
        %add3A_593 = arith.constant 0 : i32
        %add3A_594 = arith.addi %mul3A_592, %add3A_593 : i32
        %add3A_595 = arith.constant 200 : i32
        %add3A_596 = arith.addi %add3A_595, %add3A_594 : i32
        %get3A = arith.index_cast %add3A_594 : i32 to index
        %get3A_597 = arith.constant 0 : index
        %get3A_598 = tpu.vector_load %arg14[%get3A, %get3A_597] {strides = array<i32>} : memref<200x64xf32, #tpu.memory_space<vmem>>, vector<1x16xf32>,
        %get3A_599 = vector.shape_cast %get3A_598 : vector<1x16xf32> to vector<16xf32>
        %swap3A = arith.index_cast %add3A_596 : i32 to index
        %swap3A_600 = arith.constant 0 : index
        %swap3A_601 = tpu.vector_load %arg12[%swap3A, %swap3A_600] {strides = array<i32>} : memref<400x64xf32, #tpu.memory_space<vmem>>, vector<1x16xf32>,
        %swap3A_602 = vector.shape_cast %swap3A_601 : vector<1x16xf32> to vector<16xf32>
        %swap3A_603 = vector.shape_cast %get3A_599 : vector<16xf32> to vector<1x16xf32>
        tpu.vector_store %arg12[%swap3A, %swap3A_600], %swap3A_603 {add = true, strides = array<i32>} : memref<400x64xf32, #tpu.memory_space<vmem>>, vector<1x16xf32>,
        %add3A_604 = arith.constant 200 : i32
        %add3A_605 = arith.addi %add3A_604, %add3A_594 : i32
        %get3A_606 = arith.index_cast %add3A_594 : i32 to index
        %get3A_607 = arith.constant 16 : index
        %get3A_608 = tpu.vector_load %arg14[%get3A_606, %get3A_607] {strides = array<i32>} : memref<200x64xf32, #tpu.memory_space<vmem>>, vector<1x16xf32>,
        %get3A_609 = vector.shape_cast %get3A_608 : vector<1x16xf32> to vector<16xf32>
        %swap3A_610 = arith.index_cast %add3A_605 : i32 to index
        %swap3A_611 = arith.constant 16 : index
        %swap3A_612 = tpu.vector_load %arg12[%swap3A_610, %swap3A_611] {strides = array<i32>} : memref<400x64xf32, #tpu.memory_space<vmem>>, vector<1x16xf32>,
        %swap3A_613 = vector.shape_cast %swap3A_612 : vector<1x16xf32> to vector<16xf32>
        %swap3A_614 = vector.shape_cast %get3A_609 : vector<16xf32> to vector<1x16xf32>
        tpu.vector_store %arg12[%swap3A_610, %swap3A_611], %swap3A_614 {add = true, strides = array<i32>} : memref<400x64xf32, #tpu.memory_space<vmem>>, vector<1x16xf32>,
        %add3A_615 = arith.constant 200 : i32
        %add3A_616 = arith.addi %add3A_615, %add3A_594 : i32
        %get3A_617 = arith.index_cast %add3A_594 : i32 to index
        %get3A_618 = arith.constant 32 : index
        %get3A_619 = tpu.vector_load %arg14[%get3A_617, %get3A_618] {strides = array<i32>} : memref<200x64xf32, #tpu.memory_space<vmem>>, vector<1x16xf32>,
        %get3A_620 = vector.shape_cast %get3A_619 : vector<1x16xf32> to vector<16xf32>
        %swap3A_621 = arith.index_cast %add3A_616 : i32 to index
        %swap3A_622 = arith.constant 32 : index
        %swap3A_623 = tpu.vector_load %arg12[%swap3A_621, %swap3A_622] {strides = array<i32>} : memref<400x64xf32, #tpu.memory_space<vmem>>, vector<1x16xf32>,
        %swap3A_624 = vector.shape_cast %swap3A_623 : vector<1x16xf32> to vector<16xf32>
        %swap3A_625 = vector.shape_cast %get3A_620 : vector<16xf32> to vector<1x16xf32>
        tpu.vector_store %arg12[%swap3A_621, %swap3A_622], %swap3A_625 {add = true, strides = array<i32>} : memref<400x64xf32, #tpu.memory_space<vmem>>, vector<1x16xf32>,
        %add3A_626 = arith.constant 200 : i32
        %add3A_627 = arith.addi %add3A_626, %add3A_594 : i32
        %get3A_628 = arith.index_cast %add3A_594 : i32 to index
        %get3A_629 = arith.constant 48 : index
        %get3A_630 = tpu.vector_load %arg14[%get3A_628, %get3A_629] {strides = array<i32>} : memref<200x64xf32, #tpu.memory_space<vmem>>, vector<1x16xf32>,
        %get3A_631 = vector.shape_cast %get3A_630 : vector<1x16xf32> to vector<16xf32>
        %swap3A_632 = arith.index_cast %add3A_627 : i32 to index
        %swap3A_633 = arith.constant 48 : index
        %swap3A_634 = tpu.vector_load %arg12[%swap3A_632, %swap3A_633] {strides = array<i32>} : memref<400x64xf32, #tpu.memory_space<vmem>>, vector<1x16xf32>,
        %swap3A_635 = vector.shape_cast %swap3A_634 : vector<1x16xf32> to vector<16xf32>
        %swap3A_636 = vector.shape_cast %get3A_631 : vector<16xf32> to vector<1x16xf32>
        tpu.vector_store %arg12[%swap3A_632, %swap3A_633], %swap3A_636 {add = true, strides = array<i32>} : memref<400x64xf32, #tpu.memory_space<vmem>>, vector<1x16xf32>,
        %mul3A_637 = arith.constant 2 : i32
        %mul3A_638 = arith.muli %scan3A_590, %mul3A_637 : i32
        %add3A_639 = arith.constant 1 : i32
        %add3A_640 = arith.addi %mul3A_638, %add3A_639 : i32
        %add3A_641 = arith.constant 200 : i32
        %add3A_642 = arith.addi %add3A_641, %add3A_640 : i32
        %get3A_643 = arith.index_cast %add3A_640 : i32 to index
        %get3A_644 = arith.constant 0 : index
        %get3A_645 = tpu.vector_load %arg14[%get3A_643, %get3A_644] {strides = array<i32>} : memref<200x64xf32, #tpu.memory_space<vmem>>, vector<1x16xf32>,
        %get3A_646 = vector.shape_cast %get3A_645 : vector<1x16xf32> to vector<16xf32>
        %swap3A_647 = arith.index_cast %add3A_642 : i32 to index
        %swap3A_648 = arith.constant 0 : index
        %swap3A_649 = tpu.vector_load %arg12[%swap3A_647, %swap3A_648] {strides = array<i32>} : memref<400x64xf32, #tpu.memory_space<vmem>>, vector<1x16xf32>,
        %swap3A_650 = vector.shape_cast %swap3A_649 : vector<1x16xf32> to vector<16xf32>
        %swap3A_651 = vector.shape_cast %get3A_646 : vector<16xf32> to vector<1x16xf32>
        tpu.vector_store %arg12[%swap3A_647, %swap3A_648], %swap3A_651 {add = true, strides = array<i32>} : memref<400x64xf32, #tpu.memory_space<vmem>>, vector<1x16xf32>,
        %add3A_652 = arith.constant 200 : i32
        %add3A_653 = arith.addi %add3A_652, %add3A_640 : i32
        %get3A_654 = arith.index_cast %add3A_640 : i32 to index
        %get3A_655 = arith.constant 16 : index
        %get3A_656 = tpu.vector_load %arg14[%get3A_654, %get3A_655] {strides = array<i32>} : memref<200x64xf32, #tpu.memory_space<vmem>>, vector<1x16xf32>,
        %get3A_657 = vector.shape_cast %get3A_656 : vector<1x16xf32> to vector<16xf32>
        %swap3A_658 = arith.index_cast %add3A_653 : i32 to index
        %swap3A_659 = arith.constant 16 : index
        %swap3A_660 = tpu.vector_load %arg12[%swap3A_658, %swap3A_659] {strides = array<i32>} : memref<400x64xf32, #tpu.memory_space<vmem>>, vector<1x16xf32>,
        %swap3A_661 = vector.shape_cast %swap3A_660 : vector<1x16xf32> to vector<16xf32>
        %swap3A_662 = vector.shape_cast %get3A_657 : vector<16xf32> to vector<1x16xf32>
        tpu.vector_store %arg12[%swap3A_658, %swap3A_659], %swap3A_662 {add = true, strides = array<i32>} : memref<400x64xf32, #tpu.memory_space<vmem>>, vector<1x16xf32>,
        %add3A_663 = arith.constant 200 : i32
        %add3A_664 = arith.addi %add3A_663, %add3A_640 : i32
        %get3A_665 = arith.index_cast %add3A_640 : i32 to index
        %get3A_666 = arith.constant 32 : index
        %get3A_667 = tpu.vector_load %arg14[%get3A_665, %get3A_666] {strides = array<i32>} : memref<200x64xf32, #tpu.memory_space<vmem>>, vector<1x16xf32>,
        %get3A_668 = vector.shape_cast %get3A_667 : vector<1x16xf32> to vector<16xf32>
        %swap3A_669 = arith.index_cast %add3A_664 : i32 to index
        %swap3A_670 = arith.constant 32 : index
        %swap3A_671 = tpu.vector_load %arg12[%swap3A_669, %swap3A_670] {strides = array<i32>} : memref<400x64xf32, #tpu.memory_space<vmem>>, vector<1x16xf32>,
        %swap3A_672 = vector.shape_cast %swap3A_671 : vector<1x16xf32> to vector<16xf32>
        %swap3A_673 = vector.shape_cast %get3A_668 : vector<16xf32> to vector<1x16xf32>
        tpu.vector_store %arg12[%swap3A_669, %swap3A_670], %swap3A_673 {add = true, strides = array<i32>} : memref<400x64xf32, #tpu.memory_space<vmem>>, vector<1x16xf32>,
        %add3A_674 = arith.constant 200 : i32
        %add3A_675 = arith.addi %add3A_674, %add3A_640 : i32
        %get3A_676 = arith.index_cast %add3A_640 : i32 to index
        %get3A_677 = arith.constant 48 : index
        %get3A_678 = tpu.vector_load %arg14[%get3A_676, %get3A_677] {strides = array<i32>} : memref<200x64xf32, #tpu.memory_space<vmem>>, vector<1x16xf32>,
        %get3A_679 = vector.shape_cast %get3A_678 : vector<1x16xf32> to vector<16xf32>
        %swap3A_680 = arith.index_cast %add3A_675 : i32 to index
        %swap3A_681 = arith.constant 48 : index
        %swap3A_682 = tpu.vector_load %arg12[%swap3A_680, %swap3A_681] {strides = array<i32>} : memref<400x64xf32, #tpu.memory_space<vmem>>, vector<1x16xf32>,
        %swap3A_683 = vector.shape_cast %swap3A_682 : vector<1x16xf32> to vector<16xf32>
        %swap3A_684 = vector.shape_cast %get3A_679 : vector<16xf32> to vector<1x16xf32>
        tpu.vector_store %arg12[%swap3A_680, %swap3A_681], %swap3A_684 {add = true, strides = array<i32>} : memref<400x64xf32, #tpu.memory_space<vmem>>, vector<1x16xf32>,
      }
      %scan3A_478 = arith.constant 100 : i32
      %mul3A_479 = arith.constant 400 : i32
      %mul3A_480 = arith.muli %add3A_401, %mul3A_479 : i32
      %add3A_481 = arith.addi %mul3A_4, %mul3A_480 : i32
      %add3A_482 = arith.constant 200 : i32
      %add3A_483 = arith.addi %add3A_481, %add3A_482 : i32
      %dma_start3A_484 = arith.constant 200 : i32
      %dma_start3A_485 = arith.constant 0 : i32
      %dma_start3A_486 = tpu.memref_slice %arg12[%dma_start3A_484, %dma_start3A_485] : memref<400x64xf32, #tpu.memory_space<vmem>> -> memref<200x64xf32, #tpu.memory_space<vmem>>
      %dma_start3A_487 = arith.constant 0 : i32
      %dma_start3A_488 = tpu.memref_slice %arg5[%add3A_483, %dma_start3A_487] : memref<819200x64xf32, #tpu.memory_space<hbm>> -> memref<200x64xf32, #tpu.memory_space<hbm>>
      %dma_start3A_489 = arith.constant 0 : i32
      %dma_start3A_490 = tpu.memref_slice %arg5[%add3A_483, %dma_start3A_489] : memref<819200x64xf32, #tpu.memory_space<hbm>> -> memref<200x64xf32, #tpu.memory_space<hbm>>
      %dma_start3A_491 = arith.constant 200 : i32
      %dma_start3A_492 = arith.constant 0 : i32
      %dma_start3A_493 = tpu.memref_slice %arg12[%dma_start3A_491, %dma_start3A_492] : memref<400x64xf32, #tpu.memory_space<vmem>> -> memref<200x64xf32, #tpu.memory_space<vmem>>
      tpu.enqueue_dma source(%dma_start3A_493 : memref<200x64xf32, #tpu.memory_space<vmem>>) target(%dma_start3A_490 : memref<200x64xf32, #tpu.memory_space<hbm>>) target_semaphore(%arg25 : memref<!tpu.dma_semaphore, #tpu.memory_space<semaphore_mem>>)
      %mul3A_494 = arith.constant 4 : i32
      %mul3A_495 = arith.muli %mul3A_494, %scan3A_208 : i32
      %add3A_496 = arith.constant 3 : i32
      %add3A_497 = arith.addi %mul3A_495, %add3A_496 : i32
      %lt3A_498 = arith.constant 62 : i32
      %lt3A_499 = arith.cmpi slt, %add3A_497, %lt3A_498 : i32
      %convert_element_type3A_500 = arith.extui %lt3A_499 : i1 to i32
      %cond3A_501 = arith.constant 0 : i32
      %cond3A_502 = arith.cmpi ne, %convert_element_type3A_500, %cond3A_501 : i32
      scf.if %cond3A_502 {
        %ge3A = arith.constant 2 : i32
        %ge3A_590 = arith.cmpi sge, %add3A_497, %ge3A : i32
        %convert_element_type3A_591 = arith.extui %ge3A_590 : i1 to i32
        %cond3A_592 = arith.constant 0 : i32
        %cond3A_593 = arith.cmpi ne, %convert_element_type3A_591, %cond3A_592 : i32
        scf.if %cond3A_593 {
          %dma_wait3A_638 = arith.constant 0 : i32
          %dma_wait3A_639 = arith.constant 0 : i32
          %dma_wait3A_640 = tpu.memref_slice %arg11[%dma_wait3A_638, %dma_wait3A_639] : memref<400x64xf32, #tpu.memory_space<vmem>> -> memref<200x64xf32, #tpu.memory_space<vmem>>
          %dma_wait3A_641 = arith.constant 0 : i32
          %dma_wait3A_642 = arith.constant 0 : i32
          %dma_wait3A_643 = tpu.memref_slice %arg5[%dma_wait3A_641, %dma_wait3A_642] : memref<819200x64xf32, #tpu.memory_space<hbm>> -> memref<200x64xf32, #tpu.memory_space<hbm>>
          %dma_wait3A_644 = arith.constant 0 : i32
          %dma_wait3A_645 = arith.constant 0 : i32
          %dma_wait3A_646 = tpu.memref_slice %arg5[%dma_wait3A_644, %dma_wait3A_645] : memref<819200x64xf32, #tpu.memory_space<hbm>> -> memref<200x64xf32, #tpu.memory_space<hbm>>
          %dma_wait3A_647 = arith.constant 0 : i32
          %dma_wait3A_648 = arith.constant 0 : i32
          %dma_wait3A_649 = tpu.memref_slice %arg11[%dma_wait3A_647, %dma_wait3A_648] : memref<400x64xf32, #tpu.memory_space<vmem>> -> memref<200x64xf32, #tpu.memory_space<vmem>>
          tpu.wait_dma2 semaphore(%arg24 : memref<!tpu.dma_semaphore, #tpu.memory_space<semaphore_mem>>) src(%dma_wait3A_649 : memref<200x64xf32, #tpu.memory_space<vmem>>) dst(%dma_wait3A_646 : memref<200x64xf32, #tpu.memory_space<hbm>>)
          %dma_wait3A_650 = arith.constant 200 : i32
          %dma_wait3A_651 = arith.constant 0 : i32
          %dma_wait3A_652 = tpu.memref_slice %arg11[%dma_wait3A_650, %dma_wait3A_651] : memref<400x64xf32, #tpu.memory_space<vmem>> -> memref<200x64xf32, #tpu.memory_space<vmem>>
          %dma_wait3A_653 = arith.constant 200 : i32
          %dma_wait3A_654 = arith.constant 0 : i32
          %dma_wait3A_655 = tpu.memref_slice %arg5[%dma_wait3A_653, %dma_wait3A_654] : memref<819200x64xf32, #tpu.memory_space<hbm>> -> memref<200x64xf32, #tpu.memory_space<hbm>>
          %dma_wait3A_656 = arith.constant 200 : i32
          %dma_wait3A_657 = arith.constant 0 : i32
          %dma_wait3A_658 = tpu.memref_slice %arg5[%dma_wait3A_656, %dma_wait3A_657] : memref<819200x64xf32, #tpu.memory_space<hbm>> -> memref<200x64xf32, #tpu.memory_space<hbm>>
          %dma_wait3A_659 = arith.constant 200 : i32
          %dma_wait3A_660 = arith.constant 0 : i32
          %dma_wait3A_661 = tpu.memref_slice %arg11[%dma_wait3A_659, %dma_wait3A_660] : memref<400x64xf32, #tpu.memory_space<vmem>> -> memref<200x64xf32, #tpu.memory_space<vmem>>
          tpu.wait_dma2 semaphore(%arg24 : memref<!tpu.dma_semaphore, #tpu.memory_space<semaphore_mem>>) src(%dma_wait3A_661 : memref<200x64xf32, #tpu.memory_space<vmem>>) dst(%dma_wait3A_658 : memref<200x64xf32, #tpu.memory_space<hbm>>)
        } else {
        }
        %dma_wait3A_594 = arith.constant 0 : i32
        %dma_wait3A_595 = tpu.memref_slice %arg2[%dma_wait3A_594] : memref<819200xi32, #tpu.memory_space<hbm>> -> memref<400xi32, #tpu.memory_space<hbm>>
        %dma_wait3A_596 = arith.constant 0 : i32
        %dma_wait3A_597 = tpu.memref_slice %arg2[%dma_wait3A_596] : memref<819200xi32, #tpu.memory_space<hbm>> -> memref<400xi32, #tpu.memory_space<hbm>>
        tpu.wait_dma2 semaphore(%arg16 : memref<!tpu.dma_semaphore, #tpu.memory_space<semaphore_mem>>) src(%dma_wait3A_597 : memref<400xi32, #tpu.memory_space<hbm>>) dst(%arg7 : memref<400xi32, #tpu.memory_space<vmem>>)
        %dma_start3A_598 = arith.constant 0 : i32
        %dma_start3A_599 = arith.constant 0 : i32
        %dma_start3A_600 = tpu.memref_slice %arg11[%dma_start3A_598, %dma_start3A_599] : memref<400x64xf32, #tpu.memory_space<vmem>> -> memref<80x64xf32, #tpu.memory_space<vmem>>
        %dma_start3A_601 = arith.constant 0 : i32
        %dma_start3A_602 = tpu.memref_slice %arg7[%dma_start3A_601] : memref<400xi32, #tpu.memory_space<vmem>> -> memref<80xi32, #tpu.memory_space<vmem>>
        %dma_start3A_603 = arith.constant 0 : i32
        %dma_start3A_604 = arith.constant 0 : i32
        %dma_start3A_605 = tpu.memref_slice %arg3[%dma_start3A_603, %dma_start3A_604] : memref<100000x64xf32, #tpu.memory_space<hbm>> -> memref<100000x64xf32, #tpu.memory_space<hbm>>
        tpu.enqueue_indirect_dma source(%dma_start3A_605 : memref<100000x64xf32, #tpu.memory_space<hbm>>) target(%dma_start3A_600 : memref<80x64xf32, #tpu.memory_space<vmem>>) offsets(%dma_start3A_602 : memref<80xi32, #tpu.memory_space<vmem>>) semaphore(%arg20 : memref<!tpu.dma_semaphore, #tpu.memory_space<semaphore_mem>>)
        %dma_start3A_606 = arith.constant 80 : i32
        %dma_start3A_607 = arith.constant 0 : i32
        %dma_start3A_608 = tpu.memref_slice %arg11[%dma_start3A_606, %dma_start3A_607] : memref<400x64xf32, #tpu.memory_space<vmem>> -> memref<80x64xf32, #tpu.memory_space<vmem>>
        %dma_start3A_609 = arith.constant 80 : i32
        %dma_start3A_610 = tpu.memref_slice %arg7[%dma_start3A_609] : memref<400xi32, #tpu.memory_space<vmem>> -> memref<80xi32, #tpu.memory_space<vmem>>
        %dma_start3A_611 = arith.constant 0 : i32
        %dma_start3A_612 = arith.constant 0 : i32
        %dma_start3A_613 = tpu.memref_slice %arg3[%dma_start3A_611, %dma_start3A_612] : memref<100000x64xf32, #tpu.memory_space<hbm>> -> memref<100000x64xf32, #tpu.memory_space<hbm>>
        tpu.enqueue_indirect_dma source(%dma_start3A_613 : memref<100000x64xf32, #tpu.memory_space<hbm>>) target(%dma_start3A_608 : memref<80x64xf32, #tpu.memory_space<vmem>>) offsets(%dma_start3A_610 : memref<80xi32, #tpu.memory_space<vmem>>) semaphore(%arg20 : memref<!tpu.dma_semaphore, #tpu.memory_space<semaphore_mem>>)
        %dma_start3A_614 = arith.constant 160 : i32
        %dma_start3A_615 = arith.constant 0 : i32
        %dma_start3A_616 = tpu.memref_slice %arg11[%dma_start3A_614, %dma_start3A_615] : memref<400x64xf32, #tpu.memory_space<vmem>> -> memref<80x64xf32, #tpu.memory_space<vmem>>
        %dma_start3A_617 = arith.constant 160 : i32
        %dma_start3A_618 = tpu.memref_slice %arg7[%dma_start3A_617] : memref<400xi32, #tpu.memory_space<vmem>> -> memref<80xi32, #tpu.memory_space<vmem>>
        %dma_start3A_619 = arith.constant 0 : i32
        %dma_start3A_620 = arith.constant 0 : i32
        %dma_start3A_621 = tpu.memref_slice %arg3[%dma_start3A_619, %dma_start3A_620] : memref<100000x64xf32, #tpu.memory_space<hbm>> -> memref<100000x64xf32, #tpu.memory_space<hbm>>
        tpu.enqueue_indirect_dma source(%dma_start3A_621 : memref<100000x64xf32, #tpu.memory_space<hbm>>) target(%dma_start3A_616 : memref<80x64xf32, #tpu.memory_space<vmem>>) offsets(%dma_start3A_618 : memref<80xi32, #tpu.memory_space<vmem>>) semaphore(%arg20 : memref<!tpu.dma_semaphore, #tpu.memory_space<semaphore_mem>>)
        %dma_start3A_622 = arith.constant 240 : i32
        %dma_start3A_623 = arith.constant 0 : i32
        %dma_start3A_624 = tpu.memref_slice %arg11[%dma_start3A_622, %dma_start3A_623] : memref<400x64xf32, #tpu.memory_space<vmem>> -> memref<80x64xf32, #tpu.memory_space<vmem>>
        %dma_start3A_625 = arith.constant 240 : i32
        %dma_start3A_626 = tpu.memref_slice %arg7[%dma_start3A_625] : memref<400xi32, #tpu.memory_space<vmem>> -> memref<80xi32, #tpu.memory_space<vmem>>
        %dma_start3A_627 = arith.constant 0 : i32
        %dma_start3A_628 = arith.constant 0 : i32
        %dma_start3A_629 = tpu.memref_slice %arg3[%dma_start3A_627, %dma_start3A_628] : memref<100000x64xf32, #tpu.memory_space<hbm>> -> memref<100000x64xf32, #tpu.memory_space<hbm>>
        tpu.enqueue_indirect_dma source(%dma_start3A_629 : memref<100000x64xf32, #tpu.memory_space<hbm>>) target(%dma_start3A_624 : memref<80x64xf32, #tpu.memory_space<vmem>>) offsets(%dma_start3A_626 : memref<80xi32, #tpu.memory_space<vmem>>) semaphore(%arg20 : memref<!tpu.dma_semaphore, #tpu.memory_space<semaphore_mem>>)
        %dma_start3A_630 = arith.constant 320 : i32
        %dma_start3A_631 = arith.constant 0 : i32
        %dma_start3A_632 = tpu.memref_slice %arg11[%dma_start3A_630, %dma_start3A_631] : memref<400x64xf32, #tpu.memory_space<vmem>> -> memref<80x64xf32, #tpu.memory_space<vmem>>
        %dma_start3A_633 = arith.constant 320 : i32
        %dma_start3A_634 = tpu.memref_slice %arg7[%dma_start3A_633] : memref<400xi32, #tpu.memory_space<vmem>> -> memref<80xi32, #tpu.memory_space<vmem>>
        %dma_start3A_635 = arith.constant 0 : i32
        %dma_start3A_636 = arith.constant 0 : i32
        %dma_start3A_637 = tpu.memref_slice %arg3[%dma_start3A_635, %dma_start3A_636] : memref<100000x64xf32, #tpu.memory_space<hbm>> -> memref<100000x64xf32, #tpu.memory_space<hbm>>
        tpu.enqueue_indirect_dma source(%dma_start3A_637 : memref<100000x64xf32, #tpu.memory_space<hbm>>) target(%dma_start3A_632 : memref<80x64xf32, #tpu.memory_space<vmem>>) offsets(%dma_start3A_634 : memref<80xi32, #tpu.memory_space<vmem>>) semaphore(%arg20 : memref<!tpu.dma_semaphore, #tpu.memory_space<semaphore_mem>>)
      } else {
      }
      %dma_wait3A_503 = arith.constant 0 : i32
      %dma_wait3A_504 = arith.constant 0 : i32
      %dma_wait3A_505 = tpu.memref_slice %arg13[%dma_wait3A_503, %dma_wait3A_504] : memref<400x64xf32, #tpu.memory_space<vmem>> -> memref<80x64xf32, #tpu.memory_space<vmem>>
      %dma_wait3A_506 = arith.constant 0 : i32
      %dma_wait3A_507 = tpu.memref_slice %arg9[%dma_wait3A_506] : memref<400xi32, #tpu.memory_space<vmem>> -> memref<80xi32, #tpu.memory_space<vmem>>
      %dma_wait3A_508 = arith.constant 0 : i32
      %dma_wait3A_509 = arith.constant 0 : i32
      %dma_wait3A_510 = tpu.memref_slice %arg3[%dma_wait3A_508, %dma_wait3A_509] : memref<100000x64xf32, #tpu.memory_space<hbm>> -> memref<100000x64xf32, #tpu.memory_space<hbm>>
      tpu.wait_indirect_dma semaphore(%arg22 : memref<!tpu.dma_semaphore, #tpu.memory_space<semaphore_mem>>) src(%dma_wait3A_510 : memref<100000x64xf32, #tpu.memory_space<hbm>>) dst(%dma_wait3A_505 : memref<80x64xf32, #tpu.memory_space<vmem>>)
      %dma_wait3A_511 = arith.constant 80 : i32
      %dma_wait3A_512 = arith.constant 0 : i32
      %dma_wait3A_513 = tpu.memref_slice %arg13[%dma_wait3A_511, %dma_wait3A_512] : memref<400x64xf32, #tpu.memory_space<vmem>> -> memref<80x64xf32, #tpu.memory_space<vmem>>
      %dma_wait3A_514 = arith.constant 80 : i32
      %dma_wait3A_515 = tpu.memref_slice %arg9[%dma_wait3A_514] : memref<400xi32, #tpu.memory_space<vmem>> -> memref<80xi32, #tpu.memory_space<vmem>>
      %dma_wait3A_516 = arith.constant 0 : i32
      %dma_wait3A_517 = arith.constant 0 : i32
      %dma_wait3A_518 = tpu.memref_slice %arg3[%dma_wait3A_516, %dma_wait3A_517] : memref<100000x64xf32, #tpu.memory_space<hbm>> -> memref<100000x64xf32, #tpu.memory_space<hbm>>
      tpu.wait_indirect_dma semaphore(%arg22 : memref<!tpu.dma_semaphore, #tpu.memory_space<semaphore_mem>>) src(%dma_wait3A_518 : memref<100000x64xf32, #tpu.memory_space<hbm>>) dst(%dma_wait3A_513 : memref<80x64xf32, #tpu.memory_space<vmem>>)
      %dma_wait3A_519 = arith.constant 160 : i32
      %dma_wait3A_520 = arith.constant 0 : i32
      %dma_wait3A_521 = tpu.memref_slice %arg13[%dma_wait3A_519, %dma_wait3A_520] : memref<400x64xf32, #tpu.memory_space<vmem>> -> memref<80x64xf32, #tpu.memory_space<vmem>>
      %dma_wait3A_522 = arith.constant 160 : i32
      %dma_wait3A_523 = tpu.memref_slice %arg9[%dma_wait3A_522] : memref<400xi32, #tpu.memory_space<vmem>> -> memref<80xi32, #tpu.memory_space<vmem>>
      %dma_wait3A_524 = arith.constant 0 : i32
      %dma_wait3A_525 = arith.constant 0 : i32
      %dma_wait3A_526 = tpu.memref_slice %arg3[%dma_wait3A_524, %dma_wait3A_525] : memref<100000x64xf32, #tpu.memory_space<hbm>> -> memref<100000x64xf32, #tpu.memory_space<hbm>>
      tpu.wait_indirect_dma semaphore(%arg22 : memref<!tpu.dma_semaphore, #tpu.memory_space<semaphore_mem>>) src(%dma_wait3A_526 : memref<100000x64xf32, #tpu.memory_space<hbm>>) dst(%dma_wait3A_521 : memref<80x64xf32, #tpu.memory_space<vmem>>)
      %dma_wait3A_527 = arith.constant 240 : i32
      %dma_wait3A_528 = arith.constant 0 : i32
      %dma_wait3A_529 = tpu.memref_slice %arg13[%dma_wait3A_527, %dma_wait3A_528] : memref<400x64xf32, #tpu.memory_space<vmem>> -> memref<80x64xf32, #tpu.memory_space<vmem>>
      %dma_wait3A_530 = arith.constant 240 : i32
      %dma_wait3A_531 = tpu.memref_slice %arg9[%dma_wait3A_530] : memref<400xi32, #tpu.memory_space<vmem>> -> memref<80xi32, #tpu.memory_space<vmem>>
      %dma_wait3A_532 = arith.constant 0 : i32
      %dma_wait3A_533 = arith.constant 0 : i32
      %dma_wait3A_534 = tpu.memref_slice %arg3[%dma_wait3A_532, %dma_wait3A_533] : memref<100000x64xf32, #tpu.memory_space<hbm>> -> memref<100000x64xf32, #tpu.memory_space<hbm>>
      tpu.wait_indirect_dma semaphore(%arg22 : memref<!tpu.dma_semaphore, #tpu.memory_space<semaphore_mem>>) src(%dma_wait3A_534 : memref<100000x64xf32, #tpu.memory_space<hbm>>) dst(%dma_wait3A_529 : memref<80x64xf32, #tpu.memory_space<vmem>>)
      %dma_wait3A_535 = arith.constant 320 : i32
      %dma_wait3A_536 = arith.constant 0 : i32
      %dma_wait3A_537 = tpu.memref_slice %arg13[%dma_wait3A_535, %dma_wait3A_536] : memref<400x64xf32, #tpu.memory_space<vmem>> -> memref<80x64xf32, #tpu.memory_space<vmem>>
      %dma_wait3A_538 = arith.constant 320 : i32
      %dma_wait3A_539 = tpu.memref_slice %arg9[%dma_wait3A_538] : memref<400xi32, #tpu.memory_space<vmem>> -> memref<80xi32, #tpu.memory_space<vmem>>
      %dma_wait3A_540 = arith.constant 0 : i32
      %dma_wait3A_541 = arith.constant 0 : i32
      %dma_wait3A_542 = tpu.memref_slice %arg3[%dma_wait3A_540, %dma_wait3A_541] : memref<100000x64xf32, #tpu.memory_space<hbm>> -> memref<100000x64xf32, #tpu.memory_space<hbm>>
      tpu.wait_indirect_dma semaphore(%arg22 : memref<!tpu.dma_semaphore, #tpu.memory_space<semaphore_mem>>) src(%dma_wait3A_542 : memref<100000x64xf32, #tpu.memory_space<hbm>>) dst(%dma_wait3A_537 : memref<80x64xf32, #tpu.memory_space<vmem>>)
      %lt3A_543 = arith.constant 60 : i32
      %lt3A_544 = arith.cmpi slt, %add3A_497, %lt3A_543 : i32
      %convert_element_type3A_545 = arith.extui %lt3A_544 : i1 to i32
      %cond3A_546 = arith.constant 0 : i32
      %cond3A_547 = arith.cmpi ne, %convert_element_type3A_545, %cond3A_546 : i32
      scf.if %cond3A_547 {
        %add3A_590 = arith.constant 4 : i32
        %add3A_591 = arith.addi %add3A_497, %add3A_590 : i32
        %mul3A_592 = arith.constant 400 : i32
        %mul3A_593 = arith.muli %add3A_591, %mul3A_592 : i32
        %add3A_594 = arith.addi %mul3A_4, %mul3A_593 : i32
        %dma_start3A_595 = tpu.memref_slice %arg2[%add3A_594] : memref<819200xi32, #tpu.memory_space<hbm>> -> memref<400xi32, #tpu.memory_space<hbm>>
        %dma_start3A_596 = tpu.memref_slice %arg2[%add3A_594] : memref<819200xi32, #tpu.memory_space<hbm>> -> memref<400xi32, #tpu.memory_space<hbm>>
        tpu.enqueue_dma source(%dma_start3A_596 : memref<400xi32, #tpu.memory_space<hbm>>) target(%arg9 : memref<400xi32, #tpu.memory_space<vmem>>) target_semaphore(%arg18 : memref<!tpu.dma_semaphore, #tpu.memory_space<semaphore_mem>>)
      } else {
      }
      %scan3A_548 = arith.constant 0 : i32
      %scan3A_549 = arith.constant 0 : i32
      %scan3A_550 = arith.constant 100 : i32
      %scan3A_551 = arith.addi %scan3A_549, %scan3A_550 : i32
      %scan3A_552 = arith.constant 1 : i32
      scf.for %scan3A_590 = %scan3A_549 to %scan3A_551 step %scan3A_552  : i32 {
        %mul3A_591 = arith.constant 2 : i32
        %mul3A_592 = arith.muli %scan3A_590, %mul3A_591 : i32
        %add3A_593 = arith.constant 0 : i32
        %add3A_594 = arith.addi %mul3A_592, %add3A_593 : i32
        %add3A_595 = arith.constant 0 : i32
        %add3A_596 = arith.addi %add3A_595, %add3A_594 : i32
        %get3A = arith.index_cast %add3A_594 : i32 to index
        %get3A_597 = arith.constant 0 : index
        %get3A_598 = tpu.vector_load %arg14[%get3A, %get3A_597] {strides = array<i32>} : memref<200x64xf32, #tpu.memory_space<vmem>>, vector<1x16xf32>,
        %get3A_599 = vector.shape_cast %get3A_598 : vector<1x16xf32> to vector<16xf32>
        %swap3A = arith.index_cast %add3A_596 : i32 to index
        %swap3A_600 = arith.constant 0 : index
        %swap3A_601 = tpu.vector_load %arg13[%swap3A, %swap3A_600] {strides = array<i32>} : memref<400x64xf32, #tpu.memory_space<vmem>>, vector<1x16xf32>,
        %swap3A_602 = vector.shape_cast %swap3A_601 : vector<1x16xf32> to vector<16xf32>
        %swap3A_603 = vector.shape_cast %get3A_599 : vector<16xf32> to vector<1x16xf32>
        tpu.vector_store %arg13[%swap3A, %swap3A_600], %swap3A_603 {add = true, strides = array<i32>} : memref<400x64xf32, #tpu.memory_space<vmem>>, vector<1x16xf32>,
        %add3A_604 = arith.constant 0 : i32
        %add3A_605 = arith.addi %add3A_604, %add3A_594 : i32
        %get3A_606 = arith.index_cast %add3A_594 : i32 to index
        %get3A_607 = arith.constant 16 : index
        %get3A_608 = tpu.vector_load %arg14[%get3A_606, %get3A_607] {strides = array<i32>} : memref<200x64xf32, #tpu.memory_space<vmem>>, vector<1x16xf32>,
        %get3A_609 = vector.shape_cast %get3A_608 : vector<1x16xf32> to vector<16xf32>
        %swap3A_610 = arith.index_cast %add3A_605 : i32 to index
        %swap3A_611 = arith.constant 16 : index
        %swap3A_612 = tpu.vector_load %arg13[%swap3A_610, %swap3A_611] {strides = array<i32>} : memref<400x64xf32, #tpu.memory_space<vmem>>, vector<1x16xf32>,
        %swap3A_613 = vector.shape_cast %swap3A_612 : vector<1x16xf32> to vector<16xf32>
        %swap3A_614 = vector.shape_cast %get3A_609 : vector<16xf32> to vector<1x16xf32>
        tpu.vector_store %arg13[%swap3A_610, %swap3A_611], %swap3A_614 {add = true, strides = array<i32>} : memref<400x64xf32, #tpu.memory_space<vmem>>, vector<1x16xf32>,
        %add3A_615 = arith.constant 0 : i32
        %add3A_616 = arith.addi %add3A_615, %add3A_594 : i32
        %get3A_617 = arith.index_cast %add3A_594 : i32 to index
        %get3A_618 = arith.constant 32 : index
        %get3A_619 = tpu.vector_load %arg14[%get3A_617, %get3A_618] {strides = array<i32>} : memref<200x64xf32, #tpu.memory_space<vmem>>, vector<1x16xf32>,
        %get3A_620 = vector.shape_cast %get3A_619 : vector<1x16xf32> to vector<16xf32>
        %swap3A_621 = arith.index_cast %add3A_616 : i32 to index
        %swap3A_622 = arith.constant 32 : index
        %swap3A_623 = tpu.vector_load %arg13[%swap3A_621, %swap3A_622] {strides = array<i32>} : memref<400x64xf32, #tpu.memory_space<vmem>>, vector<1x16xf32>,
        %swap3A_624 = vector.shape_cast %swap3A_623 : vector<1x16xf32> to vector<16xf32>
        %swap3A_625 = vector.shape_cast %get3A_620 : vector<16xf32> to vector<1x16xf32>
        tpu.vector_store %arg13[%swap3A_621, %swap3A_622], %swap3A_625 {add = true, strides = array<i32>} : memref<400x64xf32, #tpu.memory_space<vmem>>, vector<1x16xf32>,
        %add3A_626 = arith.constant 0 : i32
        %add3A_627 = arith.addi %add3A_626, %add3A_594 : i32
        %get3A_628 = arith.index_cast %add3A_594 : i32 to index
        %get3A_629 = arith.constant 48 : index
        %get3A_630 = tpu.vector_load %arg14[%get3A_628, %get3A_629] {strides = array<i32>} : memref<200x64xf32, #tpu.memory_space<vmem>>, vector<1x16xf32>,
        %get3A_631 = vector.shape_cast %get3A_630 : vector<1x16xf32> to vector<16xf32>
        %swap3A_632 = arith.index_cast %add3A_627 : i32 to index
        %swap3A_633 = arith.constant 48 : index
        %swap3A_634 = tpu.vector_load %arg13[%swap3A_632, %swap3A_633] {strides = array<i32>} : memref<400x64xf32, #tpu.memory_space<vmem>>, vector<1x16xf32>,
        %swap3A_635 = vector.shape_cast %swap3A_634 : vector<1x16xf32> to vector<16xf32>
        %swap3A_636 = vector.shape_cast %get3A_631 : vector<16xf32> to vector<1x16xf32>
        tpu.vector_store %arg13[%swap3A_632, %swap3A_633], %swap3A_636 {add = true, strides = array<i32>} : memref<400x64xf32, #tpu.memory_space<vmem>>, vector<1x16xf32>,
        %mul3A_637 = arith.constant 2 : i32
        %mul3A_638 = arith.muli %scan3A_590, %mul3A_637 : i32
        %add3A_639 = arith.constant 1 : i32
        %add3A_640 = arith.addi %mul3A_638, %add3A_639 : i32
        %add3A_641 = arith.constant 0 : i32
        %add3A_642 = arith.addi %add3A_641, %add3A_640 : i32
        %get3A_643 = arith.index_cast %add3A_640 : i32 to index
        %get3A_644 = arith.constant 0 : index
        %get3A_645 = tpu.vector_load %arg14[%get3A_643, %get3A_644] {strides = array<i32>} : memref<200x64xf32, #tpu.memory_space<vmem>>, vector<1x16xf32>,
        %get3A_646 = vector.shape_cast %get3A_645 : vector<1x16xf32> to vector<16xf32>
        %swap3A_647 = arith.index_cast %add3A_642 : i32 to index
        %swap3A_648 = arith.constant 0 : index
        %swap3A_649 = tpu.vector_load %arg13[%swap3A_647, %swap3A_648] {strides = array<i32>} : memref<400x64xf32, #tpu.memory_space<vmem>>, vector<1x16xf32>,
        %swap3A_650 = vector.shape_cast %swap3A_649 : vector<1x16xf32> to vector<16xf32>
        %swap3A_651 = vector.shape_cast %get3A_646 : vector<16xf32> to vector<1x16xf32>
        tpu.vector_store %arg13[%swap3A_647, %swap3A_648], %swap3A_651 {add = true, strides = array<i32>} : memref<400x64xf32, #tpu.memory_space<vmem>>, vector<1x16xf32>,
        %add3A_652 = arith.constant 0 : i32
        %add3A_653 = arith.addi %add3A_652, %add3A_640 : i32
        %get3A_654 = arith.index_cast %add3A_640 : i32 to index
        %get3A_655 = arith.constant 16 : index
        %get3A_656 = tpu.vector_load %arg14[%get3A_654, %get3A_655] {strides = array<i32>} : memref<200x64xf32, #tpu.memory_space<vmem>>, vector<1x16xf32>,
        %get3A_657 = vector.shape_cast %get3A_656 : vector<1x16xf32> to vector<16xf32>
        %swap3A_658 = arith.index_cast %add3A_653 : i32 to index
        %swap3A_659 = arith.constant 16 : index
        %swap3A_660 = tpu.vector_load %arg13[%swap3A_658, %swap3A_659] {strides = array<i32>} : memref<400x64xf32, #tpu.memory_space<vmem>>, vector<1x16xf32>,
        %swap3A_661 = vector.shape_cast %swap3A_660 : vector<1x16xf32> to vector<16xf32>
        %swap3A_662 = vector.shape_cast %get3A_657 : vector<16xf32> to vector<1x16xf32>
        tpu.vector_store %arg13[%swap3A_658, %swap3A_659], %swap3A_662 {add = true, strides = array<i32>} : memref<400x64xf32, #tpu.memory_space<vmem>>, vector<1x16xf32>,
        %add3A_663 = arith.constant 0 : i32
        %add3A_664 = arith.addi %add3A_663, %add3A_640 : i32
        %get3A_665 = arith.index_cast %add3A_640 : i32 to index
        %get3A_666 = arith.constant 32 : index
        %get3A_667 = tpu.vector_load %arg14[%get3A_665, %get3A_666] {strides = array<i32>} : memref<200x64xf32, #tpu.memory_space<vmem>>, vector<1x16xf32>,
        %get3A_668 = vector.shape_cast %get3A_667 : vector<1x16xf32> to vector<16xf32>
        %swap3A_669 = arith.index_cast %add3A_664 : i32 to index
        %swap3A_670 = arith.constant 32 : index
        %swap3A_671 = tpu.vector_load %arg13[%swap3A_669, %swap3A_670] {strides = array<i32>} : memref<400x64xf32, #tpu.memory_space<vmem>>, vector<1x16xf32>,
        %swap3A_672 = vector.shape_cast %swap3A_671 : vector<1x16xf32> to vector<16xf32>
        %swap3A_673 = vector.shape_cast %get3A_668 : vector<16xf32> to vector<1x16xf32>
        tpu.vector_store %arg13[%swap3A_669, %swap3A_670], %swap3A_673 {add = true, strides = array<i32>} : memref<400x64xf32, #tpu.memory_space<vmem>>, vector<1x16xf32>,
        %add3A_674 = arith.constant 0 : i32
        %add3A_675 = arith.addi %add3A_674, %add3A_640 : i32
        %get3A_676 = arith.index_cast %add3A_640 : i32 to index
        %get3A_677 = arith.constant 48 : index
        %get3A_678 = tpu.vector_load %arg14[%get3A_676, %get3A_677] {strides = array<i32>} : memref<200x64xf32, #tpu.memory_space<vmem>>, vector<1x16xf32>,
        %get3A_679 = vector.shape_cast %get3A_678 : vector<1x16xf32> to vector<16xf32>
        %swap3A_680 = arith.index_cast %add3A_675 : i32 to index
        %swap3A_681 = arith.constant 48 : index
        %swap3A_682 = tpu.vector_load %arg13[%swap3A_680, %swap3A_681] {strides = array<i32>} : memref<400x64xf32, #tpu.memory_space<vmem>>, vector<1x16xf32>,
        %swap3A_683 = vector.shape_cast %swap3A_682 : vector<1x16xf32> to vector<16xf32>
        %swap3A_684 = vector.shape_cast %get3A_679 : vector<16xf32> to vector<1x16xf32>
        tpu.vector_store %arg13[%swap3A_680, %swap3A_681], %swap3A_684 {add = true, strides = array<i32>} : memref<400x64xf32, #tpu.memory_space<vmem>>, vector<1x16xf32>,
      }
      %scan3A_553 = arith.constant 100 : i32
      %mul3A_554 = arith.constant 400 : i32
      %mul3A_555 = arith.muli %add3A_497, %mul3A_554 : i32
      %add3A_556 = arith.addi %mul3A_4, %mul3A_555 : i32
      %add3A_557 = arith.constant 0 : i32
      %add3A_558 = arith.addi %add3A_556, %add3A_557 : i32
      %dma_start3A_559 = arith.constant 0 : i32
      %dma_start3A_560 = arith.constant 0 : i32
      %dma_start3A_561 = tpu.memref_slice %arg13[%dma_start3A_559, %dma_start3A_560] : memref<400x64xf32, #tpu.memory_space<vmem>> -> memref<200x64xf32, #tpu.memory_space<vmem>>
      %dma_start3A_562 = arith.constant 0 : i32
      %dma_start3A_563 = tpu.memref_slice %arg5[%add3A_558, %dma_start3A_562] : memref<819200x64xf32, #tpu.memory_space<hbm>> -> memref<200x64xf32, #tpu.memory_space<hbm>>
      %dma_start3A_564 = arith.constant 0 : i32
      %dma_start3A_565 = tpu.memref_slice %arg5[%add3A_558, %dma_start3A_564] : memref<819200x64xf32, #tpu.memory_space<hbm>> -> memref<200x64xf32, #tpu.memory_space<hbm>>
      %dma_start3A_566 = arith.constant 0 : i32
      %dma_start3A_567 = arith.constant 0 : i32
      %dma_start3A_568 = tpu.memref_slice %arg13[%dma_start3A_566, %dma_start3A_567] : memref<400x64xf32, #tpu.memory_space<vmem>> -> memref<200x64xf32, #tpu.memory_space<vmem>>
      tpu.enqueue_dma source(%dma_start3A_568 : memref<200x64xf32, #tpu.memory_space<vmem>>) target(%dma_start3A_565 : memref<200x64xf32, #tpu.memory_space<hbm>>) target_semaphore(%arg26 : memref<!tpu.dma_semaphore, #tpu.memory_space<semaphore_mem>>)
      %scan3A_569 = arith.constant 0 : i32
      %scan3A_570 = arith.constant 0 : i32
      %scan3A_571 = arith.constant 100 : i32
      %scan3A_572 = arith.addi %scan3A_570, %scan3A_571 : i32
      %scan3A_573 = arith.constant 1 : i32
      scf.for %scan3A_590 = %scan3A_570 to %scan3A_572 step %scan3A_573  : i32 {
        %mul3A_591 = arith.constant 2 : i32
        %mul3A_592 = arith.muli %scan3A_590, %mul3A_591 : i32
        %add3A_593 = arith.constant 0 : i32
        %add3A_594 = arith.addi %mul3A_592, %add3A_593 : i32
        %add3A_595 = arith.constant 200 : i32
        %add3A_596 = arith.addi %add3A_595, %add3A_594 : i32
        %get3A = arith.index_cast %add3A_594 : i32 to index
        %get3A_597 = arith.constant 0 : index
        %get3A_598 = tpu.vector_load %arg14[%get3A, %get3A_597] {strides = array<i32>} : memref<200x64xf32, #tpu.memory_space<vmem>>, vector<1x16xf32>,
        %get3A_599 = vector.shape_cast %get3A_598 : vector<1x16xf32> to vector<16xf32>
        %swap3A = arith.index_cast %add3A_596 : i32 to index
        %swap3A_600 = arith.constant 0 : index
        %swap3A_601 = tpu.vector_load %arg13[%swap3A, %swap3A_600] {strides = array<i32>} : memref<400x64xf32, #tpu.memory_space<vmem>>, vector<1x16xf32>,
        %swap3A_602 = vector.shape_cast %swap3A_601 : vector<1x16xf32> to vector<16xf32>
        %swap3A_603 = vector.shape_cast %get3A_599 : vector<16xf32> to vector<1x16xf32>
        tpu.vector_store %arg13[%swap3A, %swap3A_600], %swap3A_603 {add = true, strides = array<i32>} : memref<400x64xf32, #tpu.memory_space<vmem>>, vector<1x16xf32>,
        %add3A_604 = arith.constant 200 : i32
        %add3A_605 = arith.addi %add3A_604, %add3A_594 : i32
        %get3A_606 = arith.index_cast %add3A_594 : i32 to index
        %get3A_607 = arith.constant 16 : index
        %get3A_608 = tpu.vector_load %arg14[%get3A_606, %get3A_607] {strides = array<i32>} : memref<200x64xf32, #tpu.memory_space<vmem>>, vector<1x16xf32>,
        %get3A_609 = vector.shape_cast %get3A_608 : vector<1x16xf32> to vector<16xf32>
        %swap3A_610 = arith.index_cast %add3A_605 : i32 to index
        %swap3A_611 = arith.constant 16 : index
        %swap3A_612 = tpu.vector_load %arg13[%swap3A_610, %swap3A_611] {strides = array<i32>} : memref<400x64xf32, #tpu.memory_space<vmem>>, vector<1x16xf32>,
        %swap3A_613 = vector.shape_cast %swap3A_612 : vector<1x16xf32> to vector<16xf32>
        %swap3A_614 = vector.shape_cast %get3A_609 : vector<16xf32> to vector<1x16xf32>
        tpu.vector_store %arg13[%swap3A_610, %swap3A_611], %swap3A_614 {add = true, strides = array<i32>} : memref<400x64xf32, #tpu.memory_space<vmem>>, vector<1x16xf32>,
        %add3A_615 = arith.constant 200 : i32
        %add3A_616 = arith.addi %add3A_615, %add3A_594 : i32
        %get3A_617 = arith.index_cast %add3A_594 : i32 to index
        %get3A_618 = arith.constant 32 : index
        %get3A_619 = tpu.vector_load %arg14[%get3A_617, %get3A_618] {strides = array<i32>} : memref<200x64xf32, #tpu.memory_space<vmem>>, vector<1x16xf32>,
        %get3A_620 = vector.shape_cast %get3A_619 : vector<1x16xf32> to vector<16xf32>
        %swap3A_621 = arith.index_cast %add3A_616 : i32 to index
        %swap3A_622 = arith.constant 32 : index
        %swap3A_623 = tpu.vector_load %arg13[%swap3A_621, %swap3A_622] {strides = array<i32>} : memref<400x64xf32, #tpu.memory_space<vmem>>, vector<1x16xf32>,
        %swap3A_624 = vector.shape_cast %swap3A_623 : vector<1x16xf32> to vector<16xf32>
        %swap3A_625 = vector.shape_cast %get3A_620 : vector<16xf32> to vector<1x16xf32>
        tpu.vector_store %arg13[%swap3A_621, %swap3A_622], %swap3A_625 {add = true, strides = array<i32>} : memref<400x64xf32, #tpu.memory_space<vmem>>, vector<1x16xf32>,
        %add3A_626 = arith.constant 200 : i32
        %add3A_627 = arith.addi %add3A_626, %add3A_594 : i32
        %get3A_628 = arith.index_cast %add3A_594 : i32 to index
        %get3A_629 = arith.constant 48 : index
        %get3A_630 = tpu.vector_load %arg14[%get3A_628, %get3A_629] {strides = array<i32>} : memref<200x64xf32, #tpu.memory_space<vmem>>, vector<1x16xf32>,
        %get3A_631 = vector.shape_cast %get3A_630 : vector<1x16xf32> to vector<16xf32>
        %swap3A_632 = arith.index_cast %add3A_627 : i32 to index
        %swap3A_633 = arith.constant 48 : index
        %swap3A_634 = tpu.vector_load %arg13[%swap3A_632, %swap3A_633] {strides = array<i32>} : memref<400x64xf32, #tpu.memory_space<vmem>>, vector<1x16xf32>,
        %swap3A_635 = vector.shape_cast %swap3A_634 : vector<1x16xf32> to vector<16xf32>
        %swap3A_636 = vector.shape_cast %get3A_631 : vector<16xf32> to vector<1x16xf32>
        tpu.vector_store %arg13[%swap3A_632, %swap3A_633], %swap3A_636 {add = true, strides = array<i32>} : memref<400x64xf32, #tpu.memory_space<vmem>>, vector<1x16xf32>,
        %mul3A_637 = arith.constant 2 : i32
        %mul3A_638 = arith.muli %scan3A_590, %mul3A_637 : i32
        %add3A_639 = arith.constant 1 : i32
        %add3A_640 = arith.addi %mul3A_638, %add3A_639 : i32
        %add3A_641 = arith.constant 200 : i32
        %add3A_642 = arith.addi %add3A_641, %add3A_640 : i32
        %get3A_643 = arith.index_cast %add3A_640 : i32 to index
        %get3A_644 = arith.constant 0 : index
        %get3A_645 = tpu.vector_load %arg14[%get3A_643, %get3A_644] {strides = array<i32>} : memref<200x64xf32, #tpu.memory_space<vmem>>, vector<1x16xf32>,
        %get3A_646 = vector.shape_cast %get3A_645 : vector<1x16xf32> to vector<16xf32>
        %swap3A_647 = arith.index_cast %add3A_642 : i32 to index
        %swap3A_648 = arith.constant 0 : index
        %swap3A_649 = tpu.vector_load %arg13[%swap3A_647, %swap3A_648] {strides = array<i32>} : memref<400x64xf32, #tpu.memory_space<vmem>>, vector<1x16xf32>,
        %swap3A_650 = vector.shape_cast %swap3A_649 : vector<1x16xf32> to vector<16xf32>
        %swap3A_651 = vector.shape_cast %get3A_646 : vector<16xf32> to vector<1x16xf32>
        tpu.vector_store %arg13[%swap3A_647, %swap3A_648], %swap3A_651 {add = true, strides = array<i32>} : memref<400x64xf32, #tpu.memory_space<vmem>>, vector<1x16xf32>,
        %add3A_652 = arith.constant 200 : i32
        %add3A_653 = arith.addi %add3A_652, %add3A_640 : i32
        %get3A_654 = arith.index_cast %add3A_640 : i32 to index
        %get3A_655 = arith.constant 16 : index
        %get3A_656 = tpu.vector_load %arg14[%get3A_654, %get3A_655] {strides = array<i32>} : memref<200x64xf32, #tpu.memory_space<vmem>>, vector<1x16xf32>,
        %get3A_657 = vector.shape_cast %get3A_656 : vector<1x16xf32> to vector<16xf32>
        %swap3A_658 = arith.index_cast %add3A_653 : i32 to index
        %swap3A_659 = arith.constant 16 : index
        %swap3A_660 = tpu.vector_load %arg13[%swap3A_658, %swap3A_659] {strides = array<i32>} : memref<400x64xf32, #tpu.memory_space<vmem>>, vector<1x16xf32>,
        %swap3A_661 = vector.shape_cast %swap3A_660 : vector<1x16xf32> to vector<16xf32>
        %swap3A_662 = vector.shape_cast %get3A_657 : vector<16xf32> to vector<1x16xf32>
        tpu.vector_store %arg13[%swap3A_658, %swap3A_659], %swap3A_662 {add = true, strides = array<i32>} : memref<400x64xf32, #tpu.memory_space<vmem>>, vector<1x16xf32>,
        %add3A_663 = arith.constant 200 : i32
        %add3A_664 = arith.addi %add3A_663, %add3A_640 : i32
        %get3A_665 = arith.index_cast %add3A_640 : i32 to index
        %get3A_666 = arith.constant 32 : index
        %get3A_667 = tpu.vector_load %arg14[%get3A_665, %get3A_666] {strides = array<i32>} : memref<200x64xf32, #tpu.memory_space<vmem>>, vector<1x16xf32>,
        %get3A_668 = vector.shape_cast %get3A_667 : vector<1x16xf32> to vector<16xf32>
        %swap3A_669 = arith.index_cast %add3A_664 : i32 to index
        %swap3A_670 = arith.constant 32 : index
        %swap3A_671 = tpu.vector_load %arg13[%swap3A_669, %swap3A_670] {strides = array<i32>} : memref<400x64xf32, #tpu.memory_space<vmem>>, vector<1x16xf32>,
        %swap3A_672 = vector.shape_cast %swap3A_671 : vector<1x16xf32> to vector<16xf32>
        %swap3A_673 = vector.shape_cast %get3A_668 : vector<16xf32> to vector<1x16xf32>
        tpu.vector_store %arg13[%swap3A_669, %swap3A_670], %swap3A_673 {add = true, strides = array<i32>} : memref<400x64xf32, #tpu.memory_space<vmem>>, vector<1x16xf32>,
        %add3A_674 = arith.constant 200 : i32
        %add3A_675 = arith.addi %add3A_674, %add3A_640 : i32
        %get3A_676 = arith.index_cast %add3A_640 : i32 to index
        %get3A_677 = arith.constant 48 : index
        %get3A_678 = tpu.vector_load %arg14[%get3A_676, %get3A_677] {strides = array<i32>} : memref<200x64xf32, #tpu.memory_space<vmem>>, vector<1x16xf32>,
        %get3A_679 = vector.shape_cast %get3A_678 : vector<1x16xf32> to vector<16xf32>
        %swap3A_680 = arith.index_cast %add3A_675 : i32 to index
        %swap3A_681 = arith.constant 48 : index
        %swap3A_682 = tpu.vector_load %arg13[%swap3A_680, %swap3A_681] {strides = array<i32>} : memref<400x64xf32, #tpu.memory_space<vmem>>, vector<1x16xf32>,
        %swap3A_683 = vector.shape_cast %swap3A_682 : vector<1x16xf32> to vector<16xf32>
        %swap3A_684 = vector.shape_cast %get3A_679 : vector<16xf32> to vector<1x16xf32>
        tpu.vector_store %arg13[%swap3A_680, %swap3A_681], %swap3A_684 {add = true, strides = array<i32>} : memref<400x64xf32, #tpu.memory_space<vmem>>, vector<1x16xf32>,
      }
      %scan3A_574 = arith.constant 100 : i32
      %mul3A_575 = arith.constant 400 : i32
      %mul3A_576 = arith.muli %add3A_497, %mul3A_575 : i32
      %add3A_577 = arith.addi %mul3A_4, %mul3A_576 : i32
      %add3A_578 = arith.constant 200 : i32
      %add3A_579 = arith.addi %add3A_577, %add3A_578 : i32
      %dma_start3A_580 = arith.constant 200 : i32
      %dma_start3A_581 = arith.constant 0 : i32
      %dma_start3A_582 = tpu.memref_slice %arg13[%dma_start3A_580, %dma_start3A_581] : memref<400x64xf32, #tpu.memory_space<vmem>> -> memref<200x64xf32, #tpu.memory_space<vmem>>
      %dma_start3A_583 = arith.constant 0 : i32
      %dma_start3A_584 = tpu.memref_slice %arg5[%add3A_579, %dma_start3A_583] : memref<819200x64xf32, #tpu.memory_space<hbm>> -> memref<200x64xf32, #tpu.memory_space<hbm>>
      %dma_start3A_585 = arith.constant 0 : i32
      %dma_start3A_586 = tpu.memref_slice %arg5[%add3A_579, %dma_start3A_585] : memref<819200x64xf32, #tpu.memory_space<hbm>> -> memref<200x64xf32, #tpu.memory_space<hbm>>
      %dma_start3A_587 = arith.constant 200 : i32
      %dma_start3A_588 = arith.constant 0 : i32
      %dma_start3A_589 = tpu.memref_slice %arg13[%dma_start3A_587, %dma_start3A_588] : memref<400x64xf32, #tpu.memory_space<vmem>> -> memref<200x64xf32, #tpu.memory_space<vmem>>
      tpu.enqueue_dma source(%dma_start3A_589 : memref<200x64xf32, #tpu.memory_space<vmem>>) target(%dma_start3A_586 : memref<200x64xf32, #tpu.memory_space<hbm>>) target_semaphore(%arg26 : memref<!tpu.dma_semaphore, #tpu.memory_space<semaphore_mem>>)
    }
    %scan3A_111 = arith.constant 16 : i32
    %dma_wait3A_112 = arith.constant 0 : i32
    %dma_wait3A_113 = arith.constant 0 : i32
    %dma_wait3A_114 = tpu.memref_slice %arg10[%dma_wait3A_112, %dma_wait3A_113] : memref<400x64xf32, #tpu.memory_space<vmem>> -> memref<200x64xf32, #tpu.memory_space<vmem>>
    %dma_wait3A_115 = arith.constant 0 : i32
    %dma_wait3A_116 = arith.constant 0 : i32
    %dma_wait3A_117 = tpu.memref_slice %arg5[%dma_wait3A_115, %dma_wait3A_116] : memref<819200x64xf32, #tpu.memory_space<hbm>> -> memref<200x64xf32, #tpu.memory_space<hbm>>
    %dma_wait3A_118 = arith.constant 0 : i32
    %dma_wait3A_119 = arith.constant 0 : i32
    %dma_wait3A_120 = tpu.memref_slice %arg5[%dma_wait3A_118, %dma_wait3A_119] : memref<819200x64xf32, #tpu.memory_space<hbm>> -> memref<200x64xf32, #tpu.memory_space<hbm>>
    %dma_wait3A_121 = arith.constant 0 : i32
    %dma_wait3A_122 = arith.constant 0 : i32
    %dma_wait3A_123 = tpu.memref_slice %arg10[%dma_wait3A_121, %dma_wait3A_122] : memref<400x64xf32, #tpu.memory_space<vmem>> -> memref<200x64xf32, #tpu.memory_space<vmem>>
    tpu.wait_dma2 semaphore(%arg23 : memref<!tpu.dma_semaphore, #tpu.memory_space<semaphore_mem>>) src(%dma_wait3A_123 : memref<200x64xf32, #tpu.memory_space<vmem>>) dst(%dma_wait3A_120 : memref<200x64xf32, #tpu.memory_space<hbm>>)
    %dma_wait3A_124 = arith.constant 200 : i32
    %dma_wait3A_125 = arith.constant 0 : i32
    %dma_wait3A_126 = tpu.memref_slice %arg10[%dma_wait3A_124, %dma_wait3A_125] : memref<400x64xf32, #tpu.memory_space<vmem>> -> memref<200x64xf32, #tpu.memory_space<vmem>>
    %dma_wait3A_127 = arith.constant 200 : i32
    %dma_wait3A_128 = arith.constant 0 : i32
    %dma_wait3A_129 = tpu.memref_slice %arg5[%dma_wait3A_127, %dma_wait3A_128] : memref<819200x64xf32, #tpu.memory_space<hbm>> -> memref<200x64xf32, #tpu.memory_space<hbm>>
    %dma_wait3A_130 = arith.constant 200 : i32
    %dma_wait3A_131 = arith.constant 0 : i32
    %dma_wait3A_132 = tpu.memref_slice %arg5[%dma_wait3A_130, %dma_wait3A_131] : memref<819200x64xf32, #tpu.memory_space<hbm>> -> memref<200x64xf32, #tpu.memory_space<hbm>>
    %dma_wait3A_133 = arith.constant 200 : i32
    %dma_wait3A_134 = arith.constant 0 : i32
    %dma_wait3A_135 = tpu.memref_slice %arg10[%dma_wait3A_133, %dma_wait3A_134] : memref<400x64xf32, #tpu.memory_space<vmem>> -> memref<200x64xf32, #tpu.memory_space<vmem>>
    tpu.wait_dma2 semaphore(%arg23 : memref<!tpu.dma_semaphore, #tpu.memory_space<semaphore_mem>>) src(%dma_wait3A_135 : memref<200x64xf32, #tpu.memory_space<vmem>>) dst(%dma_wait3A_132 : memref<200x64xf32, #tpu.memory_space<hbm>>)
    %dma_wait3A_136 = arith.constant 0 : i32
    %dma_wait3A_137 = arith.constant 0 : i32
    %dma_wait3A_138 = tpu.memref_slice %arg11[%dma_wait3A_136, %dma_wait3A_137] : memref<400x64xf32, #tpu.memory_space<vmem>> -> memref<200x64xf32, #tpu.memory_space<vmem>>
    %dma_wait3A_139 = arith.constant 0 : i32
    %dma_wait3A_140 = arith.constant 0 : i32
    %dma_wait3A_141 = tpu.memref_slice %arg5[%dma_wait3A_139, %dma_wait3A_140] : memref<819200x64xf32, #tpu.memory_space<hbm>> -> memref<200x64xf32, #tpu.memory_space<hbm>>
    %dma_wait3A_142 = arith.constant 0 : i32
    %dma_wait3A_143 = arith.constant 0 : i32
    %dma_wait3A_144 = tpu.memref_slice %arg5[%dma_wait3A_142, %dma_wait3A_143] : memref<819200x64xf32, #tpu.memory_space<hbm>> -> memref<200x64xf32, #tpu.memory_space<hbm>>
    %dma_wait3A_145 = arith.constant 0 : i32
    %dma_wait3A_146 = arith.constant 0 : i32
    %dma_wait3A_147 = tpu.memref_slice %arg11[%dma_wait3A_145, %dma_wait3A_146] : memref<400x64xf32, #tpu.memory_space<vmem>> -> memref<200x64xf32, #tpu.memory_space<vmem>>
    tpu.wait_dma2 semaphore(%arg24 : memref<!tpu.dma_semaphore, #tpu.memory_space<semaphore_mem>>) src(%dma_wait3A_147 : memref<200x64xf32, #tpu.memory_space<vmem>>) dst(%dma_wait3A_144 : memref<200x64xf32, #tpu.memory_space<hbm>>)
    %dma_wait3A_148 = arith.constant 200 : i32
    %dma_wait3A_149 = arith.constant 0 : i32
    %dma_wait3A_150 = tpu.memref_slice %arg11[%dma_wait3A_148, %dma_wait3A_149] : memref<400x64xf32, #tpu.memory_space<vmem>> -> memref<200x64xf32, #tpu.memory_space<vmem>>
    %dma_wait3A_151 = arith.constant 200 : i32
    %dma_wait3A_152 = arith.constant 0 : i32
    %dma_wait3A_153 = tpu.memref_slice %arg5[%dma_wait3A_151, %dma_wait3A_152] : memref<819200x64xf32, #tpu.memory_space<hbm>> -> memref<200x64xf32, #tpu.memory_space<hbm>>
    %dma_wait3A_154 = arith.constant 200 : i32
    %dma_wait3A_155 = arith.constant 0 : i32
    %dma_wait3A_156 = tpu.memref_slice %arg5[%dma_wait3A_154, %dma_wait3A_155] : memref<819200x64xf32, #tpu.memory_space<hbm>> -> memref<200x64xf32, #tpu.memory_space<hbm>>
    %dma_wait3A_157 = arith.constant 200 : i32
    %dma_wait3A_158 = arith.constant 0 : i32
    %dma_wait3A_159 = tpu.memref_slice %arg11[%dma_wait3A_157, %dma_wait3A_158] : memref<400x64xf32, #tpu.memory_space<vmem>> -> memref<200x64xf32, #tpu.memory_space<vmem>>
    tpu.wait_dma2 semaphore(%arg24 : memref<!tpu.dma_semaphore, #tpu.memory_space<semaphore_mem>>) src(%dma_wait3A_159 : memref<200x64xf32, #tpu.memory_space<vmem>>) dst(%dma_wait3A_156 : memref<200x64xf32, #tpu.memory_space<hbm>>)
    %dma_wait3A_160 = arith.constant 0 : i32
    %dma_wait3A_161 = arith.constant 0 : i32
    %dma_wait3A_162 = tpu.memref_slice %arg12[%dma_wait3A_160, %dma_wait3A_161] : memref<400x64xf32, #tpu.memory_space<vmem>> -> memref<200x64xf32, #tpu.memory_space<vmem>>
    %dma_wait3A_163 = arith.constant 0 : i32
    %dma_wait3A_164 = arith.constant 0 : i32
    %dma_wait3A_165 = tpu.memref_slice %arg5[%dma_wait3A_163, %dma_wait3A_164] : memref<819200x64xf32, #tpu.memory_space<hbm>> -> memref<200x64xf32, #tpu.memory_space<hbm>>
    %dma_wait3A_166 = arith.constant 0 : i32
    %dma_wait3A_167 = arith.constant 0 : i32
    %dma_wait3A_168 = tpu.memref_slice %arg5[%dma_wait3A_166, %dma_wait3A_167] : memref<819200x64xf32, #tpu.memory_space<hbm>> -> memref<200x64xf32, #tpu.memory_space<hbm>>
    %dma_wait3A_169 = arith.constant 0 : i32
    %dma_wait3A_170 = arith.constant 0 : i32
    %dma_wait3A_171 = tpu.memref_slice %arg12[%dma_wait3A_169, %dma_wait3A_170] : memref<400x64xf32, #tpu.memory_space<vmem>> -> memref<200x64xf32, #tpu.memory_space<vmem>>
    tpu.wait_dma2 semaphore(%arg25 : memref<!tpu.dma_semaphore, #tpu.memory_space<semaphore_mem>>) src(%dma_wait3A_171 : memref<200x64xf32, #tpu.memory_space<vmem>>) dst(%dma_wait3A_168 : memref<200x64xf32, #tpu.memory_space<hbm>>)
    %dma_wait3A_172 = arith.constant 200 : i32
    %dma_wait3A_173 = arith.constant 0 : i32
    %dma_wait3A_174 = tpu.memref_slice %arg12[%dma_wait3A_172, %dma_wait3A_173] : memref<400x64xf32, #tpu.memory_space<vmem>> -> memref<200x64xf32, #tpu.memory_space<vmem>>
    %dma_wait3A_175 = arith.constant 200 : i32
    %dma_wait3A_176 = arith.constant 0 : i32
    %dma_wait3A_177 = tpu.memref_slice %arg5[%dma_wait3A_175, %dma_wait3A_176] : memref<819200x64xf32, #tpu.memory_space<hbm>> -> memref<200x64xf32, #tpu.memory_space<hbm>>
    %dma_wait3A_178 = arith.constant 200 : i32
    %dma_wait3A_179 = arith.constant 0 : i32
    %dma_wait3A_180 = tpu.memref_slice %arg5[%dma_wait3A_178, %dma_wait3A_179] : memref<819200x64xf32, #tpu.memory_space<hbm>> -> memref<200x64xf32, #tpu.memory_space<hbm>>
    %dma_wait3A_181 = arith.constant 200 : i32
    %dma_wait3A_182 = arith.constant 0 : i32
    %dma_wait3A_183 = tpu.memref_slice %arg12[%dma_wait3A_181, %dma_wait3A_182] : memref<400x64xf32, #tpu.memory_space<vmem>> -> memref<200x64xf32, #tpu.memory_space<vmem>>
    tpu.wait_dma2 semaphore(%arg25 : memref<!tpu.dma_semaphore, #tpu.memory_space<semaphore_mem>>) src(%dma_wait3A_183 : memref<200x64xf32, #tpu.memory_space<vmem>>) dst(%dma_wait3A_180 : memref<200x64xf32, #tpu.memory_space<hbm>>)
    %dma_wait3A_184 = arith.constant 0 : i32
    %dma_wait3A_185 = arith.constant 0 : i32
    %dma_wait3A_186 = tpu.memref_slice %arg13[%dma_wait3A_184, %dma_wait3A_185] : memref<400x64xf32, #tpu.memory_space<vmem>> -> memref<200x64xf32, #tpu.memory_space<vmem>>
    %dma_wait3A_187 = arith.constant 0 : i32
    %dma_wait3A_188 = arith.constant 0 : i32
    %dma_wait3A_189 = tpu.memref_slice %arg5[%dma_wait3A_187, %dma_wait3A_188] : memref<819200x64xf32, #tpu.memory_space<hbm>> -> memref<200x64xf32, #tpu.memory_space<hbm>>
    %dma_wait3A_190 = arith.constant 0 : i32
    %dma_wait3A_191 = arith.constant 0 : i32
    %dma_wait3A_192 = tpu.memref_slice %arg5[%dma_wait3A_190, %dma_wait3A_191] : memref<819200x64xf32, #tpu.memory_space<hbm>> -> memref<200x64xf32, #tpu.memory_space<hbm>>
    %dma_wait3A_193 = arith.constant 0 : i32
    %dma_wait3A_194 = arith.constant 0 : i32
    %dma_wait3A_195 = tpu.memref_slice %arg13[%dma_wait3A_193, %dma_wait3A_194] : memref<400x64xf32, #tpu.memory_space<vmem>> -> memref<200x64xf32, #tpu.memory_space<vmem>>
    tpu.wait_dma2 semaphore(%arg26 : memref<!tpu.dma_semaphore, #tpu.memory_space<semaphore_mem>>) src(%dma_wait3A_195 : memref<200x64xf32, #tpu.memory_space<vmem>>) dst(%dma_wait3A_192 : memref<200x64xf32, #tpu.memory_space<hbm>>)
    %dma_wait3A_196 = arith.constant 200 : i32
    %dma_wait3A_197 = arith.constant 0 : i32
    %dma_wait3A_198 = tpu.memref_slice %arg13[%dma_wait3A_196, %dma_wait3A_197] : memref<400x64xf32, #tpu.memory_space<vmem>> -> memref<200x64xf32, #tpu.memory_space<vmem>>
    %dma_wait3A_199 = arith.constant 200 : i32
    %dma_wait3A_200 = arith.constant 0 : i32
    %dma_wait3A_201 = tpu.memref_slice %arg5[%dma_wait3A_199, %dma_wait3A_200] : memref<819200x64xf32, #tpu.memory_space<hbm>> -> memref<200x64xf32, #tpu.memory_space<hbm>>
    %dma_wait3A_202 = arith.constant 200 : i32
    %dma_wait3A_203 = arith.constant 0 : i32
    %dma_wait3A_204 = tpu.memref_slice %arg5[%dma_wait3A_202, %dma_wait3A_203] : memref<819200x64xf32, #tpu.memory_space<hbm>> -> memref<200x64xf32, #tpu.memory_space<hbm>>
    %dma_wait3A_205 = arith.constant 200 : i32
    %dma_wait3A_206 = arith.constant 0 : i32
    %dma_wait3A_207 = tpu.memref_slice %arg13[%dma_wait3A_205, %dma_wait3A_206] : memref<400x64xf32, #tpu.memory_space<vmem>> -> memref<200x64xf32, #tpu.memory_space<vmem>>
    tpu.wait_dma2 semaphore(%arg26 : memref<!tpu.dma_semaphore, #tpu.memory_space<semaphore_mem>>) src(%dma_wait3A_207 : memref<200x64xf32, #tpu.memory_space<vmem>>) dst(%dma_wait3A_204 : memref<200x64xf32, #tpu.memory_space<hbm>>)
    return
  }
}

</mosaic_0001>

<sc_bundles>
// kernel: kernel.3.cloned.1.call-start
scs
__scs_entry_jumppad:
0x0: {  	(pc) =	sbr.rel $0x88, $3  }
0x1: {  	(tag) =	ssettag $0x0;
	lr =	simm.s32 $0x1  }
0x2: {  	[smem:$0x3F9E] =	sst lr;
	_ =	strace $0xD0000000  }
0x3: {  	_ = 	snop  }
0x4: {  	_ = 	snop  }
0x5: {  	_ = 	snop  }
0x6: {  	_ = 	snop  }
0x7: {  	_ = 	snop  }
__scs_overlays_trampoline_lowered:
0x8: {  	[smem:$0x3FAD] =	sst s0  }
0x9: {  	[smem:$0x3FAE] =	sst s1  }
0xa: {  	[smem:$0x3FAF] =	sst s2  }
0xb: {  	[smem:$0x3FB0] =	sst s3  }
0xc: {  	[smem:$0x3FB1] =	sst s4  }
0xd: {  	[smem:$0x3FB2] =	sst s5  }
0xe: {  	[smem:$0x3FB3] =	sst s6  }
0xf: {  	[smem:$0x3FB4] =	sst s7  }
0x10: {  	[smem:$0x3FB5] =	sst s8  }
0x11: {  	[smem:$0x3FB6] =	sst s9;
	s0 =	simm.s32 @!p0 $0x0  }
0x12: {  	s1 =	sld [smem:$0x3F9C];
	s0 =	simm.s32 @p0 $0x1  }
0x13: {  	[smem:$0x3FB7] =	sst s0;
	s0 =	simm.s32 @!p1 $0x0  }
0x14: {  	s2 =	sld [smem:$0x3F9B];
	s0 =	simm.s32 @p1 $0x1  }
0x15: {  	[smem:$0x3FB8] =	sst s0;
	s0 =	simm.s32 @!p2 $0x0  }
0x16: {  	s3 =	sld [smem:$0x3FDB];
	s0 =	simm.s32 @p2 $0x1  }
0x17: {  	s4 =	simm.s32 $0x1BF5;
	[smem:$0x3FBA] =	sst s0  }
0x18: {  	s0 =	sld [smem:$0x3F9D];
	_ =	swait.ge [sflag:s4], $0x0  }
0x19: {  	s7 =	sld [smem:$0x3F9E]  }
0x1a: {  	s8 =	sadd.s32 $0xFFFFE003, lr  }
0x1b: {  	s9 =	sadd.s32 $0xFFFFFEF7, lr;
	s5 =	simm.s32 $0xFFFFFFFF;
	p2 =	slt.u32 s8, $0xFFFFF086  }
0x1c: {  	p1 =	slt.u32 s9, $0xF7A;
	s5 =	simm.s32 @!p2 $0x0  }
0x1d: {  	s5 =	simm.s32 @p1 $0x1;
	p0 =	seq.s32 s7, s2  }
0x1e: {  	s7 =	smul.u32 @!p0 $0xF7A, s2;
	p2 =	seq.s32 @!p0 s5, $0x0  }
0x1f: {  	s9 =	smul.u32 $0xF7A, s1;
	s8 =	simm.s32 @!p0 $0x1BF5;
	p2 =	por !p2, p0  }
0x20: {  	[sflag:s8] =	ssyncset.s32 @!p0 $0xFFFFF086;
	s6 =	sadd.s32 @!p0 s3, s7;
	s7 =	simm.s32 @!p0 $0x108  }
0x21: {  	s3 =	sadd.s32 s3, s9;
	s6 =	sadd.s32 @!p0 $0x88, s6;
	s7 =	simm.s32 @p2 $0x1082  }
0x22: {  	[simem:s7], [sflag:s8] =	dma.local @!p0 [hbm:s6], $0xF7A  }
0x23: {  	s9 =	sor.u32 $0xD0000000, s2;
	s6 =	simm.s32 $0x108;
	_ =	swait.ge @!p0 [sflag:s8], $0x0  }
0x24: {  	s3 =	sadd.s32 $0x88, s3;
	s6 =	simm.s32 @!p1 $0x1082;
	[sflag:s4] =	ssyncset.s32 $0xFFFFF086  }
0x25: {  	[simem:s6], [sflag:s4] =	dma.local [hbm:s3], $0xF7A  }
0x26: {  	[smem:$0x3F9E] =	sst s1;
	(tag) =	ssettag s2;
	_ =	strace s9  }
0x27: {  	s1 =	sld [smem:$0x3FAE]  }
0x28: {  	s2 =	sld [smem:$0x3FAF]  }
0x29: {  	s4 =	sld [smem:$0x3FB1]  }
0x2a: {  	p0 =	seq.s32 s5, $0x0;
	s5 =	sld [smem:$0x3FB2]  }
0x2b: {  	s6 =	sld [smem:$0x3FB3]  }
0x2c: {  	s7 =	sld [smem:$0x3FB4]  }
0x2d: {  	s3 =	simm.s32 $0x108;
	s8 =	sld [smem:$0x3FB5]  }
0x2e: {  	s3 =	simm.s32 @!p0 $0x1082;
	s9 =	sld [smem:$0x3FB6]  }
0x2f: {  	lr =	sadd.s32 s0, s3;
	s0 =	sld [smem:$0x3FAD]  }
0x30: {  	s3 =	sld [smem:$0x3FB0]  }
0x31: {  	[smem:$0x3FB9] =	sst s10  }
0x32: {  	s10 =	sld [smem:$0x3FB7];
	_ =	sdelay $0x3  }
0x33: {  	p0 =	seq.s32 s10, $0x1;
	s10 =	sld [smem:$0x3FB9];
	_ =	sdelay $0x3  }
0x34: {  	[smem:$0x3FB9] =	sst s10  }
0x35: {  	s10 =	sld [smem:$0x3FB8];
	_ =	sdelay $0x3  }
0x36: {  	p1 =	seq.s32 s10, $0x1;
	s10 =	sld [smem:$0x3FB9];
	_ =	sdelay $0x3  }
0x37: {  	[smem:$0x3FB9] =	sst s10  }
0x38: {  	s10 =	sld [smem:$0x3FBA]  }
0x39: {  	_ = 	snop;
	(pc) =	sbr.ind lr, $3  }
0x3a: {  	_ = 	snop  }
0x3b: {  	_ = 	snop  }
0x3c: {  	p2 =	seq.s32 s10, $0x1;
	s10 =	sld [smem:$0x3FB9]  }
0x3d: {  	_ =	shalt  }
0x3e: {  	_ =	shalt  }
0x3f: {  	_ =	shalt  }
0x40: {  	_ =	shalt  }
0x41: {  	_ =	shalt  }
0x42: {  	_ =	shalt  }
0x43: {  	_ =	shalt  }
0x44: {  	_ =	shalt  }
0x45: {  	_ =	shalt  }
0x46: {  	_ =	shalt  }
0x47: {  	_ =	shalt  }
0x48: {  	_ =	shalt  }
0x49: {  	_ =	shalt  }
0x4a: {  	_ =	shalt  }
0x4b: {  	_ =	shalt  }
0x4c: {  	_ =	shalt  }
0x4d: {  	_ =	shalt  }
0x4e: {  	_ =	shalt  }
0x4f: {  	_ =	shalt  }
0x50: {  	_ =	shalt  }
0x51: {  	_ =	shalt  }
0x52: {  	_ =	shalt  }
0x53: {  	_ =	shalt  }
0x54: {  	_ =	shalt  }
0x55: {  	_ =	shalt  }
0x56: {  	_ =	shalt  }
0x57: {  	_ =	shalt  }
0x58: {  	_ =	shalt  }
0x59: {  	_ =	shalt  }
0x5a: {  	_ =	shalt  }
0x5b: {  	_ =	shalt  }
0x5c: {  	_ =	shalt  }
0x5d: {  	_ =	shalt  }
0x5e: {  	_ =	shalt  }
0x5f: {  	_ =	shalt  }
0x60: {  	_ =	shalt  }
0x61: {  	_ =	shalt  }
0x62: {  	_ =	shalt  }
0x63: {  	_ =	shalt  }
0x64: {  	_ =	shalt  }
0x65: {  	_ =	shalt  }
0x66: {  	_ =	shalt  }
0x67: {  	_ =	shalt  }
0x68: {  	_ =	shalt  }
0x69: {  	_ =	shalt  }
0x6a: {  	_ =	shalt  }
0x6b: {  	_ =	shalt  }
0x6c: {  	_ =	shalt  }
0x6d: {  	_ =	shalt  }
0x6e: {  	_ =	shalt  }
0x6f: {  	_ =	shalt  }
0x70: {  	_ =	shalt  }
0x71: {  	_ =	shalt  }
0x72: {  	_ =	shalt  }
0x73: {  	_ =	shalt  }
0x74: {  	_ =	shalt  }
0x75: {  	_ =	shalt  }
0x76: {  	_ =	shalt  }
0x77: {  	_ =	shalt  }
0x78: {  	_ =	shalt  }
0x79: {  	_ =	shalt  }
0x7a: {  	_ =	shalt  }
0x7b: {  	_ =	shalt  }
0x7c: {  	_ =	shalt  }
0x7d: {  	_ =	shalt  }
0x7e: {  	_ =	shalt  }
0x7f: {  	_ =	shalt  }
0x80: {  	_ =	shalt  }
0x81: {  	_ =	shalt  }
0x82: {  	_ =	shalt  }
0x83: {  	_ =	shalt  }
0x84: {  	_ =	shalt  }
0x85: {  	_ =	shalt  }
0x86: {  	_ =	shalt  }
0x87: {  	_ =	shalt  }
.Lfunc_end0:
.L_simem_size_0:
called_computation.1_lowered:
.L_overlay_start_0:
0x88: {  	s2 =	sld [smem:$0x3FD9]  }
0x89: {  	s3 =	sld [smem:$0x3FFE];
	_ =	sdelay $0x1  }
0x8a: {  	s1 =	srdreg.scid  }
0x8b: {  	s0 =	sand.u32 $0x1, s1  }
0x8c: {  	s17 =	sshll.u32 s0, $0xA;
	s2 =	sadd.s32 s3, s2  }
0x8d: {  	s2 =	sadd.s32 s2, s17  }
0x8e: {  	[smem:$0x3FC5] =	sst s2  }
0x8f: {  	_ = 	snop  }
0x90: {  	s2 =	sld [smem:$0x3FD0];
	(tm) =	ssettm $0x1  }
0x91: {  	s18 =	sld [smem:$0x3FFB];
	_ =	sdelay $0x3  }
0x92: {  	_ =	strace s18  }
0x93: {  	s3 =	sld [smem:$0x3FFC];
	_ =	sdelay $0x3  }
0x94: {  	_ =	strace s3  }
0x95: {  	s3 =	sld [smem:$0x3FFD];
	_ =	sdelay $0x3  }
0x96: {  	_ =	strace s3  }
0x97: {  	_ =	strace $0x8FFFFFFF  }
0x98: {  	s19 =	sld [smem:$0x3FDB];
	_ =	sdelay $0x1  }
0x99: {  	s4 =	simm.s32 $_scs_section_size  }
0x9a: {  	s5 =	simm.s32 $_size__tile_overlayer_lowered;
	s6 =	simm.s32 $_tile_overlayer_lowered  }
0x9b: {  	s22 =	simm.s32 $0x1BFF;
	s21 =	sshll.u32 s6, $0x1;
	s3 =	sadd.s32 s4, s19  }
0x9c: {  	s7 =	simm.s32 $0x0;
	s20 =	sshll.u32 s5, $0x1;
	s5 =	sadd.s32 s21, s3  }
0x9d: {  	[timem:s7], [sflag:s22] =	dma.local [hbm:s5], s20  }
0x9e: {  	_ =	swait.ge [sflag:s22], s20  }
0x9f: {  	s4 =	ssub.s32 $0x0, s20;
	[sflag:s22] =	ssyncset.done $0x0  }
0xa0: {  	[sflag:s22] =	ssyncadd.s32 s4;
	_ =	sdelay $0x1  }
0xa1: {  	s23 =	simm.s32 $0x1B8B  }
0xa2: {  	_ =	swait.ge [sflag:s23], $0x1  }
0xa3: {  	[sflag:s23] =	ssyncset.done $0x0  }
0xa4: {  	s25 =	simm.s32 $0x1B8E;
	s24 =	sld [smem:$0x3FFE];
	[sflag:s23] =	ssyncadd.s32 $0xFFFFFFFF  }
0xa5: {  	s26 =	simm.s32 $execute0_lowered;
	[smem:$0x3FD2] =	sst s25  }
0xa6: {  	s5 =	sshll.u32 s26, $0x1;
	_ =	strace $0x80000046;
	[dreg:$0x1] =	wrdreg $0xFFFFFFFF  }
0xa7: {  	s28 =	simm.s32 $_size_execute0_lowered;
	s3 =	sadd.s32 s3, s5;
	[dreg:$0x0] =	wrdreg $0x0  }
0xa8: {  	s5 =	sshll.u32 s28, $0x1;
	[dreg:$0x2] =	wrdreg s3  }
0xa9: {  	[dreg:$0x3] =	wrdreg s5  }
0xaa: {  	[dreg:$0x4] =	wrdreg $0xC0  }
0xab: {  	_ =	task [dreg:s7], $0x5FFFF  }
0xac: {  	[dreg:$0x1] =	wrdreg $0xFFFFFFFF  }
0xad: {  	[dreg:$0x0] =	wrdreg $0x60  }
0xae: {  	[dreg:$0x2] =	wrdreg s24  }
0xaf: {  	[dreg:$0x3] =	wrdreg s2  }
0xb0: {  	[dreg:$0x4] =	wrdreg $0x9  }
0xb1: {  	_ =	task.clear_ibuf [dreg:s7], $0x5FFFF;
	_ =	strace $0x90000046  }
0xb2: {  	s29 =	simm.s32 $0x9;
	_ =	strace $0x80000048  }
0xb3: {  	_ =	swait.ge [sflag:s29], $0x1  }
0xb4: {  	[sflag:s29] =	ssyncadd.s32 $0xFFFFFFFF  }
0xb5: {  	_ =	strace $0x90000048  }
0xb6: {  	_ =	sfence  }
0xb7: {  	s30 =	sld [smem:$0x0];
	_ =	sdelay $0x2  }
0xb8: {  	s31 =	sshll.u32 s1, $0xD;
	s1 =	sshrl.u32 s1, $0x2  }
0xb9: {  	s3 =	sand.u32 $0x4000, s31;
	s1 =	sadd.s32 s1, s30  }
0xba: {  	s0 =	sor.u32 s3, s0;
	s1 =	sshll.u32 s1, $0x11  }
0xbb: {  	s0 =	sor.u32 s1, s0  }
0xbc: {  	s0 =	sadd.s32 $0x8F2B, s0  }
0xbd: {  	[sflag:s0] =	ssyncadd.remote.s32 $0x1  }
0xbe: {  	_ =	sfence.sel $0xFFFF  }
0xbf: {  	[dreg:$0x0] =	wrdreg $0xFFFFFFFF;
	(pc) =	sbr.abs _section_cstart, $3  }
0xc0: {  	[dreg:$0x1] =	wrdreg $0xFFFFFFFF  }
0xc1: {  	_ =	task.clear_ibuf [dreg:s7], $0x2FFFF;
	_ =	strace $0x9FFFFFFF  }
0xc2: {  	(tm) =	ssettm $0x7FFFFFFF  }
0xc3: {  	_ =	shalt  }
tec
execute0_lowered:
.L_overlay_start_1:
0x0: {  	(tag) =	ssettag $0x1  }
0x1: {  	s0 =	rddreg [dreg:$0x0];
	s1 =	srdreg.scid  }
0x2: {  	s3 =	stileid.u32;
	s2 =	rddreg [dreg:$0x1]  }
0x3: {  	s25 =	simm.s32 $0x50;
	s19 =	simm.s32 $0xCE40;
	s18 =	simm.s32 $0x5  }
0x4: {  	s20 =	simm.s32 $0x4;
	s24 =	simm.s32 $0x13240;
	s21 =	simm.s32 $0x18240  }
0x5: {  	s9 =	simm.s32 $0x9C40;
	s10 =	simm.s32 $0x7;
	s11 =	simm.s32 $0x10040  }
0x6: {  	s8 =	simm.s32 $0x8;
	s28 =	simm.s32 $0x16440;
	s22 =	simm.s32 $0x0  }
0x7: {  	s1 =	sand.u32 $0x1, s1;
	s4 =	sshll.u32 s3, $0x1;
	s3 =	simm.s32 $0x0  }
0x8: {  	s5 =	sadd.s32 $0x1000, s0;
	s6 =	sadd.s32 $0x1A000, s0;
	s0 =	sadd.s32 $0x800, s0  }
0x9: {  	s13 =	sadd.s32 $0x640, s2;
	s4 =	sor.u32 s1, s4;
	s1 =	ssub.s32 $0x2, s1  }
0xa: {  	[smem:$0x7FF] =	sst s3;
	s4 =	smul.u32 $0x6400, s4;
	s26 =	sshrl.u32 s1, $0x1  }
0xb: {  	_ =	strace $0x80000047;
	[dreg:$0x3] =	wrdreg s0;
	s0 =	ssub.s32 s1, s26  }
0xc: {  	s26 =	simm.s32 $0x6;
	s7 =	sshrl.u32 s4, $0x3;
	s0 =	smax.u32 s0, $0x1  }
0xd: {  	s12 =	sadd.s32 $0x640, s4;
	s7 =	sadd.s32 s5, s7;
	[dreg:$0x8] =	wrdreg s0  }
0xe: {  	s14 =	sadd.s32 $0x7D0, s4;
	s29 =	sadd.s32 $0x32, s7;
	[dreg:$0x4] =	wrdreg s7  }
0xf: {  	s15 =	sor.u32 $0x190, s4;
	s30 =	sadd.s32 $0x64, s7;
	[dreg:$0x5] =	wrdreg s29  }
0x10: {  	s16 =	sadd.s32 $0x960, s4;
	s31 =	sadd.s32 $0x96, s7;
	[dreg:$0x6] =	wrdreg s30  }
0x11: {  	s17 =	sadd.s32 $0xAF0, s4;
	s0 =	simm.s32 $0x3;
	[dreg:$0x7] =	wrdreg s31  }
.LBB2_1:
0x12: {  	[dreg:$0x9] =	wrdreg s22  }
0x13: {  	s1 =	rddreg [dreg:$0x3];
	s7 =	simm.s32 $0x19640;
	s23 =	simm.s32 $0xD  }
0x14: {  	[tilespmem:s7], [sflag:$0xD] =	stream.linear.gather [hbm4b:s1+s3], $0x3200, $0x38;
	[tilespmem:$0x1C840] =	vst v63  }
0x15: {  	_ =	swait.ge [sflag:s23], $0x3200  }
0x16: {  	[sflag:s23] =	ssyncset.done $0x0  }
0x17: {  	s30 =	rddreg [dreg:$0x4];
	[sflag:s23] =	ssyncadd.s32 $0xFFFFCE00  }
0x18: {  	[tilespmem:s3], [sflag:$0x1] =	stream.linear.gather [hbm4b:s30+s3], $0x190, $0x38;
	[tilespmem:$0x1C840] =	vst v63  }
0x19: {  	s7 =	simm.s32 $0x190;
	s31 =	rddreg [dreg:$0x5]  }
0x1a: {  	[tilespmem:s7], [sflag:$0x2] =	stream.linear.gather [hbm4b:s31+s3], $0x190, $0x38;
	[tilespmem:$0x1C840] =	vst v63  }
0x1b: {  	s22 =	rddreg [dreg:$0x6];
	s23 =	simm.s32 $0x320  }
0x1c: {  	[tilespmem:s23], [sflag:$0x3] =	stream.linear.gather [hbm4b:s22+s3], $0x190, $0x38;
	[tilespmem:$0x1C840] =	vst v63  }
0x1d: {  	s30 =	rddreg [dreg:$0x7];
	s31 =	simm.s32 $0x4B0;
	s23 =	simm.s32 $0x1  }
0x1e: {  	[tilespmem:s31], [sflag:$0x4] =	stream.linear.gather [hbm4b:s30+s3], $0x190, $0x38;
	[tilespmem:$0x1C840] =	vst v63  }
0x1f: {  	_ =	swait.ge [sflag:s23], $0x190  }
0x20: {  	[sflag:s23] =	ssyncset.done $0x0  }
0x21: {  	s30 =	simm.s32 $0x640;
	[sflag:s23] =	ssyncadd.s32 $0xFFFFFE70  }
0x22: {  	[tilespmem:s30], [sflag:$0x5] =	stream.indirect.gather [hbm4b:s6+s25], $0x40, s3, s25, $0xb8;
	[tilespmem:$0x1C840] =	vst v63  }
0x23: {  	s31 =	simm.s32 $0x1A40  }
0x24: {  	[tilespmem:s31], [sflag:$0x5] =	stream.indirect.gather [hbm4b:s6+s25], $0x40, s25, s25, $0xb8;
	[tilespmem:$0x1C840] =	vst v63  }
0x25: {  	s22 =	simm.s32 $0xA0;
	s23 =	simm.s32 $0x2E40  }
0x26: {  	[tilespmem:s23], [sflag:$0x5] =	stream.indirect.gather [hbm4b:s6+s25], $0x40, s22, s25, $0xb8;
	[tilespmem:$0x1C840] =	vst v63  }
0x27: {  	s30 =	simm.s32 $0xF0;
	s31 =	simm.s32 $0x4240  }
0x28: {  	[tilespmem:s31], [sflag:$0x5] =	stream.indirect.gather [hbm4b:s6+s25], $0x40, s30, s25, $0xb8;
	[tilespmem:$0x1C840] =	vst v63  }
0x29: {  	s22 =	simm.s32 $0x140;
	s23 =	simm.s32 $0x5640;
	s30 =	simm.s32 $0x2  }
0x2a: {  	[tilespmem:s23], [sflag:$0x5] =	stream.indirect.gather [hbm4b:s6+s25], $0x40, s22, s25, $0xb8;
	[tilespmem:$0x1C840] =	vst v63  }
0x2b: {  	_ =	swait.ge [sflag:s30], $0x190  }
0x2c: {  	[sflag:s30] =	ssyncset.done $0x0  }
0x2d: {  	s31 =	simm.s32 $0x6A40;
	[sflag:s30] =	ssyncadd.s32 $0xFFFFFE70  }
0x2e: {  	[tilespmem:s31], [sflag:$0x6] =	stream.indirect.gather [hbm4b:s6+s25], $0x40, s7, s25, $0xb8;
	[tilespmem:$0x1C840] =	vst v63  }
0x2f: {  	s22 =	simm.s32 $0x1E0;
	s23 =	simm.s32 $0x7E40  }
0x30: {  	[tilespmem:s23], [sflag:$0x6] =	stream.indirect.gather [hbm4b:s6+s25], $0x40, s22, s25, $0xb8;
	[tilespmem:$0x1C840] =	vst v63  }
0x31: {  	s30 =	simm.s32 $0x230;
	s31 =	simm.s32 $0x9240  }
0x32: {  	[tilespmem:s31], [sflag:$0x6] =	stream.indirect.gather [hbm4b:s6+s25], $0x40, s30, s25, $0xb8;
	[tilespmem:$0x1C840] =	vst v63  }
0x33: {  	s22 =	simm.s32 $0x280;
	s23 =	simm.s32 $0xA640  }
0x34: {  	[tilespmem:s23], [sflag:$0x6] =	stream.indirect.gather [hbm4b:s6+s25], $0x40, s22, s25, $0xb8;
	[tilespmem:$0x1C840] =	vst v63  }
0x35: {  	s29 =	simm.s32 $0x0;
	s30 =	simm.s32 $0x2D0;
	s31 =	simm.s32 $0xBA40  }
0x36: {  	[tilespmem:s31], [sflag:$0x6] =	stream.indirect.gather [hbm4b:s6+s25], $0x40, s30, s25, $0xb8;
	[tilespmem:$0x1C840] =	vst v63  }
.LBB2_2:
0x37: {  	p1 =	seq.s32 s29, $0x0  }
0x38: {  	s1 =	simm.s32 @!p1 $0xB  }
0x39: {  	_ =	swait.ge @!p1 [sflag:s1], $0x3200  }
0x3a: {  	[sflag:s1] =	ssyncset.done @!p1 $0x0  }
0x3b: {  	[sflag:s1] =	ssyncadd.s32 @!p1 $0xFFFFCE00  }
0x3c: {  	_ =	swait.ge @!p1 [sflag:s1], $0x3200  }
0x3d: {  	[sflag:s1] =	ssyncset.done @!p1 $0x0  }
0x3e: {  	[sflag:s1] =	ssyncadd.s32 @!p1 $0xFFFFCE00  }
0x3f: {  	_ =	swait.ge [sflag:s0], $0x190  }
0x40: {  	[sflag:s0] =	ssyncset.done $0x0  }
0x41: {  	s7 =	simm.s32 $0x320;
	[sflag:s0] =	ssyncadd.s32 $0xFFFFFE70  }
0x42: {  	[tilespmem:s19], [sflag:$0x7] =	stream.indirect.gather [hbm4b:s6+s25], $0x40, s7, s25, $0xb8;
	[tilespmem:$0x1C840] =	vst v63  }
0x43: {  	s22 =	simm.s32 $0x370;
	s7 =	simm.s32 $0xE240  }
0x44: {  	[tilespmem:s7], [sflag:$0x7] =	stream.indirect.gather [hbm4b:s6+s25], $0x40, s22, s25, $0xb8;
	[tilespmem:$0x1C840] =	vst v63  }
0x45: {  	s23 =	simm.s32 $0x3C0;
	s31 =	simm.s32 $0xF640  }
0x46: {  	[tilespmem:s31], [sflag:$0x7] =	stream.indirect.gather [hbm4b:s6+s25], $0x40, s23, s25, $0xb8;
	[tilespmem:$0x1C840] =	vst v63  }
0x47: {  	s7 =	simm.s32 $0x410;
	s22 =	simm.s32 $0x10A40  }
0x48: {  	[tilespmem:s22], [sflag:$0x7] =	stream.indirect.gather [hbm4b:s6+s25], $0x40, s7, s25, $0xb8;
	[tilespmem:$0x1C840] =	vst v63  }
0x49: {  	s23 =	simm.s32 $0x460;
	s31 =	simm.s32 $0x11E40  }
0x4a: {  	[tilespmem:s31], [sflag:$0x7] =	stream.indirect.gather [hbm4b:s6+s25], $0x40, s23, s25, $0xb8;
	[tilespmem:$0x1C840] =	vst v63  }
0x4b: {  	_ =	swait.ge [sflag:s18], $0x1400  }
0x4c: {  	[sflag:s18] =	ssyncset.done $0x0  }
0x4d: {  	[sflag:s18] =	ssyncadd.s32 $0xFFFFEC00  }
0x4e: {  	_ =	swait.ge [sflag:s18], $0x1400  }
0x4f: {  	[sflag:s18] =	ssyncset.done $0x0  }
0x50: {  	[sflag:s18] =	ssyncadd.s32 $0xFFFFEC00  }
0x51: {  	_ =	swait.ge [sflag:s18], $0x1400  }
0x52: {  	[sflag:s18] =	ssyncset.done $0x0  }
0x53: {  	[sflag:s18] =	ssyncadd.s32 $0xFFFFEC00  }
0x54: {  	p0 =	seq.s32 s29, $0xF;
	_ =	swait.ge [sflag:s18], $0x1400  }
0x55: {  	s1 =	smul.u32 @!p0 $0x640, s29;
	[sflag:s18] =	ssyncset.done $0x0  }
0x56: {  	[sflag:s18] =	ssyncadd.s32 $0xFFFFEC00  }
0x57: {  	s1 =	sadd.s32 @!p0 s1, s12;
	_ =	swait.ge [sflag:s18], $0x1400  }
0x58: {  	s1 =	sshrl.u32 @!p0 s1, $0x3;
	[sflag:s18] =	ssyncset.done $0x0  }
0x59: {  	s1 =	sadd.s32 @!p0 s5, s1;
	s22 =	simm.s32 @!p0 $0x0;
	[sflag:s18] =	ssyncadd.s32 $0xFFFFEC00  }
0x5a: {  	[tilespmem:s22], [sflag:$0x1] =	stream.linear.gather @!p0 [hbm4b:s1+s22], $0x190, $0x38;
	[tilespmem:$0x1C840] =	vst v63  }
0x5b: {  	s30 =	sshll.u32 s29, $0x2;
	s23 =	simm.s32 $0x0;
	s22 =	simm.s32 $0x200  }
.LBB2_3:
0x5c: {  	p2 =	sne.s32 s22, $0xC600;
	v0 =	vld [tilespmem:s23+$0x196B0]  }
0x5d: {  	v1 =	vld [tilespmem:s23+$0x19640]  }
0x5e: {  	v2 =	vld [tilespmem:s23+$0x19650]  }
0x5f: {  	v3 =	vld [tilespmem:s23+$0x19660]  }
0x60: {  	v4 =	vld [tilespmem:s23+$0x19670]  }
0x61: {  	[tilespmem:s23+$0x6B0] =	vst.add.f32.msk $0xffff, v0  }
0x62: {  	v0 =	vld [tilespmem:s23+$0x19680]  }
0x63: {  	v5 =	vld [tilespmem:s23+$0x19690]  }
0x64: {  	v6 =	vld [tilespmem:s23+$0x196A0]  }
0x65: {  	[tilespmem:s23+$0x640] =	vst.add.f32.msk $0xffff, v1  }
0x66: {  	[tilespmem:s23+$0x650] =	vst.add.f32.msk $0xffff, v2  }
.Ltmp0:
0x67: {  	[tilespmem:s23+$0x660] =	vst.add.f32.msk $0xffff, v3;
	(pc) =	sbr.rel @p2 .LBB2_3-.Ltmp0, $4  }
0x68: {  	[tilespmem:s23+$0x670] =	vst.add.f32.msk $0xffff, v4  }
0x69: {  	[tilespmem:s23+$0x680] =	vst.add.f32.msk $0xffff, v0  }
0x6a: {  	[tilespmem:s23+$0x690] =	vst.add.f32.msk $0xffff, v5  }
0x6b: {  	[tilespmem:s23+$0x6A0] =	vst.add.f32.msk $0xffff, v6;
	s23 =	sshra.s32 s22, $0x2;
	s22 =	sadd.s32 $0x200, s22  }
0x6c: {  	v0 =	vld [tilespmem:s23+$0x196B0]  }
0x6d: {  	v1 =	vld [tilespmem:s23+$0x19640]  }
0x6e: {  	v2 =	vld [tilespmem:s23+$0x19650]  }
0x6f: {  	v3 =	vld [tilespmem:s23+$0x19660]  }
0x70: {  	v4 =	vld [tilespmem:s23+$0x19670]  }
0x71: {  	v63 =	vld [tilespmem:s23+$0x19680]  }
0x72: {  	v5 =	vld [tilespmem:s23+$0x19690]  }
0x73: {  	v6 =	vld [tilespmem:s23+$0x196A0]  }
0x74: {  	[tilespmem:s23+$0x6B0] =	vst.add.f32.msk $0xffff, v0  }
0x75: {  	[tilespmem:s23+$0x640] =	vst.add.f32.msk $0xffff, v1  }
0x76: {  	[tilespmem:s23+$0x650] =	vst.add.f32.msk $0xffff, v2  }
0x77: {  	s22 =	smul.u32 $0x640, s29;
	[tilespmem:s23+$0x660] =	vst.add.f32.msk $0xffff, v3  }
0x78: {  	[tilespmem:s23+$0x670] =	vst.add.f32.msk $0xffff, v4  }
0x79: {  	s1 =	sadd.s32 s4, s22;
	[tilespmem:s23+$0x680] =	vst.add.f32.msk $0xffff, v63  }
0x7a: {  	s31 =	sshll.u32 s1, $0x3;
	[tilespmem:s23+$0x690] =	vst.add.f32.msk $0xffff, v5  }
0x7b: {  	s7 =	simm.s32 $0x640;
	s1 =	sadd.s32 s2, s31;
	[tilespmem:s23+$0x6A0] =	vst.add.f32.msk $0xffff, v6;
	s23 =	simm.s32 $0x0  }
0x7c: {  	[hbm4b:s1+s23] =	stream.linear.scatter [tilespmem:s7], [sflag:$0x9], $0x3200, $0x38;
	[tilespmem:$0x1C840] =	vst v63  }
0x7d: {  	s23 =	simm.s32 $0x0;
	s1 =	simm.s32 $0x200  }
.LBB2_5:
0x7e: {  	p2 =	sne.s32 s1, $0xC600;
	v0 =	vld [tilespmem:s23+$0x196B0]  }
0x7f: {  	v1 =	vld [tilespmem:s23+$0x19640]  }
0x80: {  	v2 =	vld [tilespmem:s23+$0x19650]  }
0x81: {  	v3 =	vld [tilespmem:s23+$0x19660]  }
0x82: {  	v4 =	vld [tilespmem:s23+$0x19670]  }
0x83: {  	[tilespmem:s23+$0x38B0] =	vst.add.f32.msk $0xffff, v0  }
0x84: {  	v0 =	vld [tilespmem:s23+$0x19680]  }
0x85: {  	v5 =	vld [tilespmem:s23+$0x19690]  }
0x86: {  	v6 =	vld [tilespmem:s23+$0x196A0]  }
0x87: {  	[tilespmem:s23+$0x3840] =	vst.add.f32.msk $0xffff, v1  }
0x88: {  	[tilespmem:s23+$0x3850] =	vst.add.f32.msk $0xffff, v2  }
.Ltmp1:
0x89: {  	[tilespmem:s23+$0x3860] =	vst.add.f32.msk $0xffff, v3;
	(pc) =	sbr.rel @p2 .LBB2_5-.Ltmp1, $4  }
0x8a: {  	[tilespmem:s23+$0x3870] =	vst.add.f32.msk $0xffff, v4  }
0x8b: {  	[tilespmem:s23+$0x3880] =	vst.add.f32.msk $0xffff, v0  }
0x8c: {  	[tilespmem:s23+$0x3890] =	vst.add.f32.msk $0xffff, v5  }
0x8d: {  	[tilespmem:s23+$0x38A0] =	vst.add.f32.msk $0xffff, v6;
	s23 =	sshra.s32 s1, $0x2;
	s1 =	sadd.s32 $0x200, s1  }
0x8e: {  	v0 =	vld [tilespmem:s23+$0x196B0]  }
0x8f: {  	v1 =	vld [tilespmem:s23+$0x19640]  }
0x90: {  	v2 =	vld [tilespmem:s23+$0x19650]  }
0x91: {  	v3 =	vld [tilespmem:s23+$0x19660]  }
0x92: {  	v4 =	vld [tilespmem:s23+$0x19670]  }
0x93: {  	v63 =	vld [tilespmem:s23+$0x19680]  }
0x94: {  	v5 =	vld [tilespmem:s23+$0x19690]  }
0x95: {  	v6 =	vld [tilespmem:s23+$0x196A0]  }
0x96: {  	[tilespmem:s23+$0x38B0] =	vst.add.f32.msk $0xffff, v0  }
0x97: {  	[tilespmem:s23+$0x3840] =	vst.add.f32.msk $0xffff, v1  }
0x98: {  	[tilespmem:s23+$0x3850] =	vst.add.f32.msk $0xffff, v2  }
0x99: {  	[tilespmem:s23+$0x3860] =	vst.add.f32.msk $0xffff, v3  }
0x9a: {  	[tilespmem:s23+$0x3870] =	vst.add.f32.msk $0xffff, v4  }
0x9b: {  	[tilespmem:s23+$0x3880] =	vst.add.f32.msk $0xffff, v63  }
0x9c: {  	[tilespmem:s23+$0x3890] =	vst.add.f32.msk $0xffff, v5  }
0x9d: {  	s1 =	sadd.s32 s31, s13;
	s7 =	simm.s32 $0x3840;
	[tilespmem:s23+$0x38A0] =	vst.add.f32.msk $0xffff, v6  }
0x9e: {  	[hbm4b:s1+s3] =	stream.linear.scatter [tilespmem:s7], [sflag:$0x9], $0x3200, $0x38;
	[tilespmem:$0x1C840] =	vst v63  }
0x9f: {  	s1 =	simm.s32 @!p1 $0xC  }
0xa0: {  	_ =	swait.ge @!p1 [sflag:s1], $0x3200  }
0xa1: {  	[sflag:s1] =	ssyncset.done @!p1 $0x0  }
0xa2: {  	[sflag:s1] =	ssyncadd.s32 @!p1 $0xFFFFCE00  }
0xa3: {  	_ =	swait.ge @!p1 [sflag:s1], $0x3200  }
0xa4: {  	[sflag:s1] =	ssyncset.done @!p1 $0x0  }
0xa5: {  	[sflag:s1] =	ssyncadd.s32 @!p1 $0xFFFFCE00  }
0xa6: {  	_ =	swait.ge [sflag:s20], $0x190  }
0xa7: {  	[sflag:s20] =	ssyncset.done $0x0  }
0xa8: {  	s7 =	simm.s32 $0x4B0;
	[sflag:s20] =	ssyncadd.s32 $0xFFFFFE70  }
0xa9: {  	[tilespmem:s24], [sflag:$0x8] =	stream.indirect.gather [hbm4b:s6+s25], $0x40, s7, s25, $0xb8;
	[tilespmem:$0x1C840] =	vst v63  }
0xaa: {  	s31 =	simm.s32 $0x14640;
	s23 =	simm.s32 $0x500  }
0xab: {  	[tilespmem:s31], [sflag:$0x8] =	stream.indirect.gather [hbm4b:s6+s25], $0x40, s23, s25, $0xb8;
	[tilespmem:$0x1C840] =	vst v63  }
0xac: {  	s23 =	simm.s32 $0x550;
	s31 =	simm.s32 $0x15A40  }
0xad: {  	[tilespmem:s31], [sflag:$0x8] =	stream.indirect.gather [hbm4b:s6+s25], $0x40, s23, s25, $0xb8;
	[tilespmem:$0x1C840] =	vst v63  }
0xae: {  	s7 =	simm.s32 $0x5A0;
	s23 =	simm.s32 $0x16E40  }
0xaf: {  	[tilespmem:s23], [sflag:$0x8] =	stream.indirect.gather [hbm4b:s6+s25], $0x40, s7, s25, $0xb8;
	[tilespmem:$0x1C840] =	vst v63  }
0xb0: {  	s31 =	simm.s32 $0x5F0  }
0xb1: {  	[tilespmem:s21], [sflag:$0x8] =	stream.indirect.gather [hbm4b:s6+s25], $0x40, s31, s25, $0xb8;
	[tilespmem:$0x1C840] =	vst v63  }
0xb2: {  	_ =	swait.ge [sflag:s26], $0x1400  }
0xb3: {  	[sflag:s26] =	ssyncset.done $0x0  }
0xb4: {  	[sflag:s26] =	ssyncadd.s32 $0xFFFFEC00  }
0xb5: {  	_ =	swait.ge [sflag:s26], $0x1400  }
0xb6: {  	[sflag:s26] =	ssyncset.done $0x0  }
0xb7: {  	[sflag:s26] =	ssyncadd.s32 $0xFFFFEC00  }
0xb8: {  	_ =	swait.ge [sflag:s26], $0x1400  }
0xb9: {  	[sflag:s26] =	ssyncset.done $0x0  }
0xba: {  	[sflag:s26] =	ssyncadd.s32 $0xFFFFEC00  }
0xbb: {  	_ =	swait.ge [sflag:s26], $0x1400  }
0xbc: {  	[sflag:s26] =	ssyncset.done $0x0  }
0xbd: {  	s1 =	sadd.s32 @!p0 s22, s14;
	[sflag:s26] =	ssyncadd.s32 $0xFFFFEC00  }
0xbe: {  	s1 =	sshrl.u32 @!p0 s1, $0x3;
	_ =	swait.ge [sflag:s26], $0x1400  }
0xbf: {  	s1 =	sadd.s32 @!p0 s5, s1;
	[sflag:s26] =	ssyncset.done $0x0  }
0xc0: {  	s23 =	simm.s32 @!p0 $0x0;
	s31 =	simm.s32 @!p0 $0x190;
	[sflag:s26] =	ssyncadd.s32 $0xFFFFEC00  }
0xc1: {  	[tilespmem:s31], [sflag:$0x2] =	stream.linear.gather @!p0 [hbm4b:s1+s23], $0x190, $0x38;
	[tilespmem:$0x1C840] =	vst v63  }
0xc2: {  	s23 =	simm.s32 $0x0;
	s1 =	simm.s32 $0x200  }
.LBB2_7:
0xc3: {  	p1 =	sne.s32 s1, $0xC600;
	v0 =	vld [tilespmem:s23+$0x196B0]  }
0xc4: {  	v1 =	vld [tilespmem:s23+$0x19640]  }
0xc5: {  	v2 =	vld [tilespmem:s23+$0x19650]  }
0xc6: {  	v3 =	vld [tilespmem:s23+$0x19660]  }
0xc7: {  	v4 =	vld [tilespmem:s23+$0x19670]  }
0xc8: {  	[tilespmem:s23+$0x6AB0] =	vst.add.f32.msk $0xffff, v0  }
0xc9: {  	v0 =	vld [tilespmem:s23+$0x19680]  }
0xca: {  	v5 =	vld [tilespmem:s23+$0x19690]  }
0xcb: {  	v6 =	vld [tilespmem:s23+$0x196A0]  }
0xcc: {  	[tilespmem:s23+$0x6A40] =	vst.add.f32.msk $0xffff, v1  }
0xcd: {  	[tilespmem:s23+$0x6A50] =	vst.add.f32.msk $0xffff, v2  }
.Ltmp2:
0xce: {  	[tilespmem:s23+$0x6A60] =	vst.add.f32.msk $0xffff, v3;
	(pc) =	sbr.rel @p1 .LBB2_7-.Ltmp2, $4  }
0xcf: {  	[tilespmem:s23+$0x6A70] =	vst.add.f32.msk $0xffff, v4  }
0xd0: {  	[tilespmem:s23+$0x6A80] =	vst.add.f32.msk $0xffff, v0  }
0xd1: {  	[tilespmem:s23+$0x6A90] =	vst.add.f32.msk $0xffff, v5  }
0xd2: {  	[tilespmem:s23+$0x6AA0] =	vst.add.f32.msk $0xffff, v6;
	s23 =	sshra.s32 s1, $0x2;
	s1 =	sadd.s32 $0x200, s1  }
0xd3: {  	v0 =	vld [tilespmem:s23+$0x196B0]  }
0xd4: {  	v1 =	vld [tilespmem:s23+$0x19640]  }
0xd5: {  	v2 =	vld [tilespmem:s23+$0x19650]  }
0xd6: {  	v3 =	vld [tilespmem:s23+$0x19660]  }
0xd7: {  	v4 =	vld [tilespmem:s23+$0x19670]  }
0xd8: {  	v63 =	vld [tilespmem:s23+$0x19680]  }
0xd9: {  	v5 =	vld [tilespmem:s23+$0x19690]  }
0xda: {  	v6 =	vld [tilespmem:s23+$0x196A0]  }
0xdb: {  	[tilespmem:s23+$0x6AB0] =	vst.add.f32.msk $0xffff, v0  }
0xdc: {  	[tilespmem:s23+$0x6A40] =	vst.add.f32.msk $0xffff, v1  }
0xdd: {  	[tilespmem:s23+$0x6A50] =	vst.add.f32.msk $0xffff, v2  }
0xde: {  	[tilespmem:s23+$0x6A60] =	vst.add.f32.msk $0xffff, v3  }
0xdf: {  	s1 =	sadd.s32 s22, s15;
	[tilespmem:s23+$0x6A70] =	vst.add.f32.msk $0xffff, v4  }
0xe0: {  	s31 =	sshll.u32 s1, $0x3;
	[tilespmem:s23+$0x6A80] =	vst.add.f32.msk $0xffff, v63  }
0xe1: {  	s1 =	sand.u32 $0x1FFFFE80, s31;
	[tilespmem:s23+$0x6A90] =	vst.add.f32.msk $0xffff, v5  }
0xe2: {  	s7 =	simm.s32 $0x6A40;
	s1 =	sadd.s32 s2, s1;
	[tilespmem:s23+$0x6AA0] =	vst.add.f32.msk $0xffff, v6;
	s23 =	simm.s32 $0x0  }
0xe3: {  	[hbm4b:s1+s23] =	stream.linear.scatter [tilespmem:s7], [sflag:$0xA], $0x3200, $0x38;
	[tilespmem:$0x1C840] =	vst v63  }
0xe4: {  	s23 =	simm.s32 $0x0;
	s1 =	simm.s32 $0x200  }
.LBB2_9:
0xe5: {  	p1 =	sne.s32 s1, $0xC600;
	v0 =	vld [tilespmem:s23+$0x196B0]  }
0xe6: {  	v1 =	vld [tilespmem:s23+$0x19640]  }
0xe7: {  	v2 =	vld [tilespmem:s23+$0x19650]  }
0xe8: {  	v3 =	vld [tilespmem:s23+$0x19660]  }
0xe9: {  	v4 =	vld [tilespmem:s23+$0x19670]  }
0xea: {  	[tilespmem:s23+$0x9CB0] =	vst.add.f32.msk $0xffff, v0  }
0xeb: {  	v0 =	vld [tilespmem:s23+$0x19680]  }
0xec: {  	v5 =	vld [tilespmem:s23+$0x19690]  }
0xed: {  	v6 =	vld [tilespmem:s23+$0x196A0]  }
0xee: {  	[tilespmem:s23+$0x9C40] =	vst.add.f32.msk $0xffff, v1  }
0xef: {  	[tilespmem:s23+$0x9C50] =	vst.add.f32.msk $0xffff, v2  }
.Ltmp3:
0xf0: {  	[tilespmem:s23+$0x9C60] =	vst.add.f32.msk $0xffff, v3;
	(pc) =	sbr.rel @p1 .LBB2_9-.Ltmp3, $4  }
0xf1: {  	[tilespmem:s23+$0x9C70] =	vst.add.f32.msk $0xffff, v4  }
0xf2: {  	[tilespmem:s23+$0x9C80] =	vst.add.f32.msk $0xffff, v0  }
0xf3: {  	[tilespmem:s23+$0x9C90] =	vst.add.f32.msk $0xffff, v5  }
0xf4: {  	[tilespmem:s23+$0x9CA0] =	vst.add.f32.msk $0xffff, v6;
	s23 =	sshra.s32 s1, $0x2;
	s1 =	sadd.s32 $0x200, s1  }
0xf5: {  	v0 =	vld [tilespmem:s23+$0x196B0]  }
0xf6: {  	v1 =	vld [tilespmem:s23+$0x19640]  }
0xf7: {  	v2 =	vld [tilespmem:s23+$0x19650]  }
0xf8: {  	v3 =	vld [tilespmem:s23+$0x19660]  }
0xf9: {  	v4 =	vld [tilespmem:s23+$0x19670]  }
0xfa: {  	v63 =	vld [tilespmem:s23+$0x19680]  }
0xfb: {  	v5 =	vld [tilespmem:s23+$0x19690]  }
0xfc: {  	v6 =	vld [tilespmem:s23+$0x196A0]  }
0xfd: {  	[tilespmem:s23+$0x9CB0] =	vst.add.f32.msk $0xffff, v0  }
0xfe: {  	[tilespmem:s23+$0x9C40] =	vst.add.f32.msk $0xffff, v1  }
0xff: {  	[tilespmem:s23+$0x9C50] =	vst.add.f32.msk $0xffff, v2  }
0x100: {  	[tilespmem:s23+$0x9C60] =	vst.add.f32.msk $0xffff, v3  }
0x101: {  	[tilespmem:s23+$0x9C70] =	vst.add.f32.msk $0xffff, v4  }
0x102: {  	[tilespmem:s23+$0x9C80] =	vst.add.f32.msk $0xffff, v63  }
0x103: {  	s1 =	sadd.s32 s31, s13;
	s31 =	sor.u32 $0x2, s30;
	[tilespmem:s23+$0x9C90] =	vst.add.f32.msk $0xffff, v5  }
0x104: {  	p1 =	sgt.u32 s31, $0x3D;
	[tilespmem:s23+$0x9CA0] =	vst.add.f32.msk $0xffff, v6  }
0x105: {  	[hbm4b:s1+s3] =	stream.linear.scatter [tilespmem:s9], [sflag:$0xA], $0x3200, $0x38;
	[tilespmem:$0x1C840] =	vst v63  }
0x106: {  	s1 =	simm.s32 @!p1 $0x9  }
0x107: {  	_ =	swait.ge @!p1 [sflag:s1], $0x3200  }
0x108: {  	[sflag:s1] =	ssyncset.done @!p1 $0x0  }
0x109: {  	[sflag:s1] =	ssyncadd.s32 @!p1 $0xFFFFCE00  }
0x10a: {  	_ =	swait.ge @!p1 [sflag:s1], $0x3200  }
0x10b: {  	[sflag:s1] =	ssyncset.done @!p1 $0x0  }
0x10c: {  	[sflag:s1] =	ssyncadd.s32 @!p1 $0xFFFFCE00;
	s1 =	simm.s32 @!p1 $0x1  }
0x10d: {  	_ =	swait.ge @!p1 [sflag:s1], $0x190  }
0x10e: {  	s7 =	simm.s32 @!p1 $0x640;
	[sflag:s1] =	ssyncset.done @!p1 $0x0  }
0x10f: {  	s23 =	simm.s32 @!p1 $0x0;
	[sflag:s1] =	ssyncadd.s32 @!p1 $0xFFFFFE70;
	s1 =	simm.s32 @!p1 $0x50  }
0x110: {  	[tilespmem:s7], [sflag:$0x5] =	stream.indirect.gather @!p1 [hbm4b:s6+s1], $0x40, s23, s1, $0xb8;
	[tilespmem:$0x1C840] =	vst v63  }
0x111: {  	s7 =	simm.s32 @!p1 $0x1A40  }
0x112: {  	[tilespmem:s7], [sflag:$0x5] =	stream.indirect.gather @!p1 [hbm4b:s6+s1], $0x40, s1, s1, $0xb8;
	[tilespmem:$0x1C840] =	vst v63  }
0x113: {  	s23 =	simm.s32 @!p1 $0x2E40;
	s7 =	simm.s32 @!p1 $0xA0  }
0x114: {  	[tilespmem:s23], [sflag:$0x5] =	stream.indirect.gather @!p1 [hbm4b:s6+s1], $0x40, s7, s1, $0xb8;
	[tilespmem:$0x1C840] =	vst v63  }
0x115: {  	s7 =	simm.s32 @!p1 $0xF0;
	s23 =	simm.s32 @!p1 $0x4240  }
0x116: {  	[tilespmem:s23], [sflag:$0x5] =	stream.indirect.gather @!p1 [hbm4b:s6+s1], $0x40, s7, s1, $0xb8;
	[tilespmem:$0x1C840] =	vst v63  }
0x117: {  	s7 =	simm.s32 @!p1 $0x140;
	s23 =	simm.s32 @!p1 $0x5640  }
0x118: {  	[tilespmem:s23], [sflag:$0x5] =	stream.indirect.gather @!p1 [hbm4b:s6+s1], $0x40, s7, s1, $0xb8;
	[tilespmem:$0x1C840] =	vst v63  }
0x119: {  	_ =	swait.ge [sflag:s10], $0x1400  }
0x11a: {  	[sflag:s10] =	ssyncset.done $0x0  }
0x11b: {  	[sflag:s10] =	ssyncadd.s32 $0xFFFFEC00  }
0x11c: {  	_ =	swait.ge [sflag:s10], $0x1400  }
0x11d: {  	[sflag:s10] =	ssyncset.done $0x0  }
0x11e: {  	[sflag:s10] =	ssyncadd.s32 $0xFFFFEC00  }
0x11f: {  	_ =	swait.ge [sflag:s10], $0x1400  }
0x120: {  	[sflag:s10] =	ssyncset.done $0x0  }
0x121: {  	[sflag:s10] =	ssyncadd.s32 $0xFFFFEC00  }
0x122: {  	_ =	swait.ge [sflag:s10], $0x1400  }
0x123: {  	[sflag:s10] =	ssyncset.done $0x0  }
0x124: {  	[sflag:s10] =	ssyncadd.s32 $0xFFFFEC00  }
0x125: {  	s1 =	sadd.s32 @!p0 s22, s16;
	_ =	swait.ge [sflag:s10], $0x1400  }
0x126: {  	s7 =	simm.s32 @!p0 $0x0;
	s1 =	sshrl.u32 @!p0 s1, $0x3;
	[sflag:s10] =	ssyncset.done $0x0  }
0x127: {  	s23 =	simm.s32 @!p0 $0x320;
	s1 =	sadd.s32 @!p0 s5, s1;
	[sflag:s10] =	ssyncadd.s32 $0xFFFFEC00  }
0x128: {  	[tilespmem:s23], [sflag:$0x3] =	stream.linear.gather @!p0 [hbm4b:s1+s7], $0x190, $0x38;
	[tilespmem:$0x1C840] =	vst v63  }
0x129: {  	s23 =	simm.s32 $0x0;
	s1 =	simm.s32 $0x200  }
.LBB2_11:
0x12a: {  	p1 =	sne.s32 s1, $0xC600;
	v0 =	vld [tilespmem:s23+$0x196B0]  }
0x12b: {  	v1 =	vld [tilespmem:s23+$0x19640]  }
0x12c: {  	v2 =	vld [tilespmem:s23+$0x19650]  }
0x12d: {  	v3 =	vld [tilespmem:s23+$0x19660]  }
0x12e: {  	v4 =	vld [tilespmem:s23+$0x19670]  }
0x12f: {  	[tilespmem:s23+$0xCEB0] =	vst.add.f32.msk $0xffff, v0  }
0x130: {  	v0 =	vld [tilespmem:s23+$0x19680]  }
0x131: {  	v5 =	vld [tilespmem:s23+$0x19690]  }
0x132: {  	v6 =	vld [tilespmem:s23+$0x196A0]  }
0x133: {  	[tilespmem:s23+$0xCE40] =	vst.add.f32.msk $0xffff, v1  }
0x134: {  	[tilespmem:s23+$0xCE50] =	vst.add.f32.msk $0xffff, v2  }
.Ltmp4:
0x135: {  	[tilespmem:s23+$0xCE60] =	vst.add.f32.msk $0xffff, v3;
	(pc) =	sbr.rel @p1 .LBB2_11-.Ltmp4, $4  }
0x136: {  	[tilespmem:s23+$0xCE70] =	vst.add.f32.msk $0xffff, v4  }
0x137: {  	[tilespmem:s23+$0xCE80] =	vst.add.f32.msk $0xffff, v0  }
0x138: {  	[tilespmem:s23+$0xCE90] =	vst.add.f32.msk $0xffff, v5  }
0x139: {  	[tilespmem:s23+$0xCEA0] =	vst.add.f32.msk $0xffff, v6;
	s23 =	sshra.s32 s1, $0x2;
	s1 =	sadd.s32 $0x200, s1  }
0x13a: {  	v0 =	vld [tilespmem:s23+$0x196B0]  }
0x13b: {  	v1 =	vld [tilespmem:s23+$0x19640]  }
0x13c: {  	v2 =	vld [tilespmem:s23+$0x19650]  }
0x13d: {  	v3 =	vld [tilespmem:s23+$0x19660]  }
0x13e: {  	v4 =	vld [tilespmem:s23+$0x19670]  }
0x13f: {  	v63 =	vld [tilespmem:s23+$0x19680]  }
0x140: {  	v5 =	vld [tilespmem:s23+$0x19690]  }
0x141: {  	v6 =	vld [tilespmem:s23+$0x196A0]  }
0x142: {  	[tilespmem:s23+$0xCEB0] =	vst.add.f32.msk $0xffff, v0  }
0x143: {  	[tilespmem:s23+$0xCE40] =	vst.add.f32.msk $0xffff, v1  }
0x144: {  	s1 =	smul.u32 $0x190, s31;
	[tilespmem:s23+$0xCE50] =	vst.add.f32.msk $0xffff, v2  }
0x145: {  	[tilespmem:s23+$0xCE60] =	vst.add.f32.msk $0xffff, v3  }
0x146: {  	s1 =	sadd.s32 s4, s1;
	[tilespmem:s23+$0xCE70] =	vst.add.f32.msk $0xffff, v4  }
0x147: {  	s31 =	sshll.u32 s1, $0x3;
	[tilespmem:s23+$0xCE80] =	vst.add.f32.msk $0xffff, v63  }
0x148: {  	s1 =	sand.u32 $0x1FFFFF00, s31;
	[tilespmem:s23+$0xCE90] =	vst.add.f32.msk $0xffff, v5  }
0x149: {  	s7 =	simm.s32 $0x0;
	[tilespmem:s23+$0xCEA0] =	vst.add.f32.msk $0xffff, v6;
	s1 =	sadd.s32 s2, s1  }
0x14a: {  	[hbm4b:s1+s7] =	stream.linear.scatter [tilespmem:s19], [sflag:$0xB], $0x3200, $0x38;
	[tilespmem:$0x1C840] =	vst v63  }
0x14b: {  	s23 =	simm.s32 $0x0;
	s1 =	simm.s32 $0x200  }
.LBB2_13:
0x14c: {  	p1 =	sne.s32 s1, $0xC600;
	v0 =	vld [tilespmem:s23+$0x196B0]  }
0x14d: {  	v1 =	vld [tilespmem:s23+$0x19640]  }
0x14e: {  	v2 =	vld [tilespmem:s23+$0x19650]  }
0x14f: {  	v3 =	vld [tilespmem:s23+$0x19660]  }
0x150: {  	v4 =	vld [tilespmem:s23+$0x19670]  }
0x151: {  	[tilespmem:s23+$0x100B0] =	vst.add.f32.msk $0xffff, v0  }
0x152: {  	v0 =	vld [tilespmem:s23+$0x19680]  }
0x153: {  	v5 =	vld [tilespmem:s23+$0x19690]  }
0x154: {  	v6 =	vld [tilespmem:s23+$0x196A0]  }
0x155: {  	[tilespmem:s23+$0x10040] =	vst.add.f32.msk $0xffff, v1  }
0x156: {  	[tilespmem:s23+$0x10050] =	vst.add.f32.msk $0xffff, v2  }
.Ltmp5:
0x157: {  	[tilespmem:s23+$0x10060] =	vst.add.f32.msk $0xffff, v3;
	(pc) =	sbr.rel @p1 .LBB2_13-.Ltmp5, $4  }
0x158: {  	[tilespmem:s23+$0x10070] =	vst.add.f32.msk $0xffff, v4  }
0x159: {  	[tilespmem:s23+$0x10080] =	vst.add.f32.msk $0xffff, v0  }
0x15a: {  	[tilespmem:s23+$0x10090] =	vst.add.f32.msk $0xffff, v5  }
0x15b: {  	[tilespmem:s23+$0x100A0] =	vst.add.f32.msk $0xffff, v6;
	s23 =	sshra.s32 s1, $0x2;
	s1 =	sadd.s32 $0x200, s1  }
0x15c: {  	v0 =	vld [tilespmem:s23+$0x196B0]  }
0x15d: {  	v1 =	vld [tilespmem:s23+$0x19640]  }
0x15e: {  	v2 =	vld [tilespmem:s23+$0x19650]  }
0x15f: {  	v3 =	vld [tilespmem:s23+$0x19660]  }
0x160: {  	v4 =	vld [tilespmem:s23+$0x19670]  }
0x161: {  	v63 =	vld [tilespmem:s23+$0x19680]  }
0x162: {  	v5 =	vld [tilespmem:s23+$0x19690]  }
0x163: {  	v6 =	vld [tilespmem:s23+$0x196A0]  }
0x164: {  	[tilespmem:s23+$0x100B0] =	vst.add.f32.msk $0xffff, v0  }
0x165: {  	[tilespmem:s23+$0x10040] =	vst.add.f32.msk $0xffff, v1  }
0x166: {  	[tilespmem:s23+$0x10050] =	vst.add.f32.msk $0xffff, v2  }
0x167: {  	[tilespmem:s23+$0x10060] =	vst.add.f32.msk $0xffff, v3  }
0x168: {  	[tilespmem:s23+$0x10070] =	vst.add.f32.msk $0xffff, v4  }
0x169: {  	[tilespmem:s23+$0x10080] =	vst.add.f32.msk $0xffff, v63  }
0x16a: {  	s30 =	sor.u32 $0x3, s30;
	[tilespmem:s23+$0x10090] =	vst.add.f32.msk $0xffff, v5  }
0x16b: {  	s1 =	sadd.s32 s31, s13;
	p1 =	sgt.u32 s30, $0x3D;
	[tilespmem:s23+$0x100A0] =	vst.add.f32.msk $0xffff, v6  }
0x16c: {  	[hbm4b:s1+s3] =	stream.linear.scatter [tilespmem:s11], [sflag:$0xB], $0x3200, $0x38;
	[tilespmem:$0x1C840] =	vst v63  }
0x16d: {  	s1 =	simm.s32 @!p1 $0xA  }
0x16e: {  	_ =	swait.ge @!p1 [sflag:s1], $0x3200  }
0x16f: {  	[sflag:s1] =	ssyncset.done @!p1 $0x0  }
0x170: {  	[sflag:s1] =	ssyncadd.s32 @!p1 $0xFFFFCE00  }
0x171: {  	_ =	swait.ge @!p1 [sflag:s1], $0x3200  }
0x172: {  	[sflag:s1] =	ssyncset.done @!p1 $0x0  }
0x173: {  	[sflag:s1] =	ssyncadd.s32 @!p1 $0xFFFFCE00;
	s1 =	simm.s32 @!p1 $0x2  }
0x174: {  	_ =	swait.ge @!p1 [sflag:s1], $0x190  }
0x175: {  	s7 =	simm.s32 @!p1 $0x190;
	[sflag:s1] =	ssyncset.done @!p1 $0x0  }
0x176: {  	s23 =	simm.s32 @!p1 $0x6A40;
	[sflag:s1] =	ssyncadd.s32 @!p1 $0xFFFFFE70;
	s1 =	simm.s32 @!p1 $0x50  }
0x177: {  	[tilespmem:s23], [sflag:$0x6] =	stream.indirect.gather @!p1 [hbm4b:s6+s1], $0x40, s7, s1, $0xb8;
	[tilespmem:$0x1C840] =	vst v63  }
0x178: {  	s7 =	simm.s32 @!p1 $0x1E0;
	s23 =	simm.s32 @!p1 $0x7E40  }
0x179: {  	[tilespmem:s23], [sflag:$0x6] =	stream.indirect.gather @!p1 [hbm4b:s6+s1], $0x40, s7, s1, $0xb8;
	[tilespmem:$0x1C840] =	vst v63  }
0x17a: {  	s7 =	simm.s32 @!p1 $0x230;
	s23 =	simm.s32 @!p1 $0x9240  }
0x17b: {  	[tilespmem:s23], [sflag:$0x6] =	stream.indirect.gather @!p1 [hbm4b:s6+s1], $0x40, s7, s1, $0xb8;
	[tilespmem:$0x1C840] =	vst v63  }
0x17c: {  	s7 =	simm.s32 @!p1 $0x280;
	s23 =	simm.s32 @!p1 $0xA640  }
0x17d: {  	[tilespmem:s23], [sflag:$0x6] =	stream.indirect.gather @!p1 [hbm4b:s6+s1], $0x40, s7, s1, $0xb8;
	[tilespmem:$0x1C840] =	vst v63  }
0x17e: {  	s7 =	simm.s32 @!p1 $0x2D0;
	s23 =	simm.s32 @!p1 $0xBA40  }
0x17f: {  	[tilespmem:s23], [sflag:$0x6] =	stream.indirect.gather @!p1 [hbm4b:s6+s1], $0x40, s7, s1, $0xb8;
	[tilespmem:$0x1C840] =	vst v63  }
0x180: {  	_ =	swait.ge [sflag:s8], $0x1400  }
0x181: {  	[sflag:s8] =	ssyncset.done $0x0  }
0x182: {  	[sflag:s8] =	ssyncadd.s32 $0xFFFFEC00  }
0x183: {  	_ =	swait.ge [sflag:s8], $0x1400  }
0x184: {  	[sflag:s8] =	ssyncset.done $0x0  }
0x185: {  	[sflag:s8] =	ssyncadd.s32 $0xFFFFEC00  }
0x186: {  	_ =	swait.ge [sflag:s8], $0x1400  }
0x187: {  	[sflag:s8] =	ssyncset.done $0x0  }
0x188: {  	[sflag:s8] =	ssyncadd.s32 $0xFFFFEC00  }
0x189: {  	_ =	swait.ge [sflag:s8], $0x1400  }
0x18a: {  	[sflag:s8] =	ssyncset.done $0x0  }
0x18b: {  	[sflag:s8] =	ssyncadd.s32 $0xFFFFEC00  }
0x18c: {  	s1 =	sadd.s32 @!p0 s22, s17;
	_ =	swait.ge [sflag:s8], $0x1400  }
0x18d: {  	s7 =	simm.s32 @!p0 $0x0;
	s1 =	sshrl.u32 @!p0 s1, $0x3;
	[sflag:s8] =	ssyncset.done $0x0  }
0x18e: {  	s22 =	simm.s32 @!p0 $0x4B0;
	s1 =	sadd.s32 @!p0 s5, s1;
	[sflag:s8] =	ssyncadd.s32 $0xFFFFEC00  }
0x18f: {  	[tilespmem:s22], [sflag:$0x4] =	stream.linear.gather @!p0 [hbm4b:s1+s7], $0x190, $0x38;
	[tilespmem:$0x1C840] =	vst v63  }
0x190: {  	s23 =	simm.s32 $0x0;
	s1 =	simm.s32 $0x200  }
.LBB2_15:
0x191: {  	p0 =	sne.s32 s1, $0xC600;
	v0 =	vld [tilespmem:s23+$0x196B0]  }
0x192: {  	v1 =	vld [tilespmem:s23+$0x19640]  }
0x193: {  	v2 =	vld [tilespmem:s23+$0x19650]  }
0x194: {  	v3 =	vld [tilespmem:s23+$0x19660]  }
0x195: {  	v4 =	vld [tilespmem:s23+$0x19670]  }
0x196: {  	[tilespmem:s23+$0x132B0] =	vst.add.f32.msk $0xffff, v0  }
0x197: {  	v0 =	vld [tilespmem:s23+$0x19680]  }
0x198: {  	v5 =	vld [tilespmem:s23+$0x19690]  }
0x199: {  	v6 =	vld [tilespmem:s23+$0x196A0]  }
0x19a: {  	[tilespmem:s23+$0x13240] =	vst.add.f32.msk $0xffff, v1  }
0x19b: {  	[tilespmem:s23+$0x13250] =	vst.add.f32.msk $0xffff, v2  }
.Ltmp6:
0x19c: {  	[tilespmem:s23+$0x13260] =	vst.add.f32.msk $0xffff, v3;
	(pc) =	sbr.rel @p0 .LBB2_15-.Ltmp6, $4  }
0x19d: {  	[tilespmem:s23+$0x13270] =	vst.add.f32.msk $0xffff, v4  }
0x19e: {  	[tilespmem:s23+$0x13280] =	vst.add.f32.msk $0xffff, v0  }
0x19f: {  	[tilespmem:s23+$0x13290] =	vst.add.f32.msk $0xffff, v5  }
0x1a0: {  	[tilespmem:s23+$0x132A0] =	vst.add.f32.msk $0xffff, v6;
	s23 =	sshra.s32 s1, $0x2;
	s1 =	sadd.s32 $0x200, s1  }
0x1a1: {  	v0 =	vld [tilespmem:s23+$0x196B0]  }
0x1a2: {  	v1 =	vld [tilespmem:s23+$0x19640]  }
0x1a3: {  	v2 =	vld [tilespmem:s23+$0x19650]  }
0x1a4: {  	v3 =	vld [tilespmem:s23+$0x19660]  }
0x1a5: {  	v4 =	vld [tilespmem:s23+$0x19670]  }
0x1a6: {  	v63 =	vld [tilespmem:s23+$0x19680]  }
0x1a7: {  	v5 =	vld [tilespmem:s23+$0x19690]  }
0x1a8: {  	v6 =	vld [tilespmem:s23+$0x196A0]  }
0x1a9: {  	[tilespmem:s23+$0x132B0] =	vst.add.f32.msk $0xffff, v0  }
0x1aa: {  	[tilespmem:s23+$0x13240] =	vst.add.f32.msk $0xffff, v1  }
0x1ab: {  	s1 =	smul.u32 $0x190, s30;
	[tilespmem:s23+$0x13250] =	vst.add.f32.msk $0xffff, v2  }
0x1ac: {  	[tilespmem:s23+$0x13260] =	vst.add.f32.msk $0xffff, v3  }
0x1ad: {  	s1 =	sadd.s32 s4, s1;
	[tilespmem:s23+$0x13270] =	vst.add.f32.msk $0xffff, v4  }
0x1ae: {  	s22 =	sshll.u32 s1, $0x3;
	[tilespmem:s23+$0x13280] =	vst.add.f32.msk $0xffff, v63  }
0x1af: {  	s1 =	sand.u32 $0x1FFFFF80, s22;
	[tilespmem:s23+$0x13290] =	vst.add.f32.msk $0xffff, v5  }
0x1b0: {  	s7 =	simm.s32 $0x0;
	[tilespmem:s23+$0x132A0] =	vst.add.f32.msk $0xffff, v6;
	s1 =	sadd.s32 s2, s1  }
0x1b1: {  	[hbm4b:s1+s7] =	stream.linear.scatter [tilespmem:s24], [sflag:$0xC], $0x3200, $0x38;
	[tilespmem:$0x1C840] =	vst v63  }
0x1b2: {  	s23 =	simm.s32 $0x0;
	s1 =	simm.s32 $0x200  }
.LBB2_17:
0x1b3: {  	p0 =	sne.s32 s1, $0xC600;
	v0 =	vld [tilespmem:s23+$0x196B0]  }
0x1b4: {  	v1 =	vld [tilespmem:s23+$0x19640]  }
0x1b5: {  	v2 =	vld [tilespmem:s23+$0x19650]  }
0x1b6: {  	v3 =	vld [tilespmem:s23+$0x19660]  }
0x1b7: {  	v4 =	vld [tilespmem:s23+$0x19670]  }
0x1b8: {  	[tilespmem:s23+$0x164B0] =	vst.add.f32.msk $0xffff, v0  }
0x1b9: {  	v0 =	vld [tilespmem:s23+$0x19680]  }
0x1ba: {  	v5 =	vld [tilespmem:s23+$0x19690]  }
0x1bb: {  	v6 =	vld [tilespmem:s23+$0x196A0]  }
0x1bc: {  	[tilespmem:s23+$0x16440] =	vst.add.f32.msk $0xffff, v1  }
0x1bd: {  	[tilespmem:s23+$0x16450] =	vst.add.f32.msk $0xffff, v2  }
.Ltmp7:
0x1be: {  	[tilespmem:s23+$0x16460] =	vst.add.f32.msk $0xffff, v3;
	(pc) =	sbr.rel @p0 .LBB2_17-.Ltmp7, $4  }
0x1bf: {  	[tilespmem:s23+$0x16470] =	vst.add.f32.msk $0xffff, v4  }
0x1c0: {  	[tilespmem:s23+$0x16480] =	vst.add.f32.msk $0xffff, v0  }
0x1c1: {  	[tilespmem:s23+$0x16490] =	vst.add.f32.msk $0xffff, v5  }
0x1c2: {  	[tilespmem:s23+$0x164A0] =	vst.add.f32.msk $0xffff, v6;
	s23 =	sshra.s32 s1, $0x2;
	s1 =	sadd.s32 $0x200, s1  }
0x1c3: {  	v0 =	vld [tilespmem:s23+$0x196B0]  }
0x1c4: {  	v1 =	vld [tilespmem:s23+$0x19640]  }
0x1c5: {  	v2 =	vld [tilespmem:s23+$0x19650]  }
0x1c6: {  	v3 =	vld [tilespmem:s23+$0x19660]  }
0x1c7: {  	v4 =	vld [tilespmem:s23+$0x19670]  }
0x1c8: {  	v63 =	vld [tilespmem:s23+$0x19680]  }
0x1c9: {  	v5 =	vld [tilespmem:s23+$0x19690]  }
0x1ca: {  	v6 =	vld [tilespmem:s23+$0x196A0]  }
0x1cb: {  	[tilespmem:s23+$0x164B0] =	vst.add.f32.msk $0xffff, v0  }
0x1cc: {  	[tilespmem:s23+$0x16440] =	vst.add.f32.msk $0xffff, v1  }
0x1cd: {  	s29 =	sadd.s32 $0x1, s29;
	[tilespmem:s23+$0x16450] =	vst.add.f32.msk $0xffff, v2  }
0x1ce: {  	p0 =	sne.s32 s29, $0x10;
	[tilespmem:s23+$0x16460] =	vst.add.f32.msk $0xffff, v3  }
.Ltmp8:
0x1cf: {  	[tilespmem:s23+$0x16470] =	vst.add.f32.msk $0xffff, v4;
	(pc) =	sbr.rel @p0 .LBB2_2-.Ltmp8, $4  }
0x1d0: {  	[tilespmem:s23+$0x16480] =	vst.add.f32.msk $0xffff, v63  }
0x1d1: {  	[tilespmem:s23+$0x16490] =	vst.add.f32.msk $0xffff, v5  }
0x1d2: {  	s1 =	sadd.s32 s22, s13;
	[tilespmem:s23+$0x164A0] =	vst.add.f32.msk $0xffff, v6  }
0x1d3: {  	[hbm4b:s1+s3] =	stream.linear.scatter [tilespmem:s28], [sflag:$0xC], $0x3200, $0x38;
	[tilespmem:$0x1C840] =	vst v63  }
0x1d4: {  	s1 =	simm.s32 $0x9  }
0x1d5: {  	_ =	swait.ge [sflag:s1], $0x3200  }
0x1d6: {  	[sflag:s1] =	ssyncset.done $0x0  }
0x1d7: {  	[sflag:s1] =	ssyncadd.s32 $0xFFFFCE00  }
0x1d8: {  	_ =	swait.ge [sflag:s1], $0x3200  }
0x1d9: {  	[sflag:s1] =	ssyncset.done $0x0  }
0x1da: {  	s29 =	simm.s32 $0xA;
	[sflag:s1] =	ssyncadd.s32 $0xFFFFCE00  }
0x1db: {  	_ =	swait.ge [sflag:s29], $0x3200  }
0x1dc: {  	[sflag:s29] =	ssyncset.done $0x0  }
0x1dd: {  	[sflag:s29] =	ssyncadd.s32 $0xFFFFCE00  }
0x1de: {  	_ =	swait.ge [sflag:s29], $0x3200  }
0x1df: {  	[sflag:s29] =	ssyncset.done $0x0  }
0x1e0: {  	s30 =	simm.s32 $0xB;
	[sflag:s29] =	ssyncadd.s32 $0xFFFFCE00  }
0x1e1: {  	_ =	swait.ge [sflag:s30], $0x3200  }
0x1e2: {  	[sflag:s30] =	ssyncset.done $0x0  }
0x1e3: {  	[sflag:s30] =	ssyncadd.s32 $0xFFFFCE00  }
0x1e4: {  	_ =	swait.ge [sflag:s30], $0x3200  }
0x1e5: {  	[sflag:s30] =	ssyncset.done $0x0  }
0x1e6: {  	s7 =	simm.s32 $0xC;
	[sflag:s30] =	ssyncadd.s32 $0xFFFFCE00  }
0x1e7: {  	_ =	swait.ge [sflag:s7], $0x3200  }
0x1e8: {  	[sflag:s7] =	ssyncset.done $0x0  }
0x1e9: {  	[sflag:s7] =	ssyncadd.s32 $0xFFFFCE00  }
0x1ea: {  	_ =	swait.ge [sflag:s7], $0x3200  }
0x1eb: {  	s22 =	rddreg [dreg:$0x9]  }
0x1ec: {  	s31 =	rddreg [dreg:$0x8];
	s22 =	sadd.s32 $0x1, s22  }
0x1ed: {  	p0 =	sne.s32 s22, s31  }
.Ltmp9:
0x1ee: {  	_ = 	snop;
	(pc) =	sbr.rel @p0 .LBB2_1-.Ltmp9, $3  }
0x1ef: {  	_ =	sdelay $0x1  }
0x1f0: {  	[sflag:s7] =	ssyncset.done $0x0  }
0x1f1: {  	[sflag:s7] =	ssyncadd.s32 $0xFFFFCE00  }
0x1f2: {  	_ =	sfence.sel $0x180000  }
0x1f3: {  	[bflag:$0x0] =	sbarrier.arrive $0xFFFF  }
0x1f4: {  	_ =	strace $0x90000047  }
0x1f5: {  	s0 =	stileid.u32;
	[bflag:$0x2] =	sbarrier.arrive $0xFFFF  }
0x1f6: {  	p0 =	sne.s32 s0, $0x0;
	s0 =	rddreg [dreg:$0x2]  }
0x1f7: {  	s0 =	sadd.s32 @!p0 $0x100000, s0  }
0x1f8: {  	[sflag:s0] =	ssyncadd.tile.s32 @!p0 $0x1;
	_ =	shalt  }
.Lfunc_end2:
_tile_overlayer_lowered:
.L_overlay_start_2:
0x1f9: {  	(tag) =	ssettag $0x2  }
0x1fa: {  	s0 =	rddreg [dreg:$0x0];
	s2 =	stileid.u32  }
0x1fb: {  	s1 =	rddreg [dreg:$0x1];
	p0 =	sne.s32 s2, $0x0  }
0x1fc: {  	s3 =	rddreg [dreg:$0x2];
	[bflag:$0x3] =	sbarrier.arrive $0xFFFF;
	s2 =	simm.s32 @!p0 $0x1C0D  }
0x1fd: {  	[timem:s3], [sflag:s2] =	dma.local @!p0 [hbm:s0], s1  }
0x1fe: {  	s0 =	simm.s32 @!p0 $0xD  }
0x1ff: {  	_ =	swait.ge @!p0 [sflag:s0], s1  }
0x200: {  	s1 =	ssub.s32 @!p0 $0x0, s1;
	[sflag:s0] =	ssyncset.done @!p0 $0x0  }
0x201: {  	[sflag:s0] =	ssyncadd.s32 @!p0 s1  }
0x202: {  	[bflag:$0x3] =	sbarrier.arrive $0xFFFF  }
0x203: {  	_ =	shalt  }

// kernel: sparse-core-data-format-call.cloned.1.call-start
scs
called_computation_lowered:
.L_overlay_start_0:
0x0: {  	s2 =	sld [smem:$0x3FD9]  }
0x1: {  	s3 =	sld [smem:$0x3FFE];
	_ =	sdelay $0x1  }
0x2: {  	s1 =	srdreg.scid  }
0x3: {  	s0 =	sand.u32 $0x1, s1  }
0x4: {  	s18 =	sshll.u32 s0, $0xA;
	s2 =	sadd.s32 s3, s2  }
0x5: {  	s2 =	sadd.s32 s2, s18  }
0x6: {  	[smem:$0x3FC5] =	sst s2  }
0x7: {  	_ = 	snop  }
0x8: {  	s2 =	sld [smem:$0x3FD0];
	(tm) =	ssettm $0x1  }
0x9: {  	s19 =	sld [smem:$0x3FFB];
	_ =	sdelay $0x3  }
0xa: {  	_ =	strace s19  }
0xb: {  	s3 =	sld [smem:$0x3FFC];
	_ =	sdelay $0x3  }
0xc: {  	_ =	strace s3  }
0xd: {  	s3 =	sld [smem:$0x3FFD];
	_ =	sdelay $0x3  }
0xe: {  	_ =	strace s3  }
0xf: {  	_ =	strace $0x8FFFFFFF  }
0x10: {  	s20 =	sld [smem:$0x3FDB];
	_ =	sdelay $0x1  }
0x11: {  	s4 =	simm.s32 $_scs_section_size  }
0x12: {  	s5 =	simm.s32 $_size__tile_overlayer_lowered;
	s6 =	simm.s32 $_tile_overlayer_lowered  }
0x13: {  	s23 =	simm.s32 $0x1BFF;
	s22 =	sshll.u32 s6, $0x1;
	s3 =	sadd.s32 s4, s20  }
0x14: {  	s7 =	simm.s32 $0x0;
	s21 =	sshll.u32 s5, $0x1;
	s5 =	sadd.s32 s22, s3  }
0x15: {  	[timem:s7], [sflag:s23] =	dma.local [hbm:s5], s21  }
0x16: {  	_ =	swait.ge [sflag:s23], s21  }
0x17: {  	s4 =	ssub.s32 $0x0, s21;
	[sflag:s23] =	ssyncset.done $0x0  }
0x18: {  	[sflag:s23] =	ssyncadd.s32 s4;
	_ =	sdelay $0x1  }
0x19: {  	s24 =	simm.s32 $0x1B8B  }
0x1a: {  	_ =	swait.ge [sflag:s24], $0x1  }
0x1b: {  	[sflag:s24] =	ssyncset.done $0x0  }
0x1c: {  	s26 =	simm.s32 $0x1B8E;
	s25 =	sld [smem:$0x3FFE];
	[sflag:s24] =	ssyncadd.s32 $0xFFFFFFFF  }
0x1d: {  	s27 =	simm.s32 $execute0_lowered;
	[smem:$0x3FD2] =	sst s26  }
0x1e: {  	s5 =	sshll.u32 s27, $0x1;
	_ =	strace $0x80000049;
	[dreg:$0x1] =	wrdreg $0xFFFFFFFF  }
0x1f: {  	s28 =	simm.s32 $_size_execute0_lowered;
	s3 =	sadd.s32 s3, s5;
	[dreg:$0x0] =	wrdreg $0x0  }
0x20: {  	s5 =	sshll.u32 s28, $0x1;
	[dreg:$0x2] =	wrdreg s3  }
0x21: {  	[dreg:$0x3] =	wrdreg s5  }
0x22: {  	[dreg:$0x4] =	wrdreg $0xC0  }
0x23: {  	_ =	task [dreg:s7], $0x5FFFF  }
0x24: {  	[dreg:$0x1] =	wrdreg $0xFFFFFFFF  }
0x25: {  	[dreg:$0x0] =	wrdreg $0x60  }
0x26: {  	[dreg:$0x2] =	wrdreg s25  }
0x27: {  	[dreg:$0x3] =	wrdreg s2  }
0x28: {  	[dreg:$0x4] =	wrdreg $0x9  }
0x29: {  	_ =	task.clear_ibuf [dreg:s7], $0x5FFFF;
	_ =	strace $0x90000049  }
0x2a: {  	s29 =	simm.s32 $0x9;
	_ =	strace $0x8000004B  }
0x2b: {  	_ =	swait.ge [sflag:s29], $0x1  }
0x2c: {  	[sflag:s29] =	ssyncadd.s32 $0xFFFFFFFF  }
0x2d: {  	_ =	strace $0x9000004B  }
0x2e: {  	_ =	sfence  }
0x2f: {  	s30 =	sld [smem:$0x0];
	_ =	sdelay $0x2  }
0x30: {  	s31 =	sshll.u32 s1, $0xD;
	s1 =	sshrl.u32 s1, $0x2  }
0x31: {  	s3 =	sand.u32 $0x4000, s31;
	s1 =	sadd.s32 s1, s30  }
0x32: {  	s0 =	sor.u32 s3, s0;
	s1 =	sshll.u32 s1, $0x11  }
0x33: {  	s0 =	sor.u32 s1, s0  }
0x34: {  	s0 =	sadd.s32 $0x8F2B, s0  }
0x35: {  	[sflag:s0] =	ssyncadd.remote.s32 $0x1  }
0x36: {  	_ =	sfence.sel $0xFFFF  }
0x37: {  	[dreg:$0x0] =	wrdreg $0xFFFFFFFF;
	(pc) =	sbr.abs _section_cstart, $3  }
0x38: {  	[dreg:$0x1] =	wrdreg $0xFFFFFFFF  }
0x39: {  	_ =	task.clear_ibuf [dreg:s7], $0x2FFFF;
	_ =	strace $0x9FFFFFFF  }
0x3a: {  	(tm) =	ssettm $0x7FFFFFFF  }
0x3b: {  	_ =	shalt  }
tec
execute0_lowered:
.L_overlay_start_1:
0x0: {  	(tag) =	ssettag $0x1  }
0x1: {  	s0 =	srdreg.scid  }
0x2: {  	s1 =	sshll.u32 s0, $0x4  }
0x3: {  	s0 =	stileid.u32;
	s1 =	sand.u32 $0x10, s1  }
0x4: {  	s1 =	sor.u32 s0, s1  }
0x5: {  	s6 =	rddreg [dreg:$0x0];
	s4 =	simm.s32 $0x1;
	s2 =	sshll.u32 s1, $0x7  }
0x6: {  	s7 =	simm.s32 $0x2;
	s12 =	simm.s32 $0x0;
	s1 =	ssub.s32 $0x1000, s2  }
0x7: {  	s8 =	simm.s32 $0x8000;
	s13 =	simm.s32 $0x0;
	s3 =	sand.u32 $0xF80, s1  }
0x8: {  	s9 =	simm.s32 $0x0;
	s5 =	sshrl.u32 s1, $0xC;
	p0 =	sne.s32 s3, $0x0  }
.Ltmp0:
0x9: {  	s1 =	rddreg [dreg:$0x2];
	s4 =	simm.s32 @!p0 $0x0;
	(pc) =	sbr.rel .LBB1_1-.Ltmp0, $4  }
0xa: {  	s11 =	simm.s32 $0x0;
	s3 =	rddreg [dreg:$0x1];
	s5 =	sadd.s32 s4, s5  }
0xb: {  	_ =	strace $0x8000004A;
	s4 =	simm.s32 $0x1;
	s5 =	smul.u32 $0xC8, s5  }
0xc: {  	s6 =	sadd.s32 $0x800, s6;
	s10 =	smov.u32 s2;
	[sflag:s4] =	ssyncpa.u1 $0x0  }
0xd: {  	p0 =	por $0x0, $0x0;
	[sflag:s7] =	ssyncpa.u1 $0x0;
	s7 =	sor.u32 $0x1, s5  }
.LBB1_4:
0xe: {  	s16 =	sshll.u32 s13, $0x3;
	s17 =	sand.u32 $0x78, s13  }
0xf: {  	s30 =	sand.u32 $0x7E00, s13;
	s12 =	sshll.u32 s12, $0xF;
	s16 =	sand.u32 $0xC00, s16  }
0x10: {  	[tilespmem:s15+$0x810 ss:$0x81] =	vst.msk $0xffff, v2;
	s31 =	sand.u32 $0x7, s13;
	s16 =	sor.u32 s17, s16;
	s17 =	sadd.s32 s3, s30  }
0x11: {  	[tilespmem:s15+$0x1020 ss:$0x81] =	vst.msk $0xffff, v0;
	s13 =	sshll.u32 s31, $0x12;
	s12 =	sadd.s32 s12, s17;
	s16 =	sshrl.u32 s16, $0x3  }
0x12: {  	[tilespmem:s15+$0x0 ss:$0x81] =	vst.msk $0xffff, v1;
	s13 =	sor.u32 $0x400, s13;
	s12 =	sadd.s32 s16, s12  }
0x13: {  	[hbm4b:s12+s13] =	stream.strided.scatter [tilespmem:s14], [sflag:$0x2], $0x2000, s8, s13, $0x20;
	[tilespmem:$0x8080] =	vst v63  }
.LBB1_5:
0x14: {  	s14 =	sadd.s32 $0x1, s9  }
0x15: {  	s12 =	sadd.s32 $0x1000, s10;
	s16 =	smov.u32 s10;
	p2 =	sgt.s32 s14, $0xC7  }
0x16: {  	s16 =	smov.u32 @p2 s12  }
0x17: {  	s14 =	simm.s32 @p2 $0x0;
	p2 =	sgt.s32 s16, $0xFFF  }
0x18: {  	s16 =	smov.u32 @p2 s2;
	p2 =	sne.s32 s11, s7  }
.Ltmp1:
0x19: {  	p1 =	slt.u32 s11, $0x2;
	(pc) =	sbr.rel @!p2 .LBB1_6-.Ltmp1, $4  }
0x1a: {  	s15 =	simm.s32 @!p1 $0x2  }
0x1b: {  	s13 =	smov.u32 s10;
	p0 =	por !p0, !p0;
	_ =	swait.ge @!p1 [sflag:s15], $0x2000  }
0x1c: {  	s12 =	smov.u32 s9;
	[sflag:s15] =	ssyncset.done @!p1 $0x0;
	s9 =	smov.u32 s14  }
0x1d: {  	s11 =	sadd.s32 $0x1, s11;
	[sflag:s15] =	ssyncadd.s32 @!p1 $0xFFFFE000;
	s10 =	smov.u32 s16  }
.LBB1_1:
0x1e: {  	p1 =	sge.u32 s11, s5  }
0x1f: {  	s14 =	sand.u32 @!p1 $0x1FFFFFF, s9  }
0x20: {  	s15 =	smulhi.u32 @!p1 $0x147AE15, s14;
	_ =	sdelay $0x1  }
0x21: {  	s15 =	smul.u32 @!p1 $0xC8, s15  }
0x22: {  	s16 =	sxor.u32 @!p1 $0xFFFFFFFF, s11;
	s17 =	smul.u32 @!p1 $0xC80, s10  }
0x23: {  	s31 =	sadd.s32 $0xFFFFFFFF, s11;
	s16 =	sshll.u32 @!p1 s16, $0xD;
	s14 =	ssub.s32 @!p1 s14, s15  }
0x24: {  	s15 =	sand.u32 @!p1 $0x2000, s16;
	s16 =	sadd.s32 @!p1 s6, s17;
	s14 =	sshll.u32 @!p1 s14, $0x4  }
0x25: {  	s17 =	simm.s32 @!p1 $0x6400;
	s14 =	sadd.s32 @!p1 s14, s16;
	s16 =	simm.s32 @!p1 $0x40  }
0x26: {  	[tilespmem:s15], [sflag:$0x1] =	stream.strided.gather @!p1 [hbm4b:s14+s16], $0x2000, s17, s16, $0x38;
	[tilespmem:$0x8080] =	vst v63  }
0x27: {  	p1 =	sge.u32 s31, s5  }
.Ltmp2:
0x28: {  	_ = 	snop;
	(pc) =	sbr.rel @p1 .LBB1_5-.Ltmp2, $1  }
0x29: {  	_ =	sdelay $0x3  }
0x2a: {  	s14 =	simm.s32 $0x1  }
0x2b: {  	_ =	swait.ge [sflag:s4], $0x2000;
	s14 =	simm.s32 @!p0 $0x0  }
0x2c: {  	[sflag:s4] =	ssyncset.done $0x0;
	s15 =	sshll.u32 s14, $0xD  }
0x2d: {  	[sflag:s4] =	ssyncadd.s32 $0xFFFFE000;
	s18 =	sor.u32 $0x20, s15  }
0x2e: {  	s14 =	smul.u32 $0x8100, s14;
	v3 =	vld [tilespmem:s18+$0x10]  }
0x2f: {  	s30 =	sand.u32 $0x1, s11;
	v2 =	vld [tilespmem:s18+$0xFFFFFFF0]  }
0x30: {  	s15 =	smul.u32 $0x8100, s30;
	s14 =	sshrl.u32 s14, $0x2;
	v0 =	vld [tilespmem:s18+$0x0]  }
0x31: {  	v1 =	vld [tilespmem:s18+$0xFFFFFFE0];
	s16 =	sor.u32 $0x4000, s14  }
0x32: {  	s31 =	sshrl.u32 s15, $0x2;
	s15 =	sadd.s32 $0x0, s16  }
0x33: {  	s17 =	simm.s32 $0x4;
	s18 =	sadd.s32 $0x40, s18;
	s14 =	sor.u32 $0x4000, s31;
	[tilespmem:s15+$0x1830 ss:$0x81] =	vst.msk $0xffff, v3  }
.LBB1_3:
0x34: {  	v3 =	vld [tilespmem:s18+$0x10];
	p1 =	sne.s32 s17, $0x1FC;
	[tilespmem:s15+$0x810 ss:$0x81] =	vst.msk $0xffff, v2;
	s19 =	smov.u32 s17;
	s17 =	sadd.s32 $0x4, s17  }
.Ltmp3:
0x35: {  	v2 =	vld [tilespmem:s18+$0xFFFFFFF0];
	[tilespmem:s15+$0x1020 ss:$0x81] =	vst.msk $0xffff, v0;
	(pc) =	sbr.rel @p1 .LBB1_3-.Ltmp3, $4  }
0x36: {  	v0 =	vld [tilespmem:s18+$0x0];
	[tilespmem:s15+$0x0 ss:$0x81] =	vst.msk $0xffff, v1  }
0x37: {  	s15 =	sshra.s32 s19, $0x2;
	v1 =	vld [tilespmem:s18+$0xFFFFFFE0]  }
0x38: {  	s15 =	sadd.s32 s15, s16  }
0x39: {  	s18 =	sadd.s32 $0x40, s18;
	[tilespmem:s15+$0x1830 ss:$0x81] =	vst.msk $0xffff, v3  }
.Ltmp4:
0x3a: {  	_ = 	snop;
	(pc) =	sbr.rel .LBB1_4-.Ltmp4, $1  }
0x3b: {  	_ =	sdelay $0x3  }
.LBB1_6:
0x3c: {  	_ =	sfence.sel $0x180000  }
0x3d: {  	s2 =	simm.s32 $0x1;
	[bflag:$0x0] =	sbarrier.arrive $0xFFFF  }
0x3e: {  	s31 =	simm.s32 $0x2;
	[sflag:s2] =	ssyncpa.u1 $0x1  }
0x3f: {  	[sflag:s31] =	ssyncpa.u1 $0x1  }
0x40: {  	p0 =	sne.s32 s0, $0x0;
	_ =	strace $0x9000004A  }
0x41: {  	s0 =	sadd.s32 @!p0 $0x100000, s1;
	[bflag:$0x2] =	sbarrier.arrive $0xFFFF  }
0x42: {  	[sflag:s0] =	ssyncadd.tile.s32 @!p0 $0x1;
	_ =	shalt  }
.Lfunc_end1:
_tile_overlayer_lowered:
.L_overlay_start_2:
0x43: {  	(tag) =	ssettag $0x2  }
0x44: {  	s0 =	rddreg [dreg:$0x0];
	s2 =	stileid.u32  }
0x45: {  	s1 =	rddreg [dreg:$0x1];
	p0 =	sne.s32 s2, $0x0  }
0x46: {  	s3 =	rddreg [dreg:$0x2];
	[bflag:$0x3] =	sbarrier.arrive $0xFFFF;
	s2 =	simm.s32 @!p0 $0x1C01  }
0x47: {  	[timem:s3], [sflag:s2] =	dma.local @!p0 [hbm:s0], s1  }
0x48: {  	s0 =	simm.s32 @!p0 $0x1  }
0x49: {  	_ =	swait.ge @!p0 [sflag:s0], s1  }
0x4a: {  	s1 =	ssub.s32 @!p0 $0x0, s1;
	[sflag:s0] =	ssyncset.done @!p0 $0x0  }
0x4b: {  	[sflag:s0] =	ssyncadd.s32 @!p0 s1  }
0x4c: {  	[bflag:$0x3] =	sbarrier.arrive $0xFFFF  }
0x4d: {  	_ =	shalt  }

</sc_bundles>
